<compile_context>
chip_gen: v7x
topology: tpu7x:2x2x1
jax: 0.10.2.dev20260603
libtpu: 0.0.44.dev20260713+nightly
codegen_flags: <defaults>
</compile_context>

<pallas_src>
import functools

import jax
import jax.numpy as jnp
from jax import lax
from jax.experimental import pallas as pl
from jax.experimental.pallas import tpu as pltpu
from jax.experimental.pallas import tpu_sc as plsc

_NUM = 1000000
_DIM = 32
_BATCH = 16384
_HIST = 50

_NC = 2
_NS = 16
_NW = _NC * _NS

_ROWS_PER_W = _BATCH // _NW
_GROUP_ROWS = 32
_N_GROUPS = _ROWS_PER_W // _GROUP_ROWS
_NPAIRS = _N_GROUPS // 2


@functools.partial(
    pl.kernel,
    mesh=plsc.VectorSubcoreMesh(core_axis_name="c", subcore_axis_name="s"),
    out_type=jax.ShapeDtypeStruct((1, _BATCH, _HIST, _DIM), jnp.float32),
    scratch_types=[
        pltpu.VMEM((_GROUP_ROWS, _HIST), jnp.int32),
        pltpu.VMEM((_GROUP_ROWS, _HIST), jnp.int32),
        pltpu.VMEM((_GROUP_ROWS, _HIST, _DIM), jnp.float32),
        pltpu.VMEM((_GROUP_ROWS, _HIST, _DIM), jnp.float32),
        pltpu.SemaphoreType.DMA,
        pltpu.SemaphoreType.DMA,
        pltpu.SemaphoreType.DMA,
        pltpu.SemaphoreType.DMA,
    ],
    compiler_params=pltpu.CompilerParams(use_tc_tiling_on_sc=False),
)
def _embed_gather(idx_hbm, table_hbm, out_hbm,
                  idx_v0, idx_v1, rows_v0, rows_v1,
                  gsem0, gsem1, wsem0, wsem1):
    wid = lax.axis_index("s") * _NC + lax.axis_index("c")
    w_row0 = wid * _ROWS_PER_W
    idx_v = (idx_v0, idx_v1)
    rows_v = (rows_v0, rows_v1)
    gsem = (gsem0, gsem1)
    wsem = (wsem0, wsem1)

    def fire(b, row0):
        pltpu.sync_copy(idx_hbm.at[pl.ds(row0, _GROUP_ROWS)], idx_v[b])
        for j in range(_GROUP_ROWS):
            pltpu.async_copy(
                table_hbm.at[idx_v[b].at[j]], rows_v[b].at[j], gsem[b]
            )

    def drain(b):
        pltpu.make_async_copy(
            out_hbm.at[0, pl.ds(0, _GROUP_ROWS)], rows_v[b], gsem[b]
        ).wait()

    for b in range(2):
        fire(b, w_row0 + b * _GROUP_ROWS)

    def pair_body(i, carry):
        for b in range(2):
            row0 = w_row0 + (2 * i + b) * _GROUP_ROWS
            drain(b)
            pltpu.async_copy(
                rows_v[b], out_hbm.at[0, pl.ds(row0, _GROUP_ROWS)], wsem[b]
            ).wait()
            fire(b, row0 + 2 * _GROUP_ROWS)
        return carry

    lax.fori_loop(0, _NPAIRS - 1, pair_body, 0)

    for b in range(2):
        row0 = w_row0 + (_N_GROUPS - 2 + b) * _GROUP_ROWS
        drain(b)
        pltpu.async_copy(
            rows_v[b], out_hbm.at[0, pl.ds(row0, _GROUP_ROWS)], wsem[b]
        ).wait()


def kernel(idx_list, table):
    return _embed_gather(idx_list, table)

# --- scband reference (transcript-rebuilt; emitter-appended) ---
"""Pipeline reference for scband-common-embedding-59768764891741 (READ-ONLY COPY).

The authoritative reference and input builder live on the scoring server;
editing this copy changes nothing except your own understanding.
"""

import jax, jax.numpy as jnp
import numpy as np

NUM = 1000000
EMBED_DIM = 32
BATCH = 16384
HIST = 50

def setup_inputs(seed: int = 0) -> dict:
    key = jax.random.key(seed)
    k1, k2 = jax.random.split(key)
    idx_list = jax.random.randint(k1, (BATCH, HIST), 0, NUM, dtype=jnp.int64 if jax.config.jax_enable_x64 else jnp.int32)
    table = jax.random.normal(k2, (NUM, EMBED_DIM), dtype=jnp.float32) * 0.02
    # padding_idx=0: row 0 is held at zero
    table = table.at[0].set(0.0)
    return {"idx_list": idx_list, "table": table}

def reference(idx_list, table):
    # torch: idx_list = torch.LongTensor([idx_list]) adds a leading dim of size 1
    idx = idx_list[None, ...]
    # enforce padding_idx=0 semantics (row 0 embedding is zero)
    t = table.at[0].set(0.0)
    embed_list = jnp.take(t, idx, axis=0)
    return embed_list

if __name__ == "__main__":
    import jax
    _d = setup_inputs()
    print(jax.jit(kernel)(*tuple(_d.values())))

</pallas_src>

<mosaic_0001>
#map = affine_map<(d0, d1) -> (0, 0)>
#map1 = affine_map<(d0, d1) -> (0, 0, 0, 0)>
module attributes {stable_mosaic.version = 14 : i64} {
  func.func @_embed_gather(%arg0: i32, %arg1: i32, %arg2: memref<16384x50xi32, #tpu.memory_space<hbm>>, %arg3: memref<1000000x32xf32, #tpu.memory_space<hbm>>, %arg4: memref<1x16384x50x32xf32, #tpu.memory_space<hbm>>, %arg5: memref<32x50xi32, #tpu.memory_space<vmem>>, %arg6: memref<32x50xi32, #tpu.memory_space<vmem>>, %arg7: memref<32x50x32xf32, #tpu.memory_space<vmem>>, %arg8: memref<32x50x32xf32, #tpu.memory_space<vmem>>, %arg9: memref<!tpu.dma_semaphore, #tpu.memory_space<semaphore_mem>>, %arg10: memref<!tpu.dma_semaphore, #tpu.memory_space<semaphore_mem>>, %arg11: memref<!tpu.dma_semaphore, #tpu.memory_space<semaphore_mem>>, %arg12: memref<!tpu.dma_semaphore, #tpu.memory_space<semaphore_mem>>) attributes {dimension_semantics = [#tpu.dimension_semantics<core_parallel>, #tpu.dimension_semantics<subcore_parallel>], iteration_bounds = array<i64: 2, 16>, scalar_prefetch = 0 : i64, scratch_operands = 8 : i64, tpu.core_type = #tpu.core_type<sc_vector_subcore>, window_params = [{transform_indices = #map}, {transform_indices = #map}, {transform_indices = #map1}]} {
    %mul3A = arith.constant 2 : i32
    %mul3A_0 = arith.muli %arg1, %mul3A : i32
    %add3A = arith.addi %mul3A_0, %arg0 : i32
    %mul3A_1 = arith.constant 512 : i32
    %mul3A_2 = arith.muli %add3A, %mul3A_1 : i32
    %add3A_3 = arith.constant 0 : i32
    %add3A_4 = arith.addi %mul3A_2, %add3A_3 : i32
    "tpu.region"() ({
      %run_scoped3A = tpu.sem_alloc : memref<!tpu.dma_semaphore, #tpu.memory_space<semaphore_mem>>
      %dma_start3A_840 = arith.constant 0 : i32
      %dma_start3A_841 = tpu.memref_slice %arg2[%add3A_4, %dma_start3A_840] : memref<16384x50xi32, #tpu.memory_space<hbm>> -> memref<32x50xi32, #tpu.memory_space<hbm>>
      %dma_start3A_842 = arith.constant 0 : i32
      %dma_start3A_843 = tpu.memref_slice %arg2[%add3A_4, %dma_start3A_842] : memref<16384x50xi32, #tpu.memory_space<hbm>> -> memref<32x50xi32, #tpu.memory_space<hbm>>
      tpu.enqueue_dma source(%dma_start3A_843 : memref<32x50xi32, #tpu.memory_space<hbm>>) target(%arg5 : memref<32x50xi32, #tpu.memory_space<vmem>>) target_semaphore(%run_scoped3A : memref<!tpu.dma_semaphore, #tpu.memory_space<semaphore_mem>>)
      %dma_wait3A_844 = arith.constant 0 : i32
      %dma_wait3A_845 = tpu.memref_slice %arg2[%add3A_4, %dma_wait3A_844] : memref<16384x50xi32, #tpu.memory_space<hbm>> -> memref<32x50xi32, #tpu.memory_space<hbm>>
      %dma_wait3A_846 = arith.constant 0 : i32
      %dma_wait3A_847 = tpu.memref_slice %arg2[%add3A_4, %dma_wait3A_846] : memref<16384x50xi32, #tpu.memory_space<hbm>> -> memref<32x50xi32, #tpu.memory_space<hbm>>
      tpu.wait_dma2 semaphore(%run_scoped3A : memref<!tpu.dma_semaphore, #tpu.memory_space<semaphore_mem>>) src(%dma_wait3A_847 : memref<32x50xi32, #tpu.memory_space<hbm>>) dst(%arg5 : memref<32x50xi32, #tpu.memory_space<vmem>>)
      tpu.yield
    }) : () -> ()
    %dma_start3A = arith.constant 0 : i32
    %dma_start3A_5 = arith.constant 0 : i32
    %dma_start3A_6 = arith.constant 0 : i32
    %dma_start3A_7 = arith.constant 0 : i32
    %dma_start3A_8 = tpu.memref_slice %arg7[%dma_start3A_5, %dma_start3A_6, %dma_start3A_7] : memref<32x50x32xf32, #tpu.memory_space<vmem>> -> memref<1x50x32xf32, #tpu.memory_space<vmem>>
    %dma_start3A_9 = tpu.memref_squeeze %dma_start3A_8 : memref<1x50x32xf32, #tpu.memory_space<vmem>> -> memref<50x32xf32, #tpu.memory_space<vmem>>
    %dma_start3A_10 = arith.constant 0 : i32
    %dma_start3A_11 = tpu.memref_slice %arg5[%dma_start3A, %dma_start3A_10] : memref<32x50xi32, #tpu.memory_space<vmem>> -> memref<1x50xi32, #tpu.memory_space<vmem>>
    %dma_start3A_12 = tpu.memref_squeeze %dma_start3A_11 : memref<1x50xi32, #tpu.memory_space<vmem>> -> memref<50xi32, #tpu.memory_space<vmem>>
    %dma_start3A_13 = arith.constant 0 : i32
    %dma_start3A_14 = arith.constant 0 : i32
    %dma_start3A_15 = tpu.memref_slice %arg3[%dma_start3A_13, %dma_start3A_14] : memref<1000000x32xf32, #tpu.memory_space<hbm>> -> memref<1000000x32xf32, #tpu.memory_space<hbm>>
    tpu.enqueue_indirect_dma source(%dma_start3A_15 : memref<1000000x32xf32, #tpu.memory_space<hbm>>) target(%dma_start3A_9 : memref<50x32xf32, #tpu.memory_space<vmem>>) offsets(%dma_start3A_12 : memref<50xi32, #tpu.memory_space<vmem>>) semaphore(%arg9 : memref<!tpu.dma_semaphore, #tpu.memory_space<semaphore_mem>>)
    %dma_start3A_16 = arith.constant 1 : i32
    %dma_start3A_17 = arith.constant 1 : i32
    %dma_start3A_18 = arith.constant 0 : i32
    %dma_start3A_19 = arith.constant 0 : i32
    %dma_start3A_20 = tpu.memref_slice %arg7[%dma_start3A_17, %dma_start3A_18, %dma_start3A_19] : memref<32x50x32xf32, #tpu.memory_space<vmem>> -> memref<1x50x32xf32, #tpu.memory_space<vmem>>
    %dma_start3A_21 = tpu.memref_squeeze %dma_start3A_20 : memref<1x50x32xf32, #tpu.memory_space<vmem>> -> memref<50x32xf32, #tpu.memory_space<vmem>>
    %dma_start3A_22 = arith.constant 0 : i32
    %dma_start3A_23 = tpu.memref_slice %arg5[%dma_start3A_16, %dma_start3A_22] : memref<32x50xi32, #tpu.memory_space<vmem>> -> memref<1x50xi32, #tpu.memory_space<vmem>>
    %dma_start3A_24 = tpu.memref_squeeze %dma_start3A_23 : memref<1x50xi32, #tpu.memory_space<vmem>> -> memref<50xi32, #tpu.memory_space<vmem>>
    %dma_start3A_25 = arith.constant 0 : i32
    %dma_start3A_26 = arith.constant 0 : i32
    %dma_start3A_27 = tpu.memref_slice %arg3[%dma_start3A_25, %dma_start3A_26] : memref<1000000x32xf32, #tpu.memory_space<hbm>> -> memref<1000000x32xf32, #tpu.memory_space<hbm>>
    tpu.enqueue_indirect_dma source(%dma_start3A_27 : memref<1000000x32xf32, #tpu.memory_space<hbm>>) target(%dma_start3A_21 : memref<50x32xf32, #tpu.memory_space<vmem>>) offsets(%dma_start3A_24 : memref<50xi32, #tpu.memory_space<vmem>>) semaphore(%arg9 : memref<!tpu.dma_semaphore, #tpu.memory_space<semaphore_mem>>)
    %dma_start3A_28 = arith.constant 2 : i32
    %dma_start3A_29 = arith.constant 2 : i32
    %dma_start3A_30 = arith.constant 0 : i32
    %dma_start3A_31 = arith.constant 0 : i32
    %dma_start3A_32 = tpu.memref_slice %arg7[%dma_start3A_29, %dma_start3A_30, %dma_start3A_31] : memref<32x50x32xf32, #tpu.memory_space<vmem>> -> memref<1x50x32xf32, #tpu.memory_space<vmem>>
    %dma_start3A_33 = tpu.memref_squeeze %dma_start3A_32 : memref<1x50x32xf32, #tpu.memory_space<vmem>> -> memref<50x32xf32, #tpu.memory_space<vmem>>
    %dma_start3A_34 = arith.constant 0 : i32
    %dma_start3A_35 = tpu.memref_slice %arg5[%dma_start3A_28, %dma_start3A_34] : memref<32x50xi32, #tpu.memory_space<vmem>> -> memref<1x50xi32, #tpu.memory_space<vmem>>
    %dma_start3A_36 = tpu.memref_squeeze %dma_start3A_35 : memref<1x50xi32, #tpu.memory_space<vmem>> -> memref<50xi32, #tpu.memory_space<vmem>>
    %dma_start3A_37 = arith.constant 0 : i32
    %dma_start3A_38 = arith.constant 0 : i32
    %dma_start3A_39 = tpu.memref_slice %arg3[%dma_start3A_37, %dma_start3A_38] : memref<1000000x32xf32, #tpu.memory_space<hbm>> -> memref<1000000x32xf32, #tpu.memory_space<hbm>>
    tpu.enqueue_indirect_dma source(%dma_start3A_39 : memref<1000000x32xf32, #tpu.memory_space<hbm>>) target(%dma_start3A_33 : memref<50x32xf32, #tpu.memory_space<vmem>>) offsets(%dma_start3A_36 : memref<50xi32, #tpu.memory_space<vmem>>) semaphore(%arg9 : memref<!tpu.dma_semaphore, #tpu.memory_space<semaphore_mem>>)
    %dma_start3A_40 = arith.constant 3 : i32
    %dma_start3A_41 = arith.constant 3 : i32
    %dma_start3A_42 = arith.constant 0 : i32
    %dma_start3A_43 = arith.constant 0 : i32
    %dma_start3A_44 = tpu.memref_slice %arg7[%dma_start3A_41, %dma_start3A_42, %dma_start3A_43] : memref<32x50x32xf32, #tpu.memory_space<vmem>> -> memref<1x50x32xf32, #tpu.memory_space<vmem>>
    %dma_start3A_45 = tpu.memref_squeeze %dma_start3A_44 : memref<1x50x32xf32, #tpu.memory_space<vmem>> -> memref<50x32xf32, #tpu.memory_space<vmem>>
    %dma_start3A_46 = arith.constant 0 : i32
    %dma_start3A_47 = tpu.memref_slice %arg5[%dma_start3A_40, %dma_start3A_46] : memref<32x50xi32, #tpu.memory_space<vmem>> -> memref<1x50xi32, #tpu.memory_space<vmem>>
    %dma_start3A_48 = tpu.memref_squeeze %dma_start3A_47 : memref<1x50xi32, #tpu.memory_space<vmem>> -> memref<50xi32, #tpu.memory_space<vmem>>
    %dma_start3A_49 = arith.constant 0 : i32
    %dma_start3A_50 = arith.constant 0 : i32
    %dma_start3A_51 = tpu.memref_slice %arg3[%dma_start3A_49, %dma_start3A_50] : memref<1000000x32xf32, #tpu.memory_space<hbm>> -> memref<1000000x32xf32, #tpu.memory_space<hbm>>
    tpu.enqueue_indirect_dma source(%dma_start3A_51 : memref<1000000x32xf32, #tpu.memory_space<hbm>>) target(%dma_start3A_45 : memref<50x32xf32, #tpu.memory_space<vmem>>) offsets(%dma_start3A_48 : memref<50xi32, #tpu.memory_space<vmem>>) semaphore(%arg9 : memref<!tpu.dma_semaphore, #tpu.memory_space<semaphore_mem>>)
    %dma_start3A_52 = arith.constant 4 : i32
    %dma_start3A_53 = arith.constant 4 : i32
    %dma_start3A_54 = arith.constant 0 : i32
    %dma_start3A_55 = arith.constant 0 : i32
    %dma_start3A_56 = tpu.memref_slice %arg7[%dma_start3A_53, %dma_start3A_54, %dma_start3A_55] : memref<32x50x32xf32, #tpu.memory_space<vmem>> -> memref<1x50x32xf32, #tpu.memory_space<vmem>>
    %dma_start3A_57 = tpu.memref_squeeze %dma_start3A_56 : memref<1x50x32xf32, #tpu.memory_space<vmem>> -> memref<50x32xf32, #tpu.memory_space<vmem>>
    %dma_start3A_58 = arith.constant 0 : i32
    %dma_start3A_59 = tpu.memref_slice %arg5[%dma_start3A_52, %dma_start3A_58] : memref<32x50xi32, #tpu.memory_space<vmem>> -> memref<1x50xi32, #tpu.memory_space<vmem>>
    %dma_start3A_60 = tpu.memref_squeeze %dma_start3A_59 : memref<1x50xi32, #tpu.memory_space<vmem>> -> memref<50xi32, #tpu.memory_space<vmem>>
    %dma_start3A_61 = arith.constant 0 : i32
    %dma_start3A_62 = arith.constant 0 : i32
    %dma_start3A_63 = tpu.memref_slice %arg3[%dma_start3A_61, %dma_start3A_62] : memref<1000000x32xf32, #tpu.memory_space<hbm>> -> memref<1000000x32xf32, #tpu.memory_space<hbm>>
    tpu.enqueue_indirect_dma source(%dma_start3A_63 : memref<1000000x32xf32, #tpu.memory_space<hbm>>) target(%dma_start3A_57 : memref<50x32xf32, #tpu.memory_space<vmem>>) offsets(%dma_start3A_60 : memref<50xi32, #tpu.memory_space<vmem>>) semaphore(%arg9 : memref<!tpu.dma_semaphore, #tpu.memory_space<semaphore_mem>>)
    %dma_start3A_64 = arith.constant 5 : i32
    %dma_start3A_65 = arith.constant 5 : i32
    %dma_start3A_66 = arith.constant 0 : i32
    %dma_start3A_67 = arith.constant 0 : i32
    %dma_start3A_68 = tpu.memref_slice %arg7[%dma_start3A_65, %dma_start3A_66, %dma_start3A_67] : memref<32x50x32xf32, #tpu.memory_space<vmem>> -> memref<1x50x32xf32, #tpu.memory_space<vmem>>
    %dma_start3A_69 = tpu.memref_squeeze %dma_start3A_68 : memref<1x50x32xf32, #tpu.memory_space<vmem>> -> memref<50x32xf32, #tpu.memory_space<vmem>>
    %dma_start3A_70 = arith.constant 0 : i32
    %dma_start3A_71 = tpu.memref_slice %arg5[%dma_start3A_64, %dma_start3A_70] : memref<32x50xi32, #tpu.memory_space<vmem>> -> memref<1x50xi32, #tpu.memory_space<vmem>>
    %dma_start3A_72 = tpu.memref_squeeze %dma_start3A_71 : memref<1x50xi32, #tpu.memory_space<vmem>> -> memref<50xi32, #tpu.memory_space<vmem>>
    %dma_start3A_73 = arith.constant 0 : i32
    %dma_start3A_74 = arith.constant 0 : i32
    %dma_start3A_75 = tpu.memref_slice %arg3[%dma_start3A_73, %dma_start3A_74] : memref<1000000x32xf32, #tpu.memory_space<hbm>> -> memref<1000000x32xf32, #tpu.memory_space<hbm>>
    tpu.enqueue_indirect_dma source(%dma_start3A_75 : memref<1000000x32xf32, #tpu.memory_space<hbm>>) target(%dma_start3A_69 : memref<50x32xf32, #tpu.memory_space<vmem>>) offsets(%dma_start3A_72 : memref<50xi32, #tpu.memory_space<vmem>>) semaphore(%arg9 : memref<!tpu.dma_semaphore, #tpu.memory_space<semaphore_mem>>)
    %dma_start3A_76 = arith.constant 6 : i32
    %dma_start3A_77 = arith.constant 6 : i32
    %dma_start3A_78 = arith.constant 0 : i32
    %dma_start3A_79 = arith.constant 0 : i32
    %dma_start3A_80 = tpu.memref_slice %arg7[%dma_start3A_77, %dma_start3A_78, %dma_start3A_79] : memref<32x50x32xf32, #tpu.memory_space<vmem>> -> memref<1x50x32xf32, #tpu.memory_space<vmem>>
    %dma_start3A_81 = tpu.memref_squeeze %dma_start3A_80 : memref<1x50x32xf32, #tpu.memory_space<vmem>> -> memref<50x32xf32, #tpu.memory_space<vmem>>
    %dma_start3A_82 = arith.constant 0 : i32
    %dma_start3A_83 = tpu.memref_slice %arg5[%dma_start3A_76, %dma_start3A_82] : memref<32x50xi32, #tpu.memory_space<vmem>> -> memref<1x50xi32, #tpu.memory_space<vmem>>
    %dma_start3A_84 = tpu.memref_squeeze %dma_start3A_83 : memref<1x50xi32, #tpu.memory_space<vmem>> -> memref<50xi32, #tpu.memory_space<vmem>>
    %dma_start3A_85 = arith.constant 0 : i32
    %dma_start3A_86 = arith.constant 0 : i32
    %dma_start3A_87 = tpu.memref_slice %arg3[%dma_start3A_85, %dma_start3A_86] : memref<1000000x32xf32, #tpu.memory_space<hbm>> -> memref<1000000x32xf32, #tpu.memory_space<hbm>>
    tpu.enqueue_indirect_dma source(%dma_start3A_87 : memref<1000000x32xf32, #tpu.memory_space<hbm>>) target(%dma_start3A_81 : memref<50x32xf32, #tpu.memory_space<vmem>>) offsets(%dma_start3A_84 : memref<50xi32, #tpu.memory_space<vmem>>) semaphore(%arg9 : memref<!tpu.dma_semaphore, #tpu.memory_space<semaphore_mem>>)
    %dma_start3A_88 = arith.constant 7 : i32
    %dma_start3A_89 = arith.constant 7 : i32
    %dma_start3A_90 = arith.constant 0 : i32
    %dma_start3A_91 = arith.constant 0 : i32
    %dma_start3A_92 = tpu.memref_slice %arg7[%dma_start3A_89, %dma_start3A_90, %dma_start3A_91] : memref<32x50x32xf32, #tpu.memory_space<vmem>> -> memref<1x50x32xf32, #tpu.memory_space<vmem>>
    %dma_start3A_93 = tpu.memref_squeeze %dma_start3A_92 : memref<1x50x32xf32, #tpu.memory_space<vmem>> -> memref<50x32xf32, #tpu.memory_space<vmem>>
    %dma_start3A_94 = arith.constant 0 : i32
    %dma_start3A_95 = tpu.memref_slice %arg5[%dma_start3A_88, %dma_start3A_94] : memref<32x50xi32, #tpu.memory_space<vmem>> -> memref<1x50xi32, #tpu.memory_space<vmem>>
    %dma_start3A_96 = tpu.memref_squeeze %dma_start3A_95 : memref<1x50xi32, #tpu.memory_space<vmem>> -> memref<50xi32, #tpu.memory_space<vmem>>
    %dma_start3A_97 = arith.constant 0 : i32
    %dma_start3A_98 = arith.constant 0 : i32
    %dma_start3A_99 = tpu.memref_slice %arg3[%dma_start3A_97, %dma_start3A_98] : memref<1000000x32xf32, #tpu.memory_space<hbm>> -> memref<1000000x32xf32, #tpu.memory_space<hbm>>
    tpu.enqueue_indirect_dma source(%dma_start3A_99 : memref<1000000x32xf32, #tpu.memory_space<hbm>>) target(%dma_start3A_93 : memref<50x32xf32, #tpu.memory_space<vmem>>) offsets(%dma_start3A_96 : memref<50xi32, #tpu.memory_space<vmem>>) semaphore(%arg9 : memref<!tpu.dma_semaphore, #tpu.memory_space<semaphore_mem>>)
    %dma_start3A_100 = arith.constant 8 : i32
    %dma_start3A_101 = arith.constant 8 : i32
    %dma_start3A_102 = arith.constant 0 : i32
    %dma_start3A_103 = arith.constant 0 : i32
    %dma_start3A_104 = tpu.memref_slice %arg7[%dma_start3A_101, %dma_start3A_102, %dma_start3A_103] : memref<32x50x32xf32, #tpu.memory_space<vmem>> -> memref<1x50x32xf32, #tpu.memory_space<vmem>>
    %dma_start3A_105 = tpu.memref_squeeze %dma_start3A_104 : memref<1x50x32xf32, #tpu.memory_space<vmem>> -> memref<50x32xf32, #tpu.memory_space<vmem>>
    %dma_start3A_106 = arith.constant 0 : i32
    %dma_start3A_107 = tpu.memref_slice %arg5[%dma_start3A_100, %dma_start3A_106] : memref<32x50xi32, #tpu.memory_space<vmem>> -> memref<1x50xi32, #tpu.memory_space<vmem>>
    %dma_start3A_108 = tpu.memref_squeeze %dma_start3A_107 : memref<1x50xi32, #tpu.memory_space<vmem>> -> memref<50xi32, #tpu.memory_space<vmem>>
    %dma_start3A_109 = arith.constant 0 : i32
    %dma_start3A_110 = arith.constant 0 : i32
    %dma_start3A_111 = tpu.memref_slice %arg3[%dma_start3A_109, %dma_start3A_110] : memref<1000000x32xf32, #tpu.memory_space<hbm>> -> memref<1000000x32xf32, #tpu.memory_space<hbm>>
    tpu.enqueue_indirect_dma source(%dma_start3A_111 : memref<1000000x32xf32, #tpu.memory_space<hbm>>) target(%dma_start3A_105 : memref<50x32xf32, #tpu.memory_space<vmem>>) offsets(%dma_start3A_108 : memref<50xi32, #tpu.memory_space<vmem>>) semaphore(%arg9 : memref<!tpu.dma_semaphore, #tpu.memory_space<semaphore_mem>>)
    %dma_start3A_112 = arith.constant 9 : i32
    %dma_start3A_113 = arith.constant 9 : i32
    %dma_start3A_114 = arith.constant 0 : i32
    %dma_start3A_115 = arith.constant 0 : i32
    %dma_start3A_116 = tpu.memref_slice %arg7[%dma_start3A_113, %dma_start3A_114, %dma_start3A_115] : memref<32x50x32xf32, #tpu.memory_space<vmem>> -> memref<1x50x32xf32, #tpu.memory_space<vmem>>
    %dma_start3A_117 = tpu.memref_squeeze %dma_start3A_116 : memref<1x50x32xf32, #tpu.memory_space<vmem>> -> memref<50x32xf32, #tpu.memory_space<vmem>>
    %dma_start3A_118 = arith.constant 0 : i32
    %dma_start3A_119 = tpu.memref_slice %arg5[%dma_start3A_112, %dma_start3A_118] : memref<32x50xi32, #tpu.memory_space<vmem>> -> memref<1x50xi32, #tpu.memory_space<vmem>>
    %dma_start3A_120 = tpu.memref_squeeze %dma_start3A_119 : memref<1x50xi32, #tpu.memory_space<vmem>> -> memref<50xi32, #tpu.memory_space<vmem>>
    %dma_start3A_121 = arith.constant 0 : i32
    %dma_start3A_122 = arith.constant 0 : i32
    %dma_start3A_123 = tpu.memref_slice %arg3[%dma_start3A_121, %dma_start3A_122] : memref<1000000x32xf32, #tpu.memory_space<hbm>> -> memref<1000000x32xf32, #tpu.memory_space<hbm>>
    tpu.enqueue_indirect_dma source(%dma_start3A_123 : memref<1000000x32xf32, #tpu.memory_space<hbm>>) target(%dma_start3A_117 : memref<50x32xf32, #tpu.memory_space<vmem>>) offsets(%dma_start3A_120 : memref<50xi32, #tpu.memory_space<vmem>>) semaphore(%arg9 : memref<!tpu.dma_semaphore, #tpu.memory_space<semaphore_mem>>)
    %dma_start3A_124 = arith.constant 10 : i32
    %dma_start3A_125 = arith.constant 10 : i32
    %dma_start3A_126 = arith.constant 0 : i32
    %dma_start3A_127 = arith.constant 0 : i32
    %dma_start3A_128 = tpu.memref_slice %arg7[%dma_start3A_125, %dma_start3A_126, %dma_start3A_127] : memref<32x50x32xf32, #tpu.memory_space<vmem>> -> memref<1x50x32xf32, #tpu.memory_space<vmem>>
    %dma_start3A_129 = tpu.memref_squeeze %dma_start3A_128 : memref<1x50x32xf32, #tpu.memory_space<vmem>> -> memref<50x32xf32, #tpu.memory_space<vmem>>
    %dma_start3A_130 = arith.constant 0 : i32
    %dma_start3A_131 = tpu.memref_slice %arg5[%dma_start3A_124, %dma_start3A_130] : memref<32x50xi32, #tpu.memory_space<vmem>> -> memref<1x50xi32, #tpu.memory_space<vmem>>
    %dma_start3A_132 = tpu.memref_squeeze %dma_start3A_131 : memref<1x50xi32, #tpu.memory_space<vmem>> -> memref<50xi32, #tpu.memory_space<vmem>>
    %dma_start3A_133 = arith.constant 0 : i32
    %dma_start3A_134 = arith.constant 0 : i32
    %dma_start3A_135 = tpu.memref_slice %arg3[%dma_start3A_133, %dma_start3A_134] : memref<1000000x32xf32, #tpu.memory_space<hbm>> -> memref<1000000x32xf32, #tpu.memory_space<hbm>>
    tpu.enqueue_indirect_dma source(%dma_start3A_135 : memref<1000000x32xf32, #tpu.memory_space<hbm>>) target(%dma_start3A_129 : memref<50x32xf32, #tpu.memory_space<vmem>>) offsets(%dma_start3A_132 : memref<50xi32, #tpu.memory_space<vmem>>) semaphore(%arg9 : memref<!tpu.dma_semaphore, #tpu.memory_space<semaphore_mem>>)
    %dma_start3A_136 = arith.constant 11 : i32
    %dma_start3A_137 = arith.constant 11 : i32
    %dma_start3A_138 = arith.constant 0 : i32
    %dma_start3A_139 = arith.constant 0 : i32
    %dma_start3A_140 = tpu.memref_slice %arg7[%dma_start3A_137, %dma_start3A_138, %dma_start3A_139] : memref<32x50x32xf32, #tpu.memory_space<vmem>> -> memref<1x50x32xf32, #tpu.memory_space<vmem>>
    %dma_start3A_141 = tpu.memref_squeeze %dma_start3A_140 : memref<1x50x32xf32, #tpu.memory_space<vmem>> -> memref<50x32xf32, #tpu.memory_space<vmem>>
    %dma_start3A_142 = arith.constant 0 : i32
    %dma_start3A_143 = tpu.memref_slice %arg5[%dma_start3A_136, %dma_start3A_142] : memref<32x50xi32, #tpu.memory_space<vmem>> -> memref<1x50xi32, #tpu.memory_space<vmem>>
    %dma_start3A_144 = tpu.memref_squeeze %dma_start3A_143 : memref<1x50xi32, #tpu.memory_space<vmem>> -> memref<50xi32, #tpu.memory_space<vmem>>
    %dma_start3A_145 = arith.constant 0 : i32
    %dma_start3A_146 = arith.constant 0 : i32
    %dma_start3A_147 = tpu.memref_slice %arg3[%dma_start3A_145, %dma_start3A_146] : memref<1000000x32xf32, #tpu.memory_space<hbm>> -> memref<1000000x32xf32, #tpu.memory_space<hbm>>
    tpu.enqueue_indirect_dma source(%dma_start3A_147 : memref<1000000x32xf32, #tpu.memory_space<hbm>>) target(%dma_start3A_141 : memref<50x32xf32, #tpu.memory_space<vmem>>) offsets(%dma_start3A_144 : memref<50xi32, #tpu.memory_space<vmem>>) semaphore(%arg9 : memref<!tpu.dma_semaphore, #tpu.memory_space<semaphore_mem>>)
    %dma_start3A_148 = arith.constant 12 : i32
    %dma_start3A_149 = arith.constant 12 : i32
    %dma_start3A_150 = arith.constant 0 : i32
    %dma_start3A_151 = arith.constant 0 : i32
    %dma_start3A_152 = tpu.memref_slice %arg7[%dma_start3A_149, %dma_start3A_150, %dma_start3A_151] : memref<32x50x32xf32, #tpu.memory_space<vmem>> -> memref<1x50x32xf32, #tpu.memory_space<vmem>>
    %dma_start3A_153 = tpu.memref_squeeze %dma_start3A_152 : memref<1x50x32xf32, #tpu.memory_space<vmem>> -> memref<50x32xf32, #tpu.memory_space<vmem>>
    %dma_start3A_154 = arith.constant 0 : i32
    %dma_start3A_155 = tpu.memref_slice %arg5[%dma_start3A_148, %dma_start3A_154] : memref<32x50xi32, #tpu.memory_space<vmem>> -> memref<1x50xi32, #tpu.memory_space<vmem>>
    %dma_start3A_156 = tpu.memref_squeeze %dma_start3A_155 : memref<1x50xi32, #tpu.memory_space<vmem>> -> memref<50xi32, #tpu.memory_space<vmem>>
    %dma_start3A_157 = arith.constant 0 : i32
    %dma_start3A_158 = arith.constant 0 : i32
    %dma_start3A_159 = tpu.memref_slice %arg3[%dma_start3A_157, %dma_start3A_158] : memref<1000000x32xf32, #tpu.memory_space<hbm>> -> memref<1000000x32xf32, #tpu.memory_space<hbm>>
    tpu.enqueue_indirect_dma source(%dma_start3A_159 : memref<1000000x32xf32, #tpu.memory_space<hbm>>) target(%dma_start3A_153 : memref<50x32xf32, #tpu.memory_space<vmem>>) offsets(%dma_start3A_156 : memref<50xi32, #tpu.memory_space<vmem>>) semaphore(%arg9 : memref<!tpu.dma_semaphore, #tpu.memory_space<semaphore_mem>>)
    %dma_start3A_160 = arith.constant 13 : i32
    %dma_start3A_161 = arith.constant 13 : i32
    %dma_start3A_162 = arith.constant 0 : i32
    %dma_start3A_163 = arith.constant 0 : i32
    %dma_start3A_164 = tpu.memref_slice %arg7[%dma_start3A_161, %dma_start3A_162, %dma_start3A_163] : memref<32x50x32xf32, #tpu.memory_space<vmem>> -> memref<1x50x32xf32, #tpu.memory_space<vmem>>
    %dma_start3A_165 = tpu.memref_squeeze %dma_start3A_164 : memref<1x50x32xf32, #tpu.memory_space<vmem>> -> memref<50x32xf32, #tpu.memory_space<vmem>>
    %dma_start3A_166 = arith.constant 0 : i32
    %dma_start3A_167 = tpu.memref_slice %arg5[%dma_start3A_160, %dma_start3A_166] : memref<32x50xi32, #tpu.memory_space<vmem>> -> memref<1x50xi32, #tpu.memory_space<vmem>>
    %dma_start3A_168 = tpu.memref_squeeze %dma_start3A_167 : memref<1x50xi32, #tpu.memory_space<vmem>> -> memref<50xi32, #tpu.memory_space<vmem>>
    %dma_start3A_169 = arith.constant 0 : i32
    %dma_start3A_170 = arith.constant 0 : i32
    %dma_start3A_171 = tpu.memref_slice %arg3[%dma_start3A_169, %dma_start3A_170] : memref<1000000x32xf32, #tpu.memory_space<hbm>> -> memref<1000000x32xf32, #tpu.memory_space<hbm>>
    tpu.enqueue_indirect_dma source(%dma_start3A_171 : memref<1000000x32xf32, #tpu.memory_space<hbm>>) target(%dma_start3A_165 : memref<50x32xf32, #tpu.memory_space<vmem>>) offsets(%dma_start3A_168 : memref<50xi32, #tpu.memory_space<vmem>>) semaphore(%arg9 : memref<!tpu.dma_semaphore, #tpu.memory_space<semaphore_mem>>)
    %dma_start3A_172 = arith.constant 14 : i32
    %dma_start3A_173 = arith.constant 14 : i32
    %dma_start3A_174 = arith.constant 0 : i32
    %dma_start3A_175 = arith.constant 0 : i32
    %dma_start3A_176 = tpu.memref_slice %arg7[%dma_start3A_173, %dma_start3A_174, %dma_start3A_175] : memref<32x50x32xf32, #tpu.memory_space<vmem>> -> memref<1x50x32xf32, #tpu.memory_space<vmem>>
    %dma_start3A_177 = tpu.memref_squeeze %dma_start3A_176 : memref<1x50x32xf32, #tpu.memory_space<vmem>> -> memref<50x32xf32, #tpu.memory_space<vmem>>
    %dma_start3A_178 = arith.constant 0 : i32
    %dma_start3A_179 = tpu.memref_slice %arg5[%dma_start3A_172, %dma_start3A_178] : memref<32x50xi32, #tpu.memory_space<vmem>> -> memref<1x50xi32, #tpu.memory_space<vmem>>
    %dma_start3A_180 = tpu.memref_squeeze %dma_start3A_179 : memref<1x50xi32, #tpu.memory_space<vmem>> -> memref<50xi32, #tpu.memory_space<vmem>>
    %dma_start3A_181 = arith.constant 0 : i32
    %dma_start3A_182 = arith.constant 0 : i32
    %dma_start3A_183 = tpu.memref_slice %arg3[%dma_start3A_181, %dma_start3A_182] : memref<1000000x32xf32, #tpu.memory_space<hbm>> -> memref<1000000x32xf32, #tpu.memory_space<hbm>>
    tpu.enqueue_indirect_dma source(%dma_start3A_183 : memref<1000000x32xf32, #tpu.memory_space<hbm>>) target(%dma_start3A_177 : memref<50x32xf32, #tpu.memory_space<vmem>>) offsets(%dma_start3A_180 : memref<50xi32, #tpu.memory_space<vmem>>) semaphore(%arg9 : memref<!tpu.dma_semaphore, #tpu.memory_space<semaphore_mem>>)
    %dma_start3A_184 = arith.constant 15 : i32
    %dma_start3A_185 = arith.constant 15 : i32
    %dma_start3A_186 = arith.constant 0 : i32
    %dma_start3A_187 = arith.constant 0 : i32
    %dma_start3A_188 = tpu.memref_slice %arg7[%dma_start3A_185, %dma_start3A_186, %dma_start3A_187] : memref<32x50x32xf32, #tpu.memory_space<vmem>> -> memref<1x50x32xf32, #tpu.memory_space<vmem>>
    %dma_start3A_189 = tpu.memref_squeeze %dma_start3A_188 : memref<1x50x32xf32, #tpu.memory_space<vmem>> -> memref<50x32xf32, #tpu.memory_space<vmem>>
    %dma_start3A_190 = arith.constant 0 : i32
    %dma_start3A_191 = tpu.memref_slice %arg5[%dma_start3A_184, %dma_start3A_190] : memref<32x50xi32, #tpu.memory_space<vmem>> -> memref<1x50xi32, #tpu.memory_space<vmem>>
    %dma_start3A_192 = tpu.memref_squeeze %dma_start3A_191 : memref<1x50xi32, #tpu.memory_space<vmem>> -> memref<50xi32, #tpu.memory_space<vmem>>
    %dma_start3A_193 = arith.constant 0 : i32
    %dma_start3A_194 = arith.constant 0 : i32
    %dma_start3A_195 = tpu.memref_slice %arg3[%dma_start3A_193, %dma_start3A_194] : memref<1000000x32xf32, #tpu.memory_space<hbm>> -> memref<1000000x32xf32, #tpu.memory_space<hbm>>
    tpu.enqueue_indirect_dma source(%dma_start3A_195 : memref<1000000x32xf32, #tpu.memory_space<hbm>>) target(%dma_start3A_189 : memref<50x32xf32, #tpu.memory_space<vmem>>) offsets(%dma_start3A_192 : memref<50xi32, #tpu.memory_space<vmem>>) semaphore(%arg9 : memref<!tpu.dma_semaphore, #tpu.memory_space<semaphore_mem>>)
    %dma_start3A_196 = arith.constant 16 : i32
    %dma_start3A_197 = arith.constant 16 : i32
    %dma_start3A_198 = arith.constant 0 : i32
    %dma_start3A_199 = arith.constant 0 : i32
    %dma_start3A_200 = tpu.memref_slice %arg7[%dma_start3A_197, %dma_start3A_198, %dma_start3A_199] : memref<32x50x32xf32, #tpu.memory_space<vmem>> -> memref<1x50x32xf32, #tpu.memory_space<vmem>>
    %dma_start3A_201 = tpu.memref_squeeze %dma_start3A_200 : memref<1x50x32xf32, #tpu.memory_space<vmem>> -> memref<50x32xf32, #tpu.memory_space<vmem>>
    %dma_start3A_202 = arith.constant 0 : i32
    %dma_start3A_203 = tpu.memref_slice %arg5[%dma_start3A_196, %dma_start3A_202] : memref<32x50xi32, #tpu.memory_space<vmem>> -> memref<1x50xi32, #tpu.memory_space<vmem>>
    %dma_start3A_204 = tpu.memref_squeeze %dma_start3A_203 : memref<1x50xi32, #tpu.memory_space<vmem>> -> memref<50xi32, #tpu.memory_space<vmem>>
    %dma_start3A_205 = arith.constant 0 : i32
    %dma_start3A_206 = arith.constant 0 : i32
    %dma_start3A_207 = tpu.memref_slice %arg3[%dma_start3A_205, %dma_start3A_206] : memref<1000000x32xf32, #tpu.memory_space<hbm>> -> memref<1000000x32xf32, #tpu.memory_space<hbm>>
    tpu.enqueue_indirect_dma source(%dma_start3A_207 : memref<1000000x32xf32, #tpu.memory_space<hbm>>) target(%dma_start3A_201 : memref<50x32xf32, #tpu.memory_space<vmem>>) offsets(%dma_start3A_204 : memref<50xi32, #tpu.memory_space<vmem>>) semaphore(%arg9 : memref<!tpu.dma_semaphore, #tpu.memory_space<semaphore_mem>>)
    %dma_start3A_208 = arith.constant 17 : i32
    %dma_start3A_209 = arith.constant 17 : i32
    %dma_start3A_210 = arith.constant 0 : i32
    %dma_start3A_211 = arith.constant 0 : i32
    %dma_start3A_212 = tpu.memref_slice %arg7[%dma_start3A_209, %dma_start3A_210, %dma_start3A_211] : memref<32x50x32xf32, #tpu.memory_space<vmem>> -> memref<1x50x32xf32, #tpu.memory_space<vmem>>
    %dma_start3A_213 = tpu.memref_squeeze %dma_start3A_212 : memref<1x50x32xf32, #tpu.memory_space<vmem>> -> memref<50x32xf32, #tpu.memory_space<vmem>>
    %dma_start3A_214 = arith.constant 0 : i32
    %dma_start3A_215 = tpu.memref_slice %arg5[%dma_start3A_208, %dma_start3A_214] : memref<32x50xi32, #tpu.memory_space<vmem>> -> memref<1x50xi32, #tpu.memory_space<vmem>>
    %dma_start3A_216 = tpu.memref_squeeze %dma_start3A_215 : memref<1x50xi32, #tpu.memory_space<vmem>> -> memref<50xi32, #tpu.memory_space<vmem>>
    %dma_start3A_217 = arith.constant 0 : i32
    %dma_start3A_218 = arith.constant 0 : i32
    %dma_start3A_219 = tpu.memref_slice %arg3[%dma_start3A_217, %dma_start3A_218] : memref<1000000x32xf32, #tpu.memory_space<hbm>> -> memref<1000000x32xf32, #tpu.memory_space<hbm>>
    tpu.enqueue_indirect_dma source(%dma_start3A_219 : memref<1000000x32xf32, #tpu.memory_space<hbm>>) target(%dma_start3A_213 : memref<50x32xf32, #tpu.memory_space<vmem>>) offsets(%dma_start3A_216 : memref<50xi32, #tpu.memory_space<vmem>>) semaphore(%arg9 : memref<!tpu.dma_semaphore, #tpu.memory_space<semaphore_mem>>)
    %dma_start3A_220 = arith.constant 18 : i32
    %dma_start3A_221 = arith.constant 18 : i32
    %dma_start3A_222 = arith.constant 0 : i32
    %dma_start3A_223 = arith.constant 0 : i32
    %dma_start3A_224 = tpu.memref_slice %arg7[%dma_start3A_221, %dma_start3A_222, %dma_start3A_223] : memref<32x50x32xf32, #tpu.memory_space<vmem>> -> memref<1x50x32xf32, #tpu.memory_space<vmem>>
    %dma_start3A_225 = tpu.memref_squeeze %dma_start3A_224 : memref<1x50x32xf32, #tpu.memory_space<vmem>> -> memref<50x32xf32, #tpu.memory_space<vmem>>
    %dma_start3A_226 = arith.constant 0 : i32
    %dma_start3A_227 = tpu.memref_slice %arg5[%dma_start3A_220, %dma_start3A_226] : memref<32x50xi32, #tpu.memory_space<vmem>> -> memref<1x50xi32, #tpu.memory_space<vmem>>
    %dma_start3A_228 = tpu.memref_squeeze %dma_start3A_227 : memref<1x50xi32, #tpu.memory_space<vmem>> -> memref<50xi32, #tpu.memory_space<vmem>>
    %dma_start3A_229 = arith.constant 0 : i32
    %dma_start3A_230 = arith.constant 0 : i32
    %dma_start3A_231 = tpu.memref_slice %arg3[%dma_start3A_229, %dma_start3A_230] : memref<1000000x32xf32, #tpu.memory_space<hbm>> -> memref<1000000x32xf32, #tpu.memory_space<hbm>>
    tpu.enqueue_indirect_dma source(%dma_start3A_231 : memref<1000000x32xf32, #tpu.memory_space<hbm>>) target(%dma_start3A_225 : memref<50x32xf32, #tpu.memory_space<vmem>>) offsets(%dma_start3A_228 : memref<50xi32, #tpu.memory_space<vmem>>) semaphore(%arg9 : memref<!tpu.dma_semaphore, #tpu.memory_space<semaphore_mem>>)
    %dma_start3A_232 = arith.constant 19 : i32
    %dma_start3A_233 = arith.constant 19 : i32
    %dma_start3A_234 = arith.constant 0 : i32
    %dma_start3A_235 = arith.constant 0 : i32
    %dma_start3A_236 = tpu.memref_slice %arg7[%dma_start3A_233, %dma_start3A_234, %dma_start3A_235] : memref<32x50x32xf32, #tpu.memory_space<vmem>> -> memref<1x50x32xf32, #tpu.memory_space<vmem>>
    %dma_start3A_237 = tpu.memref_squeeze %dma_start3A_236 : memref<1x50x32xf32, #tpu.memory_space<vmem>> -> memref<50x32xf32, #tpu.memory_space<vmem>>
    %dma_start3A_238 = arith.constant 0 : i32
    %dma_start3A_239 = tpu.memref_slice %arg5[%dma_start3A_232, %dma_start3A_238] : memref<32x50xi32, #tpu.memory_space<vmem>> -> memref<1x50xi32, #tpu.memory_space<vmem>>
    %dma_start3A_240 = tpu.memref_squeeze %dma_start3A_239 : memref<1x50xi32, #tpu.memory_space<vmem>> -> memref<50xi32, #tpu.memory_space<vmem>>
    %dma_start3A_241 = arith.constant 0 : i32
    %dma_start3A_242 = arith.constant 0 : i32
    %dma_start3A_243 = tpu.memref_slice %arg3[%dma_start3A_241, %dma_start3A_242] : memref<1000000x32xf32, #tpu.memory_space<hbm>> -> memref<1000000x32xf32, #tpu.memory_space<hbm>>
    tpu.enqueue_indirect_dma source(%dma_start3A_243 : memref<1000000x32xf32, #tpu.memory_space<hbm>>) target(%dma_start3A_237 : memref<50x32xf32, #tpu.memory_space<vmem>>) offsets(%dma_start3A_240 : memref<50xi32, #tpu.memory_space<vmem>>) semaphore(%arg9 : memref<!tpu.dma_semaphore, #tpu.memory_space<semaphore_mem>>)
    %dma_start3A_244 = arith.constant 20 : i32
    %dma_start3A_245 = arith.constant 20 : i32
    %dma_start3A_246 = arith.constant 0 : i32
    %dma_start3A_247 = arith.constant 0 : i32
    %dma_start3A_248 = tpu.memref_slice %arg7[%dma_start3A_245, %dma_start3A_246, %dma_start3A_247] : memref<32x50x32xf32, #tpu.memory_space<vmem>> -> memref<1x50x32xf32, #tpu.memory_space<vmem>>
    %dma_start3A_249 = tpu.memref_squeeze %dma_start3A_248 : memref<1x50x32xf32, #tpu.memory_space<vmem>> -> memref<50x32xf32, #tpu.memory_space<vmem>>
    %dma_start3A_250 = arith.constant 0 : i32
    %dma_start3A_251 = tpu.memref_slice %arg5[%dma_start3A_244, %dma_start3A_250] : memref<32x50xi32, #tpu.memory_space<vmem>> -> memref<1x50xi32, #tpu.memory_space<vmem>>
    %dma_start3A_252 = tpu.memref_squeeze %dma_start3A_251 : memref<1x50xi32, #tpu.memory_space<vmem>> -> memref<50xi32, #tpu.memory_space<vmem>>
    %dma_start3A_253 = arith.constant 0 : i32
    %dma_start3A_254 = arith.constant 0 : i32
    %dma_start3A_255 = tpu.memref_slice %arg3[%dma_start3A_253, %dma_start3A_254] : memref<1000000x32xf32, #tpu.memory_space<hbm>> -> memref<1000000x32xf32, #tpu.memory_space<hbm>>
    tpu.enqueue_indirect_dma source(%dma_start3A_255 : memref<1000000x32xf32, #tpu.memory_space<hbm>>) target(%dma_start3A_249 : memref<50x32xf32, #tpu.memory_space<vmem>>) offsets(%dma_start3A_252 : memref<50xi32, #tpu.memory_space<vmem>>) semaphore(%arg9 : memref<!tpu.dma_semaphore, #tpu.memory_space<semaphore_mem>>)
    %dma_start3A_256 = arith.constant 21 : i32
    %dma_start3A_257 = arith.constant 21 : i32
    %dma_start3A_258 = arith.constant 0 : i32
    %dma_start3A_259 = arith.constant 0 : i32
    %dma_start3A_260 = tpu.memref_slice %arg7[%dma_start3A_257, %dma_start3A_258, %dma_start3A_259] : memref<32x50x32xf32, #tpu.memory_space<vmem>> -> memref<1x50x32xf32, #tpu.memory_space<vmem>>
    %dma_start3A_261 = tpu.memref_squeeze %dma_start3A_260 : memref<1x50x32xf32, #tpu.memory_space<vmem>> -> memref<50x32xf32, #tpu.memory_space<vmem>>
    %dma_start3A_262 = arith.constant 0 : i32
    %dma_start3A_263 = tpu.memref_slice %arg5[%dma_start3A_256, %dma_start3A_262] : memref<32x50xi32, #tpu.memory_space<vmem>> -> memref<1x50xi32, #tpu.memory_space<vmem>>
    %dma_start3A_264 = tpu.memref_squeeze %dma_start3A_263 : memref<1x50xi32, #tpu.memory_space<vmem>> -> memref<50xi32, #tpu.memory_space<vmem>>
    %dma_start3A_265 = arith.constant 0 : i32
    %dma_start3A_266 = arith.constant 0 : i32
    %dma_start3A_267 = tpu.memref_slice %arg3[%dma_start3A_265, %dma_start3A_266] : memref<1000000x32xf32, #tpu.memory_space<hbm>> -> memref<1000000x32xf32, #tpu.memory_space<hbm>>
    tpu.enqueue_indirect_dma source(%dma_start3A_267 : memref<1000000x32xf32, #tpu.memory_space<hbm>>) target(%dma_start3A_261 : memref<50x32xf32, #tpu.memory_space<vmem>>) offsets(%dma_start3A_264 : memref<50xi32, #tpu.memory_space<vmem>>) semaphore(%arg9 : memref<!tpu.dma_semaphore, #tpu.memory_space<semaphore_mem>>)
    %dma_start3A_268 = arith.constant 22 : i32
    %dma_start3A_269 = arith.constant 22 : i32
    %dma_start3A_270 = arith.constant 0 : i32
    %dma_start3A_271 = arith.constant 0 : i32
    %dma_start3A_272 = tpu.memref_slice %arg7[%dma_start3A_269, %dma_start3A_270, %dma_start3A_271] : memref<32x50x32xf32, #tpu.memory_space<vmem>> -> memref<1x50x32xf32, #tpu.memory_space<vmem>>
    %dma_start3A_273 = tpu.memref_squeeze %dma_start3A_272 : memref<1x50x32xf32, #tpu.memory_space<vmem>> -> memref<50x32xf32, #tpu.memory_space<vmem>>
    %dma_start3A_274 = arith.constant 0 : i32
    %dma_start3A_275 = tpu.memref_slice %arg5[%dma_start3A_268, %dma_start3A_274] : memref<32x50xi32, #tpu.memory_space<vmem>> -> memref<1x50xi32, #tpu.memory_space<vmem>>
    %dma_start3A_276 = tpu.memref_squeeze %dma_start3A_275 : memref<1x50xi32, #tpu.memory_space<vmem>> -> memref<50xi32, #tpu.memory_space<vmem>>
    %dma_start3A_277 = arith.constant 0 : i32
    %dma_start3A_278 = arith.constant 0 : i32
    %dma_start3A_279 = tpu.memref_slice %arg3[%dma_start3A_277, %dma_start3A_278] : memref<1000000x32xf32, #tpu.memory_space<hbm>> -> memref<1000000x32xf32, #tpu.memory_space<hbm>>
    tpu.enqueue_indirect_dma source(%dma_start3A_279 : memref<1000000x32xf32, #tpu.memory_space<hbm>>) target(%dma_start3A_273 : memref<50x32xf32, #tpu.memory_space<vmem>>) offsets(%dma_start3A_276 : memref<50xi32, #tpu.memory_space<vmem>>) semaphore(%arg9 : memref<!tpu.dma_semaphore, #tpu.memory_space<semaphore_mem>>)
    %dma_start3A_280 = arith.constant 23 : i32
    %dma_start3A_281 = arith.constant 23 : i32
    %dma_start3A_282 = arith.constant 0 : i32
    %dma_start3A_283 = arith.constant 0 : i32
    %dma_start3A_284 = tpu.memref_slice %arg7[%dma_start3A_281, %dma_start3A_282, %dma_start3A_283] : memref<32x50x32xf32, #tpu.memory_space<vmem>> -> memref<1x50x32xf32, #tpu.memory_space<vmem>>
    %dma_start3A_285 = tpu.memref_squeeze %dma_start3A_284 : memref<1x50x32xf32, #tpu.memory_space<vmem>> -> memref<50x32xf32, #tpu.memory_space<vmem>>
    %dma_start3A_286 = arith.constant 0 : i32
    %dma_start3A_287 = tpu.memref_slice %arg5[%dma_start3A_280, %dma_start3A_286] : memref<32x50xi32, #tpu.memory_space<vmem>> -> memref<1x50xi32, #tpu.memory_space<vmem>>
    %dma_start3A_288 = tpu.memref_squeeze %dma_start3A_287 : memref<1x50xi32, #tpu.memory_space<vmem>> -> memref<50xi32, #tpu.memory_space<vmem>>
    %dma_start3A_289 = arith.constant 0 : i32
    %dma_start3A_290 = arith.constant 0 : i32
    %dma_start3A_291 = tpu.memref_slice %arg3[%dma_start3A_289, %dma_start3A_290] : memref<1000000x32xf32, #tpu.memory_space<hbm>> -> memref<1000000x32xf32, #tpu.memory_space<hbm>>
    tpu.enqueue_indirect_dma source(%dma_start3A_291 : memref<1000000x32xf32, #tpu.memory_space<hbm>>) target(%dma_start3A_285 : memref<50x32xf32, #tpu.memory_space<vmem>>) offsets(%dma_start3A_288 : memref<50xi32, #tpu.memory_space<vmem>>) semaphore(%arg9 : memref<!tpu.dma_semaphore, #tpu.memory_space<semaphore_mem>>)
    %dma_start3A_292 = arith.constant 24 : i32
    %dma_start3A_293 = arith.constant 24 : i32
    %dma_start3A_294 = arith.constant 0 : i32
    %dma_start3A_295 = arith.constant 0 : i32
    %dma_start3A_296 = tpu.memref_slice %arg7[%dma_start3A_293, %dma_start3A_294, %dma_start3A_295] : memref<32x50x32xf32, #tpu.memory_space<vmem>> -> memref<1x50x32xf32, #tpu.memory_space<vmem>>
    %dma_start3A_297 = tpu.memref_squeeze %dma_start3A_296 : memref<1x50x32xf32, #tpu.memory_space<vmem>> -> memref<50x32xf32, #tpu.memory_space<vmem>>
    %dma_start3A_298 = arith.constant 0 : i32
    %dma_start3A_299 = tpu.memref_slice %arg5[%dma_start3A_292, %dma_start3A_298] : memref<32x50xi32, #tpu.memory_space<vmem>> -> memref<1x50xi32, #tpu.memory_space<vmem>>
    %dma_start3A_300 = tpu.memref_squeeze %dma_start3A_299 : memref<1x50xi32, #tpu.memory_space<vmem>> -> memref<50xi32, #tpu.memory_space<vmem>>
    %dma_start3A_301 = arith.constant 0 : i32
    %dma_start3A_302 = arith.constant 0 : i32
    %dma_start3A_303 = tpu.memref_slice %arg3[%dma_start3A_301, %dma_start3A_302] : memref<1000000x32xf32, #tpu.memory_space<hbm>> -> memref<1000000x32xf32, #tpu.memory_space<hbm>>
    tpu.enqueue_indirect_dma source(%dma_start3A_303 : memref<1000000x32xf32, #tpu.memory_space<hbm>>) target(%dma_start3A_297 : memref<50x32xf32, #tpu.memory_space<vmem>>) offsets(%dma_start3A_300 : memref<50xi32, #tpu.memory_space<vmem>>) semaphore(%arg9 : memref<!tpu.dma_semaphore, #tpu.memory_space<semaphore_mem>>)
    %dma_start3A_304 = arith.constant 25 : i32
    %dma_start3A_305 = arith.constant 25 : i32
    %dma_start3A_306 = arith.constant 0 : i32
    %dma_start3A_307 = arith.constant 0 : i32
    %dma_start3A_308 = tpu.memref_slice %arg7[%dma_start3A_305, %dma_start3A_306, %dma_start3A_307] : memref<32x50x32xf32, #tpu.memory_space<vmem>> -> memref<1x50x32xf32, #tpu.memory_space<vmem>>
    %dma_start3A_309 = tpu.memref_squeeze %dma_start3A_308 : memref<1x50x32xf32, #tpu.memory_space<vmem>> -> memref<50x32xf32, #tpu.memory_space<vmem>>
    %dma_start3A_310 = arith.constant 0 : i32
    %dma_start3A_311 = tpu.memref_slice %arg5[%dma_start3A_304, %dma_start3A_310] : memref<32x50xi32, #tpu.memory_space<vmem>> -> memref<1x50xi32, #tpu.memory_space<vmem>>
    %dma_start3A_312 = tpu.memref_squeeze %dma_start3A_311 : memref<1x50xi32, #tpu.memory_space<vmem>> -> memref<50xi32, #tpu.memory_space<vmem>>
    %dma_start3A_313 = arith.constant 0 : i32
    %dma_start3A_314 = arith.constant 0 : i32
    %dma_start3A_315 = tpu.memref_slice %arg3[%dma_start3A_313, %dma_start3A_314] : memref<1000000x32xf32, #tpu.memory_space<hbm>> -> memref<1000000x32xf32, #tpu.memory_space<hbm>>
    tpu.enqueue_indirect_dma source(%dma_start3A_315 : memref<1000000x32xf32, #tpu.memory_space<hbm>>) target(%dma_start3A_309 : memref<50x32xf32, #tpu.memory_space<vmem>>) offsets(%dma_start3A_312 : memref<50xi32, #tpu.memory_space<vmem>>) semaphore(%arg9 : memref<!tpu.dma_semaphore, #tpu.memory_space<semaphore_mem>>)
    %dma_start3A_316 = arith.constant 26 : i32
    %dma_start3A_317 = arith.constant 26 : i32
    %dma_start3A_318 = arith.constant 0 : i32
    %dma_start3A_319 = arith.constant 0 : i32
    %dma_start3A_320 = tpu.memref_slice %arg7[%dma_start3A_317, %dma_start3A_318, %dma_start3A_319] : memref<32x50x32xf32, #tpu.memory_space<vmem>> -> memref<1x50x32xf32, #tpu.memory_space<vmem>>
    %dma_start3A_321 = tpu.memref_squeeze %dma_start3A_320 : memref<1x50x32xf32, #tpu.memory_space<vmem>> -> memref<50x32xf32, #tpu.memory_space<vmem>>
    %dma_start3A_322 = arith.constant 0 : i32
    %dma_start3A_323 = tpu.memref_slice %arg5[%dma_start3A_316, %dma_start3A_322] : memref<32x50xi32, #tpu.memory_space<vmem>> -> memref<1x50xi32, #tpu.memory_space<vmem>>
    %dma_start3A_324 = tpu.memref_squeeze %dma_start3A_323 : memref<1x50xi32, #tpu.memory_space<vmem>> -> memref<50xi32, #tpu.memory_space<vmem>>
    %dma_start3A_325 = arith.constant 0 : i32
    %dma_start3A_326 = arith.constant 0 : i32
    %dma_start3A_327 = tpu.memref_slice %arg3[%dma_start3A_325, %dma_start3A_326] : memref<1000000x32xf32, #tpu.memory_space<hbm>> -> memref<1000000x32xf32, #tpu.memory_space<hbm>>
    tpu.enqueue_indirect_dma source(%dma_start3A_327 : memref<1000000x32xf32, #tpu.memory_space<hbm>>) target(%dma_start3A_321 : memref<50x32xf32, #tpu.memory_space<vmem>>) offsets(%dma_start3A_324 : memref<50xi32, #tpu.memory_space<vmem>>) semaphore(%arg9 : memref<!tpu.dma_semaphore, #tpu.memory_space<semaphore_mem>>)
    %dma_start3A_328 = arith.constant 27 : i32
    %dma_start3A_329 = arith.constant 27 : i32
    %dma_start3A_330 = arith.constant 0 : i32
    %dma_start3A_331 = arith.constant 0 : i32
    %dma_start3A_332 = tpu.memref_slice %arg7[%dma_start3A_329, %dma_start3A_330, %dma_start3A_331] : memref<32x50x32xf32, #tpu.memory_space<vmem>> -> memref<1x50x32xf32, #tpu.memory_space<vmem>>
    %dma_start3A_333 = tpu.memref_squeeze %dma_start3A_332 : memref<1x50x32xf32, #tpu.memory_space<vmem>> -> memref<50x32xf32, #tpu.memory_space<vmem>>
    %dma_start3A_334 = arith.constant 0 : i32
    %dma_start3A_335 = tpu.memref_slice %arg5[%dma_start3A_328, %dma_start3A_334] : memref<32x50xi32, #tpu.memory_space<vmem>> -> memref<1x50xi32, #tpu.memory_space<vmem>>
    %dma_start3A_336 = tpu.memref_squeeze %dma_start3A_335 : memref<1x50xi32, #tpu.memory_space<vmem>> -> memref<50xi32, #tpu.memory_space<vmem>>
    %dma_start3A_337 = arith.constant 0 : i32
    %dma_start3A_338 = arith.constant 0 : i32
    %dma_start3A_339 = tpu.memref_slice %arg3[%dma_start3A_337, %dma_start3A_338] : memref<1000000x32xf32, #tpu.memory_space<hbm>> -> memref<1000000x32xf32, #tpu.memory_space<hbm>>
    tpu.enqueue_indirect_dma source(%dma_start3A_339 : memref<1000000x32xf32, #tpu.memory_space<hbm>>) target(%dma_start3A_333 : memref<50x32xf32, #tpu.memory_space<vmem>>) offsets(%dma_start3A_336 : memref<50xi32, #tpu.memory_space<vmem>>) semaphore(%arg9 : memref<!tpu.dma_semaphore, #tpu.memory_space<semaphore_mem>>)
    %dma_start3A_340 = arith.constant 28 : i32
    %dma_start3A_341 = arith.constant 28 : i32
    %dma_start3A_342 = arith.constant 0 : i32
    %dma_start3A_343 = arith.constant 0 : i32
    %dma_start3A_344 = tpu.memref_slice %arg7[%dma_start3A_341, %dma_start3A_342, %dma_start3A_343] : memref<32x50x32xf32, #tpu.memory_space<vmem>> -> memref<1x50x32xf32, #tpu.memory_space<vmem>>
    %dma_start3A_345 = tpu.memref_squeeze %dma_start3A_344 : memref<1x50x32xf32, #tpu.memory_space<vmem>> -> memref<50x32xf32, #tpu.memory_space<vmem>>
    %dma_start3A_346 = arith.constant 0 : i32
    %dma_start3A_347 = tpu.memref_slice %arg5[%dma_start3A_340, %dma_start3A_346] : memref<32x50xi32, #tpu.memory_space<vmem>> -> memref<1x50xi32, #tpu.memory_space<vmem>>
    %dma_start3A_348 = tpu.memref_squeeze %dma_start3A_347 : memref<1x50xi32, #tpu.memory_space<vmem>> -> memref<50xi32, #tpu.memory_space<vmem>>
    %dma_start3A_349 = arith.constant 0 : i32
    %dma_start3A_350 = arith.constant 0 : i32
    %dma_start3A_351 = tpu.memref_slice %arg3[%dma_start3A_349, %dma_start3A_350] : memref<1000000x32xf32, #tpu.memory_space<hbm>> -> memref<1000000x32xf32, #tpu.memory_space<hbm>>
    tpu.enqueue_indirect_dma source(%dma_start3A_351 : memref<1000000x32xf32, #tpu.memory_space<hbm>>) target(%dma_start3A_345 : memref<50x32xf32, #tpu.memory_space<vmem>>) offsets(%dma_start3A_348 : memref<50xi32, #tpu.memory_space<vmem>>) semaphore(%arg9 : memref<!tpu.dma_semaphore, #tpu.memory_space<semaphore_mem>>)
    %dma_start3A_352 = arith.constant 29 : i32
    %dma_start3A_353 = arith.constant 29 : i32
    %dma_start3A_354 = arith.constant 0 : i32
    %dma_start3A_355 = arith.constant 0 : i32
    %dma_start3A_356 = tpu.memref_slice %arg7[%dma_start3A_353, %dma_start3A_354, %dma_start3A_355] : memref<32x50x32xf32, #tpu.memory_space<vmem>> -> memref<1x50x32xf32, #tpu.memory_space<vmem>>
    %dma_start3A_357 = tpu.memref_squeeze %dma_start3A_356 : memref<1x50x32xf32, #tpu.memory_space<vmem>> -> memref<50x32xf32, #tpu.memory_space<vmem>>
    %dma_start3A_358 = arith.constant 0 : i32
    %dma_start3A_359 = tpu.memref_slice %arg5[%dma_start3A_352, %dma_start3A_358] : memref<32x50xi32, #tpu.memory_space<vmem>> -> memref<1x50xi32, #tpu.memory_space<vmem>>
    %dma_start3A_360 = tpu.memref_squeeze %dma_start3A_359 : memref<1x50xi32, #tpu.memory_space<vmem>> -> memref<50xi32, #tpu.memory_space<vmem>>
    %dma_start3A_361 = arith.constant 0 : i32
    %dma_start3A_362 = arith.constant 0 : i32
    %dma_start3A_363 = tpu.memref_slice %arg3[%dma_start3A_361, %dma_start3A_362] : memref<1000000x32xf32, #tpu.memory_space<hbm>> -> memref<1000000x32xf32, #tpu.memory_space<hbm>>
    tpu.enqueue_indirect_dma source(%dma_start3A_363 : memref<1000000x32xf32, #tpu.memory_space<hbm>>) target(%dma_start3A_357 : memref<50x32xf32, #tpu.memory_space<vmem>>) offsets(%dma_start3A_360 : memref<50xi32, #tpu.memory_space<vmem>>) semaphore(%arg9 : memref<!tpu.dma_semaphore, #tpu.memory_space<semaphore_mem>>)
    %dma_start3A_364 = arith.constant 30 : i32
    %dma_start3A_365 = arith.constant 30 : i32
    %dma_start3A_366 = arith.constant 0 : i32
    %dma_start3A_367 = arith.constant 0 : i32
    %dma_start3A_368 = tpu.memref_slice %arg7[%dma_start3A_365, %dma_start3A_366, %dma_start3A_367] : memref<32x50x32xf32, #tpu.memory_space<vmem>> -> memref<1x50x32xf32, #tpu.memory_space<vmem>>
    %dma_start3A_369 = tpu.memref_squeeze %dma_start3A_368 : memref<1x50x32xf32, #tpu.memory_space<vmem>> -> memref<50x32xf32, #tpu.memory_space<vmem>>
    %dma_start3A_370 = arith.constant 0 : i32
    %dma_start3A_371 = tpu.memref_slice %arg5[%dma_start3A_364, %dma_start3A_370] : memref<32x50xi32, #tpu.memory_space<vmem>> -> memref<1x50xi32, #tpu.memory_space<vmem>>
    %dma_start3A_372 = tpu.memref_squeeze %dma_start3A_371 : memref<1x50xi32, #tpu.memory_space<vmem>> -> memref<50xi32, #tpu.memory_space<vmem>>
    %dma_start3A_373 = arith.constant 0 : i32
    %dma_start3A_374 = arith.constant 0 : i32
    %dma_start3A_375 = tpu.memref_slice %arg3[%dma_start3A_373, %dma_start3A_374] : memref<1000000x32xf32, #tpu.memory_space<hbm>> -> memref<1000000x32xf32, #tpu.memory_space<hbm>>
    tpu.enqueue_indirect_dma source(%dma_start3A_375 : memref<1000000x32xf32, #tpu.memory_space<hbm>>) target(%dma_start3A_369 : memref<50x32xf32, #tpu.memory_space<vmem>>) offsets(%dma_start3A_372 : memref<50xi32, #tpu.memory_space<vmem>>) semaphore(%arg9 : memref<!tpu.dma_semaphore, #tpu.memory_space<semaphore_mem>>)
    %dma_start3A_376 = arith.constant 31 : i32
    %dma_start3A_377 = arith.constant 31 : i32
    %dma_start3A_378 = arith.constant 0 : i32
    %dma_start3A_379 = arith.constant 0 : i32
    %dma_start3A_380 = tpu.memref_slice %arg7[%dma_start3A_377, %dma_start3A_378, %dma_start3A_379] : memref<32x50x32xf32, #tpu.memory_space<vmem>> -> memref<1x50x32xf32, #tpu.memory_space<vmem>>
    %dma_start3A_381 = tpu.memref_squeeze %dma_start3A_380 : memref<1x50x32xf32, #tpu.memory_space<vmem>> -> memref<50x32xf32, #tpu.memory_space<vmem>>
    %dma_start3A_382 = arith.constant 0 : i32
    %dma_start3A_383 = tpu.memref_slice %arg5[%dma_start3A_376, %dma_start3A_382] : memref<32x50xi32, #tpu.memory_space<vmem>> -> memref<1x50xi32, #tpu.memory_space<vmem>>
    %dma_start3A_384 = tpu.memref_squeeze %dma_start3A_383 : memref<1x50xi32, #tpu.memory_space<vmem>> -> memref<50xi32, #tpu.memory_space<vmem>>
    %dma_start3A_385 = arith.constant 0 : i32
    %dma_start3A_386 = arith.constant 0 : i32
    %dma_start3A_387 = tpu.memref_slice %arg3[%dma_start3A_385, %dma_start3A_386] : memref<1000000x32xf32, #tpu.memory_space<hbm>> -> memref<1000000x32xf32, #tpu.memory_space<hbm>>
    tpu.enqueue_indirect_dma source(%dma_start3A_387 : memref<1000000x32xf32, #tpu.memory_space<hbm>>) target(%dma_start3A_381 : memref<50x32xf32, #tpu.memory_space<vmem>>) offsets(%dma_start3A_384 : memref<50xi32, #tpu.memory_space<vmem>>) semaphore(%arg9 : memref<!tpu.dma_semaphore, #tpu.memory_space<semaphore_mem>>)
    %add3A_388 = arith.constant 32 : i32
    %add3A_389 = arith.addi %mul3A_2, %add3A_388 : i32
    "tpu.region"() ({
      %run_scoped3A = tpu.sem_alloc : memref<!tpu.dma_semaphore, #tpu.memory_space<semaphore_mem>>
      %dma_start3A_840 = arith.constant 0 : i32
      %dma_start3A_841 = tpu.memref_slice %arg2[%add3A_389, %dma_start3A_840] : memref<16384x50xi32, #tpu.memory_space<hbm>> -> memref<32x50xi32, #tpu.memory_space<hbm>>
      %dma_start3A_842 = arith.constant 0 : i32
      %dma_start3A_843 = tpu.memref_slice %arg2[%add3A_389, %dma_start3A_842] : memref<16384x50xi32, #tpu.memory_space<hbm>> -> memref<32x50xi32, #tpu.memory_space<hbm>>
      tpu.enqueue_dma source(%dma_start3A_843 : memref<32x50xi32, #tpu.memory_space<hbm>>) target(%arg6 : memref<32x50xi32, #tpu.memory_space<vmem>>) target_semaphore(%run_scoped3A : memref<!tpu.dma_semaphore, #tpu.memory_space<semaphore_mem>>)
      %dma_wait3A_844 = arith.constant 0 : i32
      %dma_wait3A_845 = tpu.memref_slice %arg2[%add3A_389, %dma_wait3A_844] : memref<16384x50xi32, #tpu.memory_space<hbm>> -> memref<32x50xi32, #tpu.memory_space<hbm>>
      %dma_wait3A_846 = arith.constant 0 : i32
      %dma_wait3A_847 = tpu.memref_slice %arg2[%add3A_389, %dma_wait3A_846] : memref<16384x50xi32, #tpu.memory_space<hbm>> -> memref<32x50xi32, #tpu.memory_space<hbm>>
      tpu.wait_dma2 semaphore(%run_scoped3A : memref<!tpu.dma_semaphore, #tpu.memory_space<semaphore_mem>>) src(%dma_wait3A_847 : memref<32x50xi32, #tpu.memory_space<hbm>>) dst(%arg6 : memref<32x50xi32, #tpu.memory_space<vmem>>)
      tpu.yield
    }) : () -> ()
    %dma_start3A_390 = arith.constant 0 : i32
    %dma_start3A_391 = arith.constant 0 : i32
    %dma_start3A_392 = arith.constant 0 : i32
    %dma_start3A_393 = arith.constant 0 : i32
    %dma_start3A_394 = tpu.memref_slice %arg8[%dma_start3A_391, %dma_start3A_392, %dma_start3A_393] : memref<32x50x32xf32, #tpu.memory_space<vmem>> -> memref<1x50x32xf32, #tpu.memory_space<vmem>>
    %dma_start3A_395 = tpu.memref_squeeze %dma_start3A_394 : memref<1x50x32xf32, #tpu.memory_space<vmem>> -> memref<50x32xf32, #tpu.memory_space<vmem>>
    %dma_start3A_396 = arith.constant 0 : i32
    %dma_start3A_397 = tpu.memref_slice %arg6[%dma_start3A_390, %dma_start3A_396] : memref<32x50xi32, #tpu.memory_space<vmem>> -> memref<1x50xi32, #tpu.memory_space<vmem>>
    %dma_start3A_398 = tpu.memref_squeeze %dma_start3A_397 : memref<1x50xi32, #tpu.memory_space<vmem>> -> memref<50xi32, #tpu.memory_space<vmem>>
    %dma_start3A_399 = arith.constant 0 : i32
    %dma_start3A_400 = arith.constant 0 : i32
    %dma_start3A_401 = tpu.memref_slice %arg3[%dma_start3A_399, %dma_start3A_400] : memref<1000000x32xf32, #tpu.memory_space<hbm>> -> memref<1000000x32xf32, #tpu.memory_space<hbm>>
    tpu.enqueue_indirect_dma source(%dma_start3A_401 : memref<1000000x32xf32, #tpu.memory_space<hbm>>) target(%dma_start3A_395 : memref<50x32xf32, #tpu.memory_space<vmem>>) offsets(%dma_start3A_398 : memref<50xi32, #tpu.memory_space<vmem>>) semaphore(%arg10 : memref<!tpu.dma_semaphore, #tpu.memory_space<semaphore_mem>>)
    %dma_start3A_402 = arith.constant 1 : i32
    %dma_start3A_403 = arith.constant 1 : i32
    %dma_start3A_404 = arith.constant 0 : i32
    %dma_start3A_405 = arith.constant 0 : i32
    %dma_start3A_406 = tpu.memref_slice %arg8[%dma_start3A_403, %dma_start3A_404, %dma_start3A_405] : memref<32x50x32xf32, #tpu.memory_space<vmem>> -> memref<1x50x32xf32, #tpu.memory_space<vmem>>
    %dma_start3A_407 = tpu.memref_squeeze %dma_start3A_406 : memref<1x50x32xf32, #tpu.memory_space<vmem>> -> memref<50x32xf32, #tpu.memory_space<vmem>>
    %dma_start3A_408 = arith.constant 0 : i32
    %dma_start3A_409 = tpu.memref_slice %arg6[%dma_start3A_402, %dma_start3A_408] : memref<32x50xi32, #tpu.memory_space<vmem>> -> memref<1x50xi32, #tpu.memory_space<vmem>>
    %dma_start3A_410 = tpu.memref_squeeze %dma_start3A_409 : memref<1x50xi32, #tpu.memory_space<vmem>> -> memref<50xi32, #tpu.memory_space<vmem>>
    %dma_start3A_411 = arith.constant 0 : i32
    %dma_start3A_412 = arith.constant 0 : i32
    %dma_start3A_413 = tpu.memref_slice %arg3[%dma_start3A_411, %dma_start3A_412] : memref<1000000x32xf32, #tpu.memory_space<hbm>> -> memref<1000000x32xf32, #tpu.memory_space<hbm>>
    tpu.enqueue_indirect_dma source(%dma_start3A_413 : memref<1000000x32xf32, #tpu.memory_space<hbm>>) target(%dma_start3A_407 : memref<50x32xf32, #tpu.memory_space<vmem>>) offsets(%dma_start3A_410 : memref<50xi32, #tpu.memory_space<vmem>>) semaphore(%arg10 : memref<!tpu.dma_semaphore, #tpu.memory_space<semaphore_mem>>)
    %dma_start3A_414 = arith.constant 2 : i32
    %dma_start3A_415 = arith.constant 2 : i32
    %dma_start3A_416 = arith.constant 0 : i32
    %dma_start3A_417 = arith.constant 0 : i32
    %dma_start3A_418 = tpu.memref_slice %arg8[%dma_start3A_415, %dma_start3A_416, %dma_start3A_417] : memref<32x50x32xf32, #tpu.memory_space<vmem>> -> memref<1x50x32xf32, #tpu.memory_space<vmem>>
    %dma_start3A_419 = tpu.memref_squeeze %dma_start3A_418 : memref<1x50x32xf32, #tpu.memory_space<vmem>> -> memref<50x32xf32, #tpu.memory_space<vmem>>
    %dma_start3A_420 = arith.constant 0 : i32
    %dma_start3A_421 = tpu.memref_slice %arg6[%dma_start3A_414, %dma_start3A_420] : memref<32x50xi32, #tpu.memory_space<vmem>> -> memref<1x50xi32, #tpu.memory_space<vmem>>
    %dma_start3A_422 = tpu.memref_squeeze %dma_start3A_421 : memref<1x50xi32, #tpu.memory_space<vmem>> -> memref<50xi32, #tpu.memory_space<vmem>>
    %dma_start3A_423 = arith.constant 0 : i32
    %dma_start3A_424 = arith.constant 0 : i32
    %dma_start3A_425 = tpu.memref_slice %arg3[%dma_start3A_423, %dma_start3A_424] : memref<1000000x32xf32, #tpu.memory_space<hbm>> -> memref<1000000x32xf32, #tpu.memory_space<hbm>>
    tpu.enqueue_indirect_dma source(%dma_start3A_425 : memref<1000000x32xf32, #tpu.memory_space<hbm>>) target(%dma_start3A_419 : memref<50x32xf32, #tpu.memory_space<vmem>>) offsets(%dma_start3A_422 : memref<50xi32, #tpu.memory_space<vmem>>) semaphore(%arg10 : memref<!tpu.dma_semaphore, #tpu.memory_space<semaphore_mem>>)
    %dma_start3A_426 = arith.constant 3 : i32
    %dma_start3A_427 = arith.constant 3 : i32
    %dma_start3A_428 = arith.constant 0 : i32
    %dma_start3A_429 = arith.constant 0 : i32
    %dma_start3A_430 = tpu.memref_slice %arg8[%dma_start3A_427, %dma_start3A_428, %dma_start3A_429] : memref<32x50x32xf32, #tpu.memory_space<vmem>> -> memref<1x50x32xf32, #tpu.memory_space<vmem>>
    %dma_start3A_431 = tpu.memref_squeeze %dma_start3A_430 : memref<1x50x32xf32, #tpu.memory_space<vmem>> -> memref<50x32xf32, #tpu.memory_space<vmem>>
    %dma_start3A_432 = arith.constant 0 : i32
    %dma_start3A_433 = tpu.memref_slice %arg6[%dma_start3A_426, %dma_start3A_432] : memref<32x50xi32, #tpu.memory_space<vmem>> -> memref<1x50xi32, #tpu.memory_space<vmem>>
    %dma_start3A_434 = tpu.memref_squeeze %dma_start3A_433 : memref<1x50xi32, #tpu.memory_space<vmem>> -> memref<50xi32, #tpu.memory_space<vmem>>
    %dma_start3A_435 = arith.constant 0 : i32
    %dma_start3A_436 = arith.constant 0 : i32
    %dma_start3A_437 = tpu.memref_slice %arg3[%dma_start3A_435, %dma_start3A_436] : memref<1000000x32xf32, #tpu.memory_space<hbm>> -> memref<1000000x32xf32, #tpu.memory_space<hbm>>
    tpu.enqueue_indirect_dma source(%dma_start3A_437 : memref<1000000x32xf32, #tpu.memory_space<hbm>>) target(%dma_start3A_431 : memref<50x32xf32, #tpu.memory_space<vmem>>) offsets(%dma_start3A_434 : memref<50xi32, #tpu.memory_space<vmem>>) semaphore(%arg10 : memref<!tpu.dma_semaphore, #tpu.memory_space<semaphore_mem>>)
    %dma_start3A_438 = arith.constant 4 : i32
    %dma_start3A_439 = arith.constant 4 : i32
    %dma_start3A_440 = arith.constant 0 : i32
    %dma_start3A_441 = arith.constant 0 : i32
    %dma_start3A_442 = tpu.memref_slice %arg8[%dma_start3A_439, %dma_start3A_440, %dma_start3A_441] : memref<32x50x32xf32, #tpu.memory_space<vmem>> -> memref<1x50x32xf32, #tpu.memory_space<vmem>>
    %dma_start3A_443 = tpu.memref_squeeze %dma_start3A_442 : memref<1x50x32xf32, #tpu.memory_space<vmem>> -> memref<50x32xf32, #tpu.memory_space<vmem>>
    %dma_start3A_444 = arith.constant 0 : i32
    %dma_start3A_445 = tpu.memref_slice %arg6[%dma_start3A_438, %dma_start3A_444] : memref<32x50xi32, #tpu.memory_space<vmem>> -> memref<1x50xi32, #tpu.memory_space<vmem>>
    %dma_start3A_446 = tpu.memref_squeeze %dma_start3A_445 : memref<1x50xi32, #tpu.memory_space<vmem>> -> memref<50xi32, #tpu.memory_space<vmem>>
    %dma_start3A_447 = arith.constant 0 : i32
    %dma_start3A_448 = arith.constant 0 : i32
    %dma_start3A_449 = tpu.memref_slice %arg3[%dma_start3A_447, %dma_start3A_448] : memref<1000000x32xf32, #tpu.memory_space<hbm>> -> memref<1000000x32xf32, #tpu.memory_space<hbm>>
    tpu.enqueue_indirect_dma source(%dma_start3A_449 : memref<1000000x32xf32, #tpu.memory_space<hbm>>) target(%dma_start3A_443 : memref<50x32xf32, #tpu.memory_space<vmem>>) offsets(%dma_start3A_446 : memref<50xi32, #tpu.memory_space<vmem>>) semaphore(%arg10 : memref<!tpu.dma_semaphore, #tpu.memory_space<semaphore_mem>>)
    %dma_start3A_450 = arith.constant 5 : i32
    %dma_start3A_451 = arith.constant 5 : i32
    %dma_start3A_452 = arith.constant 0 : i32
    %dma_start3A_453 = arith.constant 0 : i32
    %dma_start3A_454 = tpu.memref_slice %arg8[%dma_start3A_451, %dma_start3A_452, %dma_start3A_453] : memref<32x50x32xf32, #tpu.memory_space<vmem>> -> memref<1x50x32xf32, #tpu.memory_space<vmem>>
    %dma_start3A_455 = tpu.memref_squeeze %dma_start3A_454 : memref<1x50x32xf32, #tpu.memory_space<vmem>> -> memref<50x32xf32, #tpu.memory_space<vmem>>
    %dma_start3A_456 = arith.constant 0 : i32
    %dma_start3A_457 = tpu.memref_slice %arg6[%dma_start3A_450, %dma_start3A_456] : memref<32x50xi32, #tpu.memory_space<vmem>> -> memref<1x50xi32, #tpu.memory_space<vmem>>
    %dma_start3A_458 = tpu.memref_squeeze %dma_start3A_457 : memref<1x50xi32, #tpu.memory_space<vmem>> -> memref<50xi32, #tpu.memory_space<vmem>>
    %dma_start3A_459 = arith.constant 0 : i32
    %dma_start3A_460 = arith.constant 0 : i32
    %dma_start3A_461 = tpu.memref_slice %arg3[%dma_start3A_459, %dma_start3A_460] : memref<1000000x32xf32, #tpu.memory_space<hbm>> -> memref<1000000x32xf32, #tpu.memory_space<hbm>>
    tpu.enqueue_indirect_dma source(%dma_start3A_461 : memref<1000000x32xf32, #tpu.memory_space<hbm>>) target(%dma_start3A_455 : memref<50x32xf32, #tpu.memory_space<vmem>>) offsets(%dma_start3A_458 : memref<50xi32, #tpu.memory_space<vmem>>) semaphore(%arg10 : memref<!tpu.dma_semaphore, #tpu.memory_space<semaphore_mem>>)
    %dma_start3A_462 = arith.constant 6 : i32
    %dma_start3A_463 = arith.constant 6 : i32
    %dma_start3A_464 = arith.constant 0 : i32
    %dma_start3A_465 = arith.constant 0 : i32
    %dma_start3A_466 = tpu.memref_slice %arg8[%dma_start3A_463, %dma_start3A_464, %dma_start3A_465] : memref<32x50x32xf32, #tpu.memory_space<vmem>> -> memref<1x50x32xf32, #tpu.memory_space<vmem>>
    %dma_start3A_467 = tpu.memref_squeeze %dma_start3A_466 : memref<1x50x32xf32, #tpu.memory_space<vmem>> -> memref<50x32xf32, #tpu.memory_space<vmem>>
    %dma_start3A_468 = arith.constant 0 : i32
    %dma_start3A_469 = tpu.memref_slice %arg6[%dma_start3A_462, %dma_start3A_468] : memref<32x50xi32, #tpu.memory_space<vmem>> -> memref<1x50xi32, #tpu.memory_space<vmem>>
    %dma_start3A_470 = tpu.memref_squeeze %dma_start3A_469 : memref<1x50xi32, #tpu.memory_space<vmem>> -> memref<50xi32, #tpu.memory_space<vmem>>
    %dma_start3A_471 = arith.constant 0 : i32
    %dma_start3A_472 = arith.constant 0 : i32
    %dma_start3A_473 = tpu.memref_slice %arg3[%dma_start3A_471, %dma_start3A_472] : memref<1000000x32xf32, #tpu.memory_space<hbm>> -> memref<1000000x32xf32, #tpu.memory_space<hbm>>
    tpu.enqueue_indirect_dma source(%dma_start3A_473 : memref<1000000x32xf32, #tpu.memory_space<hbm>>) target(%dma_start3A_467 : memref<50x32xf32, #tpu.memory_space<vmem>>) offsets(%dma_start3A_470 : memref<50xi32, #tpu.memory_space<vmem>>) semaphore(%arg10 : memref<!tpu.dma_semaphore, #tpu.memory_space<semaphore_mem>>)
    %dma_start3A_474 = arith.constant 7 : i32
    %dma_start3A_475 = arith.constant 7 : i32
    %dma_start3A_476 = arith.constant 0 : i32
    %dma_start3A_477 = arith.constant 0 : i32
    %dma_start3A_478 = tpu.memref_slice %arg8[%dma_start3A_475, %dma_start3A_476, %dma_start3A_477] : memref<32x50x32xf32, #tpu.memory_space<vmem>> -> memref<1x50x32xf32, #tpu.memory_space<vmem>>
    %dma_start3A_479 = tpu.memref_squeeze %dma_start3A_478 : memref<1x50x32xf32, #tpu.memory_space<vmem>> -> memref<50x32xf32, #tpu.memory_space<vmem>>
    %dma_start3A_480 = arith.constant 0 : i32
    %dma_start3A_481 = tpu.memref_slice %arg6[%dma_start3A_474, %dma_start3A_480] : memref<32x50xi32, #tpu.memory_space<vmem>> -> memref<1x50xi32, #tpu.memory_space<vmem>>
    %dma_start3A_482 = tpu.memref_squeeze %dma_start3A_481 : memref<1x50xi32, #tpu.memory_space<vmem>> -> memref<50xi32, #tpu.memory_space<vmem>>
    %dma_start3A_483 = arith.constant 0 : i32
    %dma_start3A_484 = arith.constant 0 : i32
    %dma_start3A_485 = tpu.memref_slice %arg3[%dma_start3A_483, %dma_start3A_484] : memref<1000000x32xf32, #tpu.memory_space<hbm>> -> memref<1000000x32xf32, #tpu.memory_space<hbm>>
    tpu.enqueue_indirect_dma source(%dma_start3A_485 : memref<1000000x32xf32, #tpu.memory_space<hbm>>) target(%dma_start3A_479 : memref<50x32xf32, #tpu.memory_space<vmem>>) offsets(%dma_start3A_482 : memref<50xi32, #tpu.memory_space<vmem>>) semaphore(%arg10 : memref<!tpu.dma_semaphore, #tpu.memory_space<semaphore_mem>>)
    %dma_start3A_486 = arith.constant 8 : i32
    %dma_start3A_487 = arith.constant 8 : i32
    %dma_start3A_488 = arith.constant 0 : i32
    %dma_start3A_489 = arith.constant 0 : i32
    %dma_start3A_490 = tpu.memref_slice %arg8[%dma_start3A_487, %dma_start3A_488, %dma_start3A_489] : memref<32x50x32xf32, #tpu.memory_space<vmem>> -> memref<1x50x32xf32, #tpu.memory_space<vmem>>
    %dma_start3A_491 = tpu.memref_squeeze %dma_start3A_490 : memref<1x50x32xf32, #tpu.memory_space<vmem>> -> memref<50x32xf32, #tpu.memory_space<vmem>>
    %dma_start3A_492 = arith.constant 0 : i32
    %dma_start3A_493 = tpu.memref_slice %arg6[%dma_start3A_486, %dma_start3A_492] : memref<32x50xi32, #tpu.memory_space<vmem>> -> memref<1x50xi32, #tpu.memory_space<vmem>>
    %dma_start3A_494 = tpu.memref_squeeze %dma_start3A_493 : memref<1x50xi32, #tpu.memory_space<vmem>> -> memref<50xi32, #tpu.memory_space<vmem>>
    %dma_start3A_495 = arith.constant 0 : i32
    %dma_start3A_496 = arith.constant 0 : i32
    %dma_start3A_497 = tpu.memref_slice %arg3[%dma_start3A_495, %dma_start3A_496] : memref<1000000x32xf32, #tpu.memory_space<hbm>> -> memref<1000000x32xf32, #tpu.memory_space<hbm>>
    tpu.enqueue_indirect_dma source(%dma_start3A_497 : memref<1000000x32xf32, #tpu.memory_space<hbm>>) target(%dma_start3A_491 : memref<50x32xf32, #tpu.memory_space<vmem>>) offsets(%dma_start3A_494 : memref<50xi32, #tpu.memory_space<vmem>>) semaphore(%arg10 : memref<!tpu.dma_semaphore, #tpu.memory_space<semaphore_mem>>)
    %dma_start3A_498 = arith.constant 9 : i32
    %dma_start3A_499 = arith.constant 9 : i32
    %dma_start3A_500 = arith.constant 0 : i32
    %dma_start3A_501 = arith.constant 0 : i32
    %dma_start3A_502 = tpu.memref_slice %arg8[%dma_start3A_499, %dma_start3A_500, %dma_start3A_501] : memref<32x50x32xf32, #tpu.memory_space<vmem>> -> memref<1x50x32xf32, #tpu.memory_space<vmem>>
    %dma_start3A_503 = tpu.memref_squeeze %dma_start3A_502 : memref<1x50x32xf32, #tpu.memory_space<vmem>> -> memref<50x32xf32, #tpu.memory_space<vmem>>
    %dma_start3A_504 = arith.constant 0 : i32
    %dma_start3A_505 = tpu.memref_slice %arg6[%dma_start3A_498, %dma_start3A_504] : memref<32x50xi32, #tpu.memory_space<vmem>> -> memref<1x50xi32, #tpu.memory_space<vmem>>
    %dma_start3A_506 = tpu.memref_squeeze %dma_start3A_505 : memref<1x50xi32, #tpu.memory_space<vmem>> -> memref<50xi32, #tpu.memory_space<vmem>>
    %dma_start3A_507 = arith.constant 0 : i32
    %dma_start3A_508 = arith.constant 0 : i32
    %dma_start3A_509 = tpu.memref_slice %arg3[%dma_start3A_507, %dma_start3A_508] : memref<1000000x32xf32, #tpu.memory_space<hbm>> -> memref<1000000x32xf32, #tpu.memory_space<hbm>>
    tpu.enqueue_indirect_dma source(%dma_start3A_509 : memref<1000000x32xf32, #tpu.memory_space<hbm>>) target(%dma_start3A_503 : memref<50x32xf32, #tpu.memory_space<vmem>>) offsets(%dma_start3A_506 : memref<50xi32, #tpu.memory_space<vmem>>) semaphore(%arg10 : memref<!tpu.dma_semaphore, #tpu.memory_space<semaphore_mem>>)
    %dma_start3A_510 = arith.constant 10 : i32
    %dma_start3A_511 = arith.constant 10 : i32
    %dma_start3A_512 = arith.constant 0 : i32
    %dma_start3A_513 = arith.constant 0 : i32
    %dma_start3A_514 = tpu.memref_slice %arg8[%dma_start3A_511, %dma_start3A_512, %dma_start3A_513] : memref<32x50x32xf32, #tpu.memory_space<vmem>> -> memref<1x50x32xf32, #tpu.memory_space<vmem>>
    %dma_start3A_515 = tpu.memref_squeeze %dma_start3A_514 : memref<1x50x32xf32, #tpu.memory_space<vmem>> -> memref<50x32xf32, #tpu.memory_space<vmem>>
    %dma_start3A_516 = arith.constant 0 : i32
    %dma_start3A_517 = tpu.memref_slice %arg6[%dma_start3A_510, %dma_start3A_516] : memref<32x50xi32, #tpu.memory_space<vmem>> -> memref<1x50xi32, #tpu.memory_space<vmem>>
    %dma_start3A_518 = tpu.memref_squeeze %dma_start3A_517 : memref<1x50xi32, #tpu.memory_space<vmem>> -> memref<50xi32, #tpu.memory_space<vmem>>
    %dma_start3A_519 = arith.constant 0 : i32
    %dma_start3A_520 = arith.constant 0 : i32
    %dma_start3A_521 = tpu.memref_slice %arg3[%dma_start3A_519, %dma_start3A_520] : memref<1000000x32xf32, #tpu.memory_space<hbm>> -> memref<1000000x32xf32, #tpu.memory_space<hbm>>
    tpu.enqueue_indirect_dma source(%dma_start3A_521 : memref<1000000x32xf32, #tpu.memory_space<hbm>>) target(%dma_start3A_515 : memref<50x32xf32, #tpu.memory_space<vmem>>) offsets(%dma_start3A_518 : memref<50xi32, #tpu.memory_space<vmem>>) semaphore(%arg10 : memref<!tpu.dma_semaphore, #tpu.memory_space<semaphore_mem>>)
    %dma_start3A_522 = arith.constant 11 : i32
    %dma_start3A_523 = arith.constant 11 : i32
    %dma_start3A_524 = arith.constant 0 : i32
    %dma_start3A_525 = arith.constant 0 : i32
    %dma_start3A_526 = tpu.memref_slice %arg8[%dma_start3A_523, %dma_start3A_524, %dma_start3A_525] : memref<32x50x32xf32, #tpu.memory_space<vmem>> -> memref<1x50x32xf32, #tpu.memory_space<vmem>>
    %dma_start3A_527 = tpu.memref_squeeze %dma_start3A_526 : memref<1x50x32xf32, #tpu.memory_space<vmem>> -> memref<50x32xf32, #tpu.memory_space<vmem>>
    %dma_start3A_528 = arith.constant 0 : i32
    %dma_start3A_529 = tpu.memref_slice %arg6[%dma_start3A_522, %dma_start3A_528] : memref<32x50xi32, #tpu.memory_space<vmem>> -> memref<1x50xi32, #tpu.memory_space<vmem>>
    %dma_start3A_530 = tpu.memref_squeeze %dma_start3A_529 : memref<1x50xi32, #tpu.memory_space<vmem>> -> memref<50xi32, #tpu.memory_space<vmem>>
    %dma_start3A_531 = arith.constant 0 : i32
    %dma_start3A_532 = arith.constant 0 : i32
    %dma_start3A_533 = tpu.memref_slice %arg3[%dma_start3A_531, %dma_start3A_532] : memref<1000000x32xf32, #tpu.memory_space<hbm>> -> memref<1000000x32xf32, #tpu.memory_space<hbm>>
    tpu.enqueue_indirect_dma source(%dma_start3A_533 : memref<1000000x32xf32, #tpu.memory_space<hbm>>) target(%dma_start3A_527 : memref<50x32xf32, #tpu.memory_space<vmem>>) offsets(%dma_start3A_530 : memref<50xi32, #tpu.memory_space<vmem>>) semaphore(%arg10 : memref<!tpu.dma_semaphore, #tpu.memory_space<semaphore_mem>>)
    %dma_start3A_534 = arith.constant 12 : i32
    %dma_start3A_535 = arith.constant 12 : i32
    %dma_start3A_536 = arith.constant 0 : i32
    %dma_start3A_537 = arith.constant 0 : i32
    %dma_start3A_538 = tpu.memref_slice %arg8[%dma_start3A_535, %dma_start3A_536, %dma_start3A_537] : memref<32x50x32xf32, #tpu.memory_space<vmem>> -> memref<1x50x32xf32, #tpu.memory_space<vmem>>
    %dma_start3A_539 = tpu.memref_squeeze %dma_start3A_538 : memref<1x50x32xf32, #tpu.memory_space<vmem>> -> memref<50x32xf32, #tpu.memory_space<vmem>>
    %dma_start3A_540 = arith.constant 0 : i32
    %dma_start3A_541 = tpu.memref_slice %arg6[%dma_start3A_534, %dma_start3A_540] : memref<32x50xi32, #tpu.memory_space<vmem>> -> memref<1x50xi32, #tpu.memory_space<vmem>>
    %dma_start3A_542 = tpu.memref_squeeze %dma_start3A_541 : memref<1x50xi32, #tpu.memory_space<vmem>> -> memref<50xi32, #tpu.memory_space<vmem>>
    %dma_start3A_543 = arith.constant 0 : i32
    %dma_start3A_544 = arith.constant 0 : i32
    %dma_start3A_545 = tpu.memref_slice %arg3[%dma_start3A_543, %dma_start3A_544] : memref<1000000x32xf32, #tpu.memory_space<hbm>> -> memref<1000000x32xf32, #tpu.memory_space<hbm>>
    tpu.enqueue_indirect_dma source(%dma_start3A_545 : memref<1000000x32xf32, #tpu.memory_space<hbm>>) target(%dma_start3A_539 : memref<50x32xf32, #tpu.memory_space<vmem>>) offsets(%dma_start3A_542 : memref<50xi32, #tpu.memory_space<vmem>>) semaphore(%arg10 : memref<!tpu.dma_semaphore, #tpu.memory_space<semaphore_mem>>)
    %dma_start3A_546 = arith.constant 13 : i32
    %dma_start3A_547 = arith.constant 13 : i32
    %dma_start3A_548 = arith.constant 0 : i32
    %dma_start3A_549 = arith.constant 0 : i32
    %dma_start3A_550 = tpu.memref_slice %arg8[%dma_start3A_547, %dma_start3A_548, %dma_start3A_549] : memref<32x50x32xf32, #tpu.memory_space<vmem>> -> memref<1x50x32xf32, #tpu.memory_space<vmem>>
    %dma_start3A_551 = tpu.memref_squeeze %dma_start3A_550 : memref<1x50x32xf32, #tpu.memory_space<vmem>> -> memref<50x32xf32, #tpu.memory_space<vmem>>
    %dma_start3A_552 = arith.constant 0 : i32
    %dma_start3A_553 = tpu.memref_slice %arg6[%dma_start3A_546, %dma_start3A_552] : memref<32x50xi32, #tpu.memory_space<vmem>> -> memref<1x50xi32, #tpu.memory_space<vmem>>
    %dma_start3A_554 = tpu.memref_squeeze %dma_start3A_553 : memref<1x50xi32, #tpu.memory_space<vmem>> -> memref<50xi32, #tpu.memory_space<vmem>>
    %dma_start3A_555 = arith.constant 0 : i32
    %dma_start3A_556 = arith.constant 0 : i32
    %dma_start3A_557 = tpu.memref_slice %arg3[%dma_start3A_555, %dma_start3A_556] : memref<1000000x32xf32, #tpu.memory_space<hbm>> -> memref<1000000x32xf32, #tpu.memory_space<hbm>>
    tpu.enqueue_indirect_dma source(%dma_start3A_557 : memref<1000000x32xf32, #tpu.memory_space<hbm>>) target(%dma_start3A_551 : memref<50x32xf32, #tpu.memory_space<vmem>>) offsets(%dma_start3A_554 : memref<50xi32, #tpu.memory_space<vmem>>) semaphore(%arg10 : memref<!tpu.dma_semaphore, #tpu.memory_space<semaphore_mem>>)
    %dma_start3A_558 = arith.constant 14 : i32
    %dma_start3A_559 = arith.constant 14 : i32
    %dma_start3A_560 = arith.constant 0 : i32
    %dma_start3A_561 = arith.constant 0 : i32
    %dma_start3A_562 = tpu.memref_slice %arg8[%dma_start3A_559, %dma_start3A_560, %dma_start3A_561] : memref<32x50x32xf32, #tpu.memory_space<vmem>> -> memref<1x50x32xf32, #tpu.memory_space<vmem>>
    %dma_start3A_563 = tpu.memref_squeeze %dma_start3A_562 : memref<1x50x32xf32, #tpu.memory_space<vmem>> -> memref<50x32xf32, #tpu.memory_space<vmem>>
    %dma_start3A_564 = arith.constant 0 : i32
    %dma_start3A_565 = tpu.memref_slice %arg6[%dma_start3A_558, %dma_start3A_564] : memref<32x50xi32, #tpu.memory_space<vmem>> -> memref<1x50xi32, #tpu.memory_space<vmem>>
    %dma_start3A_566 = tpu.memref_squeeze %dma_start3A_565 : memref<1x50xi32, #tpu.memory_space<vmem>> -> memref<50xi32, #tpu.memory_space<vmem>>
    %dma_start3A_567 = arith.constant 0 : i32
    %dma_start3A_568 = arith.constant 0 : i32
    %dma_start3A_569 = tpu.memref_slice %arg3[%dma_start3A_567, %dma_start3A_568] : memref<1000000x32xf32, #tpu.memory_space<hbm>> -> memref<1000000x32xf32, #tpu.memory_space<hbm>>
    tpu.enqueue_indirect_dma source(%dma_start3A_569 : memref<1000000x32xf32, #tpu.memory_space<hbm>>) target(%dma_start3A_563 : memref<50x32xf32, #tpu.memory_space<vmem>>) offsets(%dma_start3A_566 : memref<50xi32, #tpu.memory_space<vmem>>) semaphore(%arg10 : memref<!tpu.dma_semaphore, #tpu.memory_space<semaphore_mem>>)
    %dma_start3A_570 = arith.constant 15 : i32
    %dma_start3A_571 = arith.constant 15 : i32
    %dma_start3A_572 = arith.constant 0 : i32
    %dma_start3A_573 = arith.constant 0 : i32
    %dma_start3A_574 = tpu.memref_slice %arg8[%dma_start3A_571, %dma_start3A_572, %dma_start3A_573] : memref<32x50x32xf32, #tpu.memory_space<vmem>> -> memref<1x50x32xf32, #tpu.memory_space<vmem>>
    %dma_start3A_575 = tpu.memref_squeeze %dma_start3A_574 : memref<1x50x32xf32, #tpu.memory_space<vmem>> -> memref<50x32xf32, #tpu.memory_space<vmem>>
    %dma_start3A_576 = arith.constant 0 : i32
    %dma_start3A_577 = tpu.memref_slice %arg6[%dma_start3A_570, %dma_start3A_576] : memref<32x50xi32, #tpu.memory_space<vmem>> -> memref<1x50xi32, #tpu.memory_space<vmem>>
    %dma_start3A_578 = tpu.memref_squeeze %dma_start3A_577 : memref<1x50xi32, #tpu.memory_space<vmem>> -> memref<50xi32, #tpu.memory_space<vmem>>
    %dma_start3A_579 = arith.constant 0 : i32
    %dma_start3A_580 = arith.constant 0 : i32
    %dma_start3A_581 = tpu.memref_slice %arg3[%dma_start3A_579, %dma_start3A_580] : memref<1000000x32xf32, #tpu.memory_space<hbm>> -> memref<1000000x32xf32, #tpu.memory_space<hbm>>
    tpu.enqueue_indirect_dma source(%dma_start3A_581 : memref<1000000x32xf32, #tpu.memory_space<hbm>>) target(%dma_start3A_575 : memref<50x32xf32, #tpu.memory_space<vmem>>) offsets(%dma_start3A_578 : memref<50xi32, #tpu.memory_space<vmem>>) semaphore(%arg10 : memref<!tpu.dma_semaphore, #tpu.memory_space<semaphore_mem>>)
    %dma_start3A_582 = arith.constant 16 : i32
    %dma_start3A_583 = arith.constant 16 : i32
    %dma_start3A_584 = arith.constant 0 : i32
    %dma_start3A_585 = arith.constant 0 : i32
    %dma_start3A_586 = tpu.memref_slice %arg8[%dma_start3A_583, %dma_start3A_584, %dma_start3A_585] : memref<32x50x32xf32, #tpu.memory_space<vmem>> -> memref<1x50x32xf32, #tpu.memory_space<vmem>>
    %dma_start3A_587 = tpu.memref_squeeze %dma_start3A_586 : memref<1x50x32xf32, #tpu.memory_space<vmem>> -> memref<50x32xf32, #tpu.memory_space<vmem>>
    %dma_start3A_588 = arith.constant 0 : i32
    %dma_start3A_589 = tpu.memref_slice %arg6[%dma_start3A_582, %dma_start3A_588] : memref<32x50xi32, #tpu.memory_space<vmem>> -> memref<1x50xi32, #tpu.memory_space<vmem>>
    %dma_start3A_590 = tpu.memref_squeeze %dma_start3A_589 : memref<1x50xi32, #tpu.memory_space<vmem>> -> memref<50xi32, #tpu.memory_space<vmem>>
    %dma_start3A_591 = arith.constant 0 : i32
    %dma_start3A_592 = arith.constant 0 : i32
    %dma_start3A_593 = tpu.memref_slice %arg3[%dma_start3A_591, %dma_start3A_592] : memref<1000000x32xf32, #tpu.memory_space<hbm>> -> memref<1000000x32xf32, #tpu.memory_space<hbm>>
    tpu.enqueue_indirect_dma source(%dma_start3A_593 : memref<1000000x32xf32, #tpu.memory_space<hbm>>) target(%dma_start3A_587 : memref<50x32xf32, #tpu.memory_space<vmem>>) offsets(%dma_start3A_590 : memref<50xi32, #tpu.memory_space<vmem>>) semaphore(%arg10 : memref<!tpu.dma_semaphore, #tpu.memory_space<semaphore_mem>>)
    %dma_start3A_594 = arith.constant 17 : i32
    %dma_start3A_595 = arith.constant 17 : i32
    %dma_start3A_596 = arith.constant 0 : i32
    %dma_start3A_597 = arith.constant 0 : i32
    %dma_start3A_598 = tpu.memref_slice %arg8[%dma_start3A_595, %dma_start3A_596, %dma_start3A_597] : memref<32x50x32xf32, #tpu.memory_space<vmem>> -> memref<1x50x32xf32, #tpu.memory_space<vmem>>
    %dma_start3A_599 = tpu.memref_squeeze %dma_start3A_598 : memref<1x50x32xf32, #tpu.memory_space<vmem>> -> memref<50x32xf32, #tpu.memory_space<vmem>>
    %dma_start3A_600 = arith.constant 0 : i32
    %dma_start3A_601 = tpu.memref_slice %arg6[%dma_start3A_594, %dma_start3A_600] : memref<32x50xi32, #tpu.memory_space<vmem>> -> memref<1x50xi32, #tpu.memory_space<vmem>>
    %dma_start3A_602 = tpu.memref_squeeze %dma_start3A_601 : memref<1x50xi32, #tpu.memory_space<vmem>> -> memref<50xi32, #tpu.memory_space<vmem>>
    %dma_start3A_603 = arith.constant 0 : i32
    %dma_start3A_604 = arith.constant 0 : i32
    %dma_start3A_605 = tpu.memref_slice %arg3[%dma_start3A_603, %dma_start3A_604] : memref<1000000x32xf32, #tpu.memory_space<hbm>> -> memref<1000000x32xf32, #tpu.memory_space<hbm>>
    tpu.enqueue_indirect_dma source(%dma_start3A_605 : memref<1000000x32xf32, #tpu.memory_space<hbm>>) target(%dma_start3A_599 : memref<50x32xf32, #tpu.memory_space<vmem>>) offsets(%dma_start3A_602 : memref<50xi32, #tpu.memory_space<vmem>>) semaphore(%arg10 : memref<!tpu.dma_semaphore, #tpu.memory_space<semaphore_mem>>)
    %dma_start3A_606 = arith.constant 18 : i32
    %dma_start3A_607 = arith.constant 18 : i32
    %dma_start3A_608 = arith.constant 0 : i32
    %dma_start3A_609 = arith.constant 0 : i32
    %dma_start3A_610 = tpu.memref_slice %arg8[%dma_start3A_607, %dma_start3A_608, %dma_start3A_609] : memref<32x50x32xf32, #tpu.memory_space<vmem>> -> memref<1x50x32xf32, #tpu.memory_space<vmem>>
    %dma_start3A_611 = tpu.memref_squeeze %dma_start3A_610 : memref<1x50x32xf32, #tpu.memory_space<vmem>> -> memref<50x32xf32, #tpu.memory_space<vmem>>
    %dma_start3A_612 = arith.constant 0 : i32
    %dma_start3A_613 = tpu.memref_slice %arg6[%dma_start3A_606, %dma_start3A_612] : memref<32x50xi32, #tpu.memory_space<vmem>> -> memref<1x50xi32, #tpu.memory_space<vmem>>
    %dma_start3A_614 = tpu.memref_squeeze %dma_start3A_613 : memref<1x50xi32, #tpu.memory_space<vmem>> -> memref<50xi32, #tpu.memory_space<vmem>>
    %dma_start3A_615 = arith.constant 0 : i32
    %dma_start3A_616 = arith.constant 0 : i32
    %dma_start3A_617 = tpu.memref_slice %arg3[%dma_start3A_615, %dma_start3A_616] : memref<1000000x32xf32, #tpu.memory_space<hbm>> -> memref<1000000x32xf32, #tpu.memory_space<hbm>>
    tpu.enqueue_indirect_dma source(%dma_start3A_617 : memref<1000000x32xf32, #tpu.memory_space<hbm>>) target(%dma_start3A_611 : memref<50x32xf32, #tpu.memory_space<vmem>>) offsets(%dma_start3A_614 : memref<50xi32, #tpu.memory_space<vmem>>) semaphore(%arg10 : memref<!tpu.dma_semaphore, #tpu.memory_space<semaphore_mem>>)
    %dma_start3A_618 = arith.constant 19 : i32
    %dma_start3A_619 = arith.constant 19 : i32
    %dma_start3A_620 = arith.constant 0 : i32
    %dma_start3A_621 = arith.constant 0 : i32
    %dma_start3A_622 = tpu.memref_slice %arg8[%dma_start3A_619, %dma_start3A_620, %dma_start3A_621] : memref<32x50x32xf32, #tpu.memory_space<vmem>> -> memref<1x50x32xf32, #tpu.memory_space<vmem>>
    %dma_start3A_623 = tpu.memref_squeeze %dma_start3A_622 : memref<1x50x32xf32, #tpu.memory_space<vmem>> -> memref<50x32xf32, #tpu.memory_space<vmem>>
    %dma_start3A_624 = arith.constant 0 : i32
    %dma_start3A_625 = tpu.memref_slice %arg6[%dma_start3A_618, %dma_start3A_624] : memref<32x50xi32, #tpu.memory_space<vmem>> -> memref<1x50xi32, #tpu.memory_space<vmem>>
    %dma_start3A_626 = tpu.memref_squeeze %dma_start3A_625 : memref<1x50xi32, #tpu.memory_space<vmem>> -> memref<50xi32, #tpu.memory_space<vmem>>
    %dma_start3A_627 = arith.constant 0 : i32
    %dma_start3A_628 = arith.constant 0 : i32
    %dma_start3A_629 = tpu.memref_slice %arg3[%dma_start3A_627, %dma_start3A_628] : memref<1000000x32xf32, #tpu.memory_space<hbm>> -> memref<1000000x32xf32, #tpu.memory_space<hbm>>
    tpu.enqueue_indirect_dma source(%dma_start3A_629 : memref<1000000x32xf32, #tpu.memory_space<hbm>>) target(%dma_start3A_623 : memref<50x32xf32, #tpu.memory_space<vmem>>) offsets(%dma_start3A_626 : memref<50xi32, #tpu.memory_space<vmem>>) semaphore(%arg10 : memref<!tpu.dma_semaphore, #tpu.memory_space<semaphore_mem>>)
    %dma_start3A_630 = arith.constant 20 : i32
    %dma_start3A_631 = arith.constant 20 : i32
    %dma_start3A_632 = arith.constant 0 : i32
    %dma_start3A_633 = arith.constant 0 : i32
    %dma_start3A_634 = tpu.memref_slice %arg8[%dma_start3A_631, %dma_start3A_632, %dma_start3A_633] : memref<32x50x32xf32, #tpu.memory_space<vmem>> -> memref<1x50x32xf32, #tpu.memory_space<vmem>>
    %dma_start3A_635 = tpu.memref_squeeze %dma_start3A_634 : memref<1x50x32xf32, #tpu.memory_space<vmem>> -> memref<50x32xf32, #tpu.memory_space<vmem>>
    %dma_start3A_636 = arith.constant 0 : i32
    %dma_start3A_637 = tpu.memref_slice %arg6[%dma_start3A_630, %dma_start3A_636] : memref<32x50xi32, #tpu.memory_space<vmem>> -> memref<1x50xi32, #tpu.memory_space<vmem>>
    %dma_start3A_638 = tpu.memref_squeeze %dma_start3A_637 : memref<1x50xi32, #tpu.memory_space<vmem>> -> memref<50xi32, #tpu.memory_space<vmem>>
    %dma_start3A_639 = arith.constant 0 : i32
    %dma_start3A_640 = arith.constant 0 : i32
    %dma_start3A_641 = tpu.memref_slice %arg3[%dma_start3A_639, %dma_start3A_640] : memref<1000000x32xf32, #tpu.memory_space<hbm>> -> memref<1000000x32xf32, #tpu.memory_space<hbm>>
    tpu.enqueue_indirect_dma source(%dma_start3A_641 : memref<1000000x32xf32, #tpu.memory_space<hbm>>) target(%dma_start3A_635 : memref<50x32xf32, #tpu.memory_space<vmem>>) offsets(%dma_start3A_638 : memref<50xi32, #tpu.memory_space<vmem>>) semaphore(%arg10 : memref<!tpu.dma_semaphore, #tpu.memory_space<semaphore_mem>>)
    %dma_start3A_642 = arith.constant 21 : i32
    %dma_start3A_643 = arith.constant 21 : i32
    %dma_start3A_644 = arith.constant 0 : i32
    %dma_start3A_645 = arith.constant 0 : i32
    %dma_start3A_646 = tpu.memref_slice %arg8[%dma_start3A_643, %dma_start3A_644, %dma_start3A_645] : memref<32x50x32xf32, #tpu.memory_space<vmem>> -> memref<1x50x32xf32, #tpu.memory_space<vmem>>
    %dma_start3A_647 = tpu.memref_squeeze %dma_start3A_646 : memref<1x50x32xf32, #tpu.memory_space<vmem>> -> memref<50x32xf32, #tpu.memory_space<vmem>>
    %dma_start3A_648 = arith.constant 0 : i32
    %dma_start3A_649 = tpu.memref_slice %arg6[%dma_start3A_642, %dma_start3A_648] : memref<32x50xi32, #tpu.memory_space<vmem>> -> memref<1x50xi32, #tpu.memory_space<vmem>>
    %dma_start3A_650 = tpu.memref_squeeze %dma_start3A_649 : memref<1x50xi32, #tpu.memory_space<vmem>> -> memref<50xi32, #tpu.memory_space<vmem>>
    %dma_start3A_651 = arith.constant 0 : i32
    %dma_start3A_652 = arith.constant 0 : i32
    %dma_start3A_653 = tpu.memref_slice %arg3[%dma_start3A_651, %dma_start3A_652] : memref<1000000x32xf32, #tpu.memory_space<hbm>> -> memref<1000000x32xf32, #tpu.memory_space<hbm>>
    tpu.enqueue_indirect_dma source(%dma_start3A_653 : memref<1000000x32xf32, #tpu.memory_space<hbm>>) target(%dma_start3A_647 : memref<50x32xf32, #tpu.memory_space<vmem>>) offsets(%dma_start3A_650 : memref<50xi32, #tpu.memory_space<vmem>>) semaphore(%arg10 : memref<!tpu.dma_semaphore, #tpu.memory_space<semaphore_mem>>)
    %dma_start3A_654 = arith.constant 22 : i32
    %dma_start3A_655 = arith.constant 22 : i32
    %dma_start3A_656 = arith.constant 0 : i32
    %dma_start3A_657 = arith.constant 0 : i32
    %dma_start3A_658 = tpu.memref_slice %arg8[%dma_start3A_655, %dma_start3A_656, %dma_start3A_657] : memref<32x50x32xf32, #tpu.memory_space<vmem>> -> memref<1x50x32xf32, #tpu.memory_space<vmem>>
    %dma_start3A_659 = tpu.memref_squeeze %dma_start3A_658 : memref<1x50x32xf32, #tpu.memory_space<vmem>> -> memref<50x32xf32, #tpu.memory_space<vmem>>
    %dma_start3A_660 = arith.constant 0 : i32
    %dma_start3A_661 = tpu.memref_slice %arg6[%dma_start3A_654, %dma_start3A_660] : memref<32x50xi32, #tpu.memory_space<vmem>> -> memref<1x50xi32, #tpu.memory_space<vmem>>
    %dma_start3A_662 = tpu.memref_squeeze %dma_start3A_661 : memref<1x50xi32, #tpu.memory_space<vmem>> -> memref<50xi32, #tpu.memory_space<vmem>>
    %dma_start3A_663 = arith.constant 0 : i32
    %dma_start3A_664 = arith.constant 0 : i32
    %dma_start3A_665 = tpu.memref_slice %arg3[%dma_start3A_663, %dma_start3A_664] : memref<1000000x32xf32, #tpu.memory_space<hbm>> -> memref<1000000x32xf32, #tpu.memory_space<hbm>>
    tpu.enqueue_indirect_dma source(%dma_start3A_665 : memref<1000000x32xf32, #tpu.memory_space<hbm>>) target(%dma_start3A_659 : memref<50x32xf32, #tpu.memory_space<vmem>>) offsets(%dma_start3A_662 : memref<50xi32, #tpu.memory_space<vmem>>) semaphore(%arg10 : memref<!tpu.dma_semaphore, #tpu.memory_space<semaphore_mem>>)
    %dma_start3A_666 = arith.constant 23 : i32
    %dma_start3A_667 = arith.constant 23 : i32
    %dma_start3A_668 = arith.constant 0 : i32
    %dma_start3A_669 = arith.constant 0 : i32
    %dma_start3A_670 = tpu.memref_slice %arg8[%dma_start3A_667, %dma_start3A_668, %dma_start3A_669] : memref<32x50x32xf32, #tpu.memory_space<vmem>> -> memref<1x50x32xf32, #tpu.memory_space<vmem>>
    %dma_start3A_671 = tpu.memref_squeeze %dma_start3A_670 : memref<1x50x32xf32, #tpu.memory_space<vmem>> -> memref<50x32xf32, #tpu.memory_space<vmem>>
    %dma_start3A_672 = arith.constant 0 : i32
    %dma_start3A_673 = tpu.memref_slice %arg6[%dma_start3A_666, %dma_start3A_672] : memref<32x50xi32, #tpu.memory_space<vmem>> -> memref<1x50xi32, #tpu.memory_space<vmem>>
    %dma_start3A_674 = tpu.memref_squeeze %dma_start3A_673 : memref<1x50xi32, #tpu.memory_space<vmem>> -> memref<50xi32, #tpu.memory_space<vmem>>
    %dma_start3A_675 = arith.constant 0 : i32
    %dma_start3A_676 = arith.constant 0 : i32
    %dma_start3A_677 = tpu.memref_slice %arg3[%dma_start3A_675, %dma_start3A_676] : memref<1000000x32xf32, #tpu.memory_space<hbm>> -> memref<1000000x32xf32, #tpu.memory_space<hbm>>
    tpu.enqueue_indirect_dma source(%dma_start3A_677 : memref<1000000x32xf32, #tpu.memory_space<hbm>>) target(%dma_start3A_671 : memref<50x32xf32, #tpu.memory_space<vmem>>) offsets(%dma_start3A_674 : memref<50xi32, #tpu.memory_space<vmem>>) semaphore(%arg10 : memref<!tpu.dma_semaphore, #tpu.memory_space<semaphore_mem>>)
    %dma_start3A_678 = arith.constant 24 : i32
    %dma_start3A_679 = arith.constant 24 : i32
    %dma_start3A_680 = arith.constant 0 : i32
    %dma_start3A_681 = arith.constant 0 : i32
    %dma_start3A_682 = tpu.memref_slice %arg8[%dma_start3A_679, %dma_start3A_680, %dma_start3A_681] : memref<32x50x32xf32, #tpu.memory_space<vmem>> -> memref<1x50x32xf32, #tpu.memory_space<vmem>>
    %dma_start3A_683 = tpu.memref_squeeze %dma_start3A_682 : memref<1x50x32xf32, #tpu.memory_space<vmem>> -> memref<50x32xf32, #tpu.memory_space<vmem>>
    %dma_start3A_684 = arith.constant 0 : i32
    %dma_start3A_685 = tpu.memref_slice %arg6[%dma_start3A_678, %dma_start3A_684] : memref<32x50xi32, #tpu.memory_space<vmem>> -> memref<1x50xi32, #tpu.memory_space<vmem>>
    %dma_start3A_686 = tpu.memref_squeeze %dma_start3A_685 : memref<1x50xi32, #tpu.memory_space<vmem>> -> memref<50xi32, #tpu.memory_space<vmem>>
    %dma_start3A_687 = arith.constant 0 : i32
    %dma_start3A_688 = arith.constant 0 : i32
    %dma_start3A_689 = tpu.memref_slice %arg3[%dma_start3A_687, %dma_start3A_688] : memref<1000000x32xf32, #tpu.memory_space<hbm>> -> memref<1000000x32xf32, #tpu.memory_space<hbm>>
    tpu.enqueue_indirect_dma source(%dma_start3A_689 : memref<1000000x32xf32, #tpu.memory_space<hbm>>) target(%dma_start3A_683 : memref<50x32xf32, #tpu.memory_space<vmem>>) offsets(%dma_start3A_686 : memref<50xi32, #tpu.memory_space<vmem>>) semaphore(%arg10 : memref<!tpu.dma_semaphore, #tpu.memory_space<semaphore_mem>>)
    %dma_start3A_690 = arith.constant 25 : i32
    %dma_start3A_691 = arith.constant 25 : i32
    %dma_start3A_692 = arith.constant 0 : i32
    %dma_start3A_693 = arith.constant 0 : i32
    %dma_start3A_694 = tpu.memref_slice %arg8[%dma_start3A_691, %dma_start3A_692, %dma_start3A_693] : memref<32x50x32xf32, #tpu.memory_space<vmem>> -> memref<1x50x32xf32, #tpu.memory_space<vmem>>
    %dma_start3A_695 = tpu.memref_squeeze %dma_start3A_694 : memref<1x50x32xf32, #tpu.memory_space<vmem>> -> memref<50x32xf32, #tpu.memory_space<vmem>>
    %dma_start3A_696 = arith.constant 0 : i32
    %dma_start3A_697 = tpu.memref_slice %arg6[%dma_start3A_690, %dma_start3A_696] : memref<32x50xi32, #tpu.memory_space<vmem>> -> memref<1x50xi32, #tpu.memory_space<vmem>>
    %dma_start3A_698 = tpu.memref_squeeze %dma_start3A_697 : memref<1x50xi32, #tpu.memory_space<vmem>> -> memref<50xi32, #tpu.memory_space<vmem>>
    %dma_start3A_699 = arith.constant 0 : i32
    %dma_start3A_700 = arith.constant 0 : i32
    %dma_start3A_701 = tpu.memref_slice %arg3[%dma_start3A_699, %dma_start3A_700] : memref<1000000x32xf32, #tpu.memory_space<hbm>> -> memref<1000000x32xf32, #tpu.memory_space<hbm>>
    tpu.enqueue_indirect_dma source(%dma_start3A_701 : memref<1000000x32xf32, #tpu.memory_space<hbm>>) target(%dma_start3A_695 : memref<50x32xf32, #tpu.memory_space<vmem>>) offsets(%dma_start3A_698 : memref<50xi32, #tpu.memory_space<vmem>>) semaphore(%arg10 : memref<!tpu.dma_semaphore, #tpu.memory_space<semaphore_mem>>)
    %dma_start3A_702 = arith.constant 26 : i32
    %dma_start3A_703 = arith.constant 26 : i32
    %dma_start3A_704 = arith.constant 0 : i32
    %dma_start3A_705 = arith.constant 0 : i32
    %dma_start3A_706 = tpu.memref_slice %arg8[%dma_start3A_703, %dma_start3A_704, %dma_start3A_705] : memref<32x50x32xf32, #tpu.memory_space<vmem>> -> memref<1x50x32xf32, #tpu.memory_space<vmem>>
    %dma_start3A_707 = tpu.memref_squeeze %dma_start3A_706 : memref<1x50x32xf32, #tpu.memory_space<vmem>> -> memref<50x32xf32, #tpu.memory_space<vmem>>
    %dma_start3A_708 = arith.constant 0 : i32
    %dma_start3A_709 = tpu.memref_slice %arg6[%dma_start3A_702, %dma_start3A_708] : memref<32x50xi32, #tpu.memory_space<vmem>> -> memref<1x50xi32, #tpu.memory_space<vmem>>
    %dma_start3A_710 = tpu.memref_squeeze %dma_start3A_709 : memref<1x50xi32, #tpu.memory_space<vmem>> -> memref<50xi32, #tpu.memory_space<vmem>>
    %dma_start3A_711 = arith.constant 0 : i32
    %dma_start3A_712 = arith.constant 0 : i32
    %dma_start3A_713 = tpu.memref_slice %arg3[%dma_start3A_711, %dma_start3A_712] : memref<1000000x32xf32, #tpu.memory_space<hbm>> -> memref<1000000x32xf32, #tpu.memory_space<hbm>>
    tpu.enqueue_indirect_dma source(%dma_start3A_713 : memref<1000000x32xf32, #tpu.memory_space<hbm>>) target(%dma_start3A_707 : memref<50x32xf32, #tpu.memory_space<vmem>>) offsets(%dma_start3A_710 : memref<50xi32, #tpu.memory_space<vmem>>) semaphore(%arg10 : memref<!tpu.dma_semaphore, #tpu.memory_space<semaphore_mem>>)
    %dma_start3A_714 = arith.constant 27 : i32
    %dma_start3A_715 = arith.constant 27 : i32
    %dma_start3A_716 = arith.constant 0 : i32
    %dma_start3A_717 = arith.constant 0 : i32
    %dma_start3A_718 = tpu.memref_slice %arg8[%dma_start3A_715, %dma_start3A_716, %dma_start3A_717] : memref<32x50x32xf32, #tpu.memory_space<vmem>> -> memref<1x50x32xf32, #tpu.memory_space<vmem>>
    %dma_start3A_719 = tpu.memref_squeeze %dma_start3A_718 : memref<1x50x32xf32, #tpu.memory_space<vmem>> -> memref<50x32xf32, #tpu.memory_space<vmem>>
    %dma_start3A_720 = arith.constant 0 : i32
    %dma_start3A_721 = tpu.memref_slice %arg6[%dma_start3A_714, %dma_start3A_720] : memref<32x50xi32, #tpu.memory_space<vmem>> -> memref<1x50xi32, #tpu.memory_space<vmem>>
    %dma_start3A_722 = tpu.memref_squeeze %dma_start3A_721 : memref<1x50xi32, #tpu.memory_space<vmem>> -> memref<50xi32, #tpu.memory_space<vmem>>
    %dma_start3A_723 = arith.constant 0 : i32
    %dma_start3A_724 = arith.constant 0 : i32
    %dma_start3A_725 = tpu.memref_slice %arg3[%dma_start3A_723, %dma_start3A_724] : memref<1000000x32xf32, #tpu.memory_space<hbm>> -> memref<1000000x32xf32, #tpu.memory_space<hbm>>
    tpu.enqueue_indirect_dma source(%dma_start3A_725 : memref<1000000x32xf32, #tpu.memory_space<hbm>>) target(%dma_start3A_719 : memref<50x32xf32, #tpu.memory_space<vmem>>) offsets(%dma_start3A_722 : memref<50xi32, #tpu.memory_space<vmem>>) semaphore(%arg10 : memref<!tpu.dma_semaphore, #tpu.memory_space<semaphore_mem>>)
    %dma_start3A_726 = arith.constant 28 : i32
    %dma_start3A_727 = arith.constant 28 : i32
    %dma_start3A_728 = arith.constant 0 : i32
    %dma_start3A_729 = arith.constant 0 : i32
    %dma_start3A_730 = tpu.memref_slice %arg8[%dma_start3A_727, %dma_start3A_728, %dma_start3A_729] : memref<32x50x32xf32, #tpu.memory_space<vmem>> -> memref<1x50x32xf32, #tpu.memory_space<vmem>>
    %dma_start3A_731 = tpu.memref_squeeze %dma_start3A_730 : memref<1x50x32xf32, #tpu.memory_space<vmem>> -> memref<50x32xf32, #tpu.memory_space<vmem>>
    %dma_start3A_732 = arith.constant 0 : i32
    %dma_start3A_733 = tpu.memref_slice %arg6[%dma_start3A_726, %dma_start3A_732] : memref<32x50xi32, #tpu.memory_space<vmem>> -> memref<1x50xi32, #tpu.memory_space<vmem>>
    %dma_start3A_734 = tpu.memref_squeeze %dma_start3A_733 : memref<1x50xi32, #tpu.memory_space<vmem>> -> memref<50xi32, #tpu.memory_space<vmem>>
    %dma_start3A_735 = arith.constant 0 : i32
    %dma_start3A_736 = arith.constant 0 : i32
    %dma_start3A_737 = tpu.memref_slice %arg3[%dma_start3A_735, %dma_start3A_736] : memref<1000000x32xf32, #tpu.memory_space<hbm>> -> memref<1000000x32xf32, #tpu.memory_space<hbm>>
    tpu.enqueue_indirect_dma source(%dma_start3A_737 : memref<1000000x32xf32, #tpu.memory_space<hbm>>) target(%dma_start3A_731 : memref<50x32xf32, #tpu.memory_space<vmem>>) offsets(%dma_start3A_734 : memref<50xi32, #tpu.memory_space<vmem>>) semaphore(%arg10 : memref<!tpu.dma_semaphore, #tpu.memory_space<semaphore_mem>>)
    %dma_start3A_738 = arith.constant 29 : i32
    %dma_start3A_739 = arith.constant 29 : i32
    %dma_start3A_740 = arith.constant 0 : i32
    %dma_start3A_741 = arith.constant 0 : i32
    %dma_start3A_742 = tpu.memref_slice %arg8[%dma_start3A_739, %dma_start3A_740, %dma_start3A_741] : memref<32x50x32xf32, #tpu.memory_space<vmem>> -> memref<1x50x32xf32, #tpu.memory_space<vmem>>
    %dma_start3A_743 = tpu.memref_squeeze %dma_start3A_742 : memref<1x50x32xf32, #tpu.memory_space<vmem>> -> memref<50x32xf32, #tpu.memory_space<vmem>>
    %dma_start3A_744 = arith.constant 0 : i32
    %dma_start3A_745 = tpu.memref_slice %arg6[%dma_start3A_738, %dma_start3A_744] : memref<32x50xi32, #tpu.memory_space<vmem>> -> memref<1x50xi32, #tpu.memory_space<vmem>>
    %dma_start3A_746 = tpu.memref_squeeze %dma_start3A_745 : memref<1x50xi32, #tpu.memory_space<vmem>> -> memref<50xi32, #tpu.memory_space<vmem>>
    %dma_start3A_747 = arith.constant 0 : i32
    %dma_start3A_748 = arith.constant 0 : i32
    %dma_start3A_749 = tpu.memref_slice %arg3[%dma_start3A_747, %dma_start3A_748] : memref<1000000x32xf32, #tpu.memory_space<hbm>> -> memref<1000000x32xf32, #tpu.memory_space<hbm>>
    tpu.enqueue_indirect_dma source(%dma_start3A_749 : memref<1000000x32xf32, #tpu.memory_space<hbm>>) target(%dma_start3A_743 : memref<50x32xf32, #tpu.memory_space<vmem>>) offsets(%dma_start3A_746 : memref<50xi32, #tpu.memory_space<vmem>>) semaphore(%arg10 : memref<!tpu.dma_semaphore, #tpu.memory_space<semaphore_mem>>)
    %dma_start3A_750 = arith.constant 30 : i32
    %dma_start3A_751 = arith.constant 30 : i32
    %dma_start3A_752 = arith.constant 0 : i32
    %dma_start3A_753 = arith.constant 0 : i32
    %dma_start3A_754 = tpu.memref_slice %arg8[%dma_start3A_751, %dma_start3A_752, %dma_start3A_753] : memref<32x50x32xf32, #tpu.memory_space<vmem>> -> memref<1x50x32xf32, #tpu.memory_space<vmem>>
    %dma_start3A_755 = tpu.memref_squeeze %dma_start3A_754 : memref<1x50x32xf32, #tpu.memory_space<vmem>> -> memref<50x32xf32, #tpu.memory_space<vmem>>
    %dma_start3A_756 = arith.constant 0 : i32
    %dma_start3A_757 = tpu.memref_slice %arg6[%dma_start3A_750, %dma_start3A_756] : memref<32x50xi32, #tpu.memory_space<vmem>> -> memref<1x50xi32, #tpu.memory_space<vmem>>
    %dma_start3A_758 = tpu.memref_squeeze %dma_start3A_757 : memref<1x50xi32, #tpu.memory_space<vmem>> -> memref<50xi32, #tpu.memory_space<vmem>>
    %dma_start3A_759 = arith.constant 0 : i32
    %dma_start3A_760 = arith.constant 0 : i32
    %dma_start3A_761 = tpu.memref_slice %arg3[%dma_start3A_759, %dma_start3A_760] : memref<1000000x32xf32, #tpu.memory_space<hbm>> -> memref<1000000x32xf32, #tpu.memory_space<hbm>>
    tpu.enqueue_indirect_dma source(%dma_start3A_761 : memref<1000000x32xf32, #tpu.memory_space<hbm>>) target(%dma_start3A_755 : memref<50x32xf32, #tpu.memory_space<vmem>>) offsets(%dma_start3A_758 : memref<50xi32, #tpu.memory_space<vmem>>) semaphore(%arg10 : memref<!tpu.dma_semaphore, #tpu.memory_space<semaphore_mem>>)
    %dma_start3A_762 = arith.constant 31 : i32
    %dma_start3A_763 = arith.constant 31 : i32
    %dma_start3A_764 = arith.constant 0 : i32
    %dma_start3A_765 = arith.constant 0 : i32
    %dma_start3A_766 = tpu.memref_slice %arg8[%dma_start3A_763, %dma_start3A_764, %dma_start3A_765] : memref<32x50x32xf32, #tpu.memory_space<vmem>> -> memref<1x50x32xf32, #tpu.memory_space<vmem>>
    %dma_start3A_767 = tpu.memref_squeeze %dma_start3A_766 : memref<1x50x32xf32, #tpu.memory_space<vmem>> -> memref<50x32xf32, #tpu.memory_space<vmem>>
    %dma_start3A_768 = arith.constant 0 : i32
    %dma_start3A_769 = tpu.memref_slice %arg6[%dma_start3A_762, %dma_start3A_768] : memref<32x50xi32, #tpu.memory_space<vmem>> -> memref<1x50xi32, #tpu.memory_space<vmem>>
    %dma_start3A_770 = tpu.memref_squeeze %dma_start3A_769 : memref<1x50xi32, #tpu.memory_space<vmem>> -> memref<50xi32, #tpu.memory_space<vmem>>
    %dma_start3A_771 = arith.constant 0 : i32
    %dma_start3A_772 = arith.constant 0 : i32
    %dma_start3A_773 = tpu.memref_slice %arg3[%dma_start3A_771, %dma_start3A_772] : memref<1000000x32xf32, #tpu.memory_space<hbm>> -> memref<1000000x32xf32, #tpu.memory_space<hbm>>
    tpu.enqueue_indirect_dma source(%dma_start3A_773 : memref<1000000x32xf32, #tpu.memory_space<hbm>>) target(%dma_start3A_767 : memref<50x32xf32, #tpu.memory_space<vmem>>) offsets(%dma_start3A_770 : memref<50xi32, #tpu.memory_space<vmem>>) semaphore(%arg10 : memref<!tpu.dma_semaphore, #tpu.memory_space<semaphore_mem>>)
    %scan3A = arith.constant 0 : i32
    %scan3A_774 = arith.constant 0 : i32
    %scan3A_775 = arith.constant 7 : i32
    %scan3A_776 = arith.addi %scan3A_774, %scan3A_775 : i32
    %scan3A_777 = arith.constant 1 : i32
    scf.for %scan3A_840 = %scan3A_774 to %scan3A_776 step %scan3A_777  : i32 {
      %mul3A_841 = arith.constant 2 : i32
      %mul3A_842 = arith.muli %mul3A_841, %scan3A_840 : i32
      %add3A_843 = arith.constant 0 : i32
      %add3A_844 = arith.addi %mul3A_842, %add3A_843 : i32
      %mul3A_845 = arith.constant 32 : i32
      %mul3A_846 = arith.muli %add3A_844, %mul3A_845 : i32
      %add3A_847 = arith.addi %mul3A_2, %mul3A_846 : i32
      %dma_wait3A_848 = arith.constant 0 : i32
      %dma_wait3A_849 = arith.constant 0 : i32
      %dma_wait3A_850 = arith.constant 0 : i32
      %dma_wait3A_851 = arith.constant 0 : i32
      %dma_wait3A_852 = tpu.memref_slice %arg4[%dma_wait3A_848, %dma_wait3A_849, %dma_wait3A_850, %dma_wait3A_851] : memref<1x16384x50x32xf32, #tpu.memory_space<hbm>> -> memref<1x32x50x32xf32, #tpu.memory_space<hbm>>
      %dma_wait3A_853 = tpu.memref_squeeze %dma_wait3A_852 : memref<1x32x50x32xf32, #tpu.memory_space<hbm>> -> memref<32x50x32xf32, #tpu.memory_space<hbm>>
      %dma_wait3A_854 = arith.constant 0 : i32
      %dma_wait3A_855 = arith.constant 0 : i32
      %dma_wait3A_856 = arith.constant 0 : i32
      %dma_wait3A_857 = tpu.memref_slice %arg4[%dma_wait3A_848, %dma_wait3A_854, %dma_wait3A_855, %dma_wait3A_856] : memref<1x16384x50x32xf32, #tpu.memory_space<hbm>> -> memref<1x32x50x32xf32, #tpu.memory_space<hbm>>
      %dma_wait3A_858 = tpu.memref_squeeze %dma_wait3A_857 : memref<1x32x50x32xf32, #tpu.memory_space<hbm>> -> memref<32x50x32xf32, #tpu.memory_space<hbm>>
      tpu.wait_dma2 semaphore(%arg9 : memref<!tpu.dma_semaphore, #tpu.memory_space<semaphore_mem>>) src(%dma_wait3A_858 : memref<32x50x32xf32, #tpu.memory_space<hbm>>) dst(%arg7 : memref<32x50x32xf32, #tpu.memory_space<vmem>>)
      %dma_start3A_859 = arith.constant 0 : i32
      %dma_start3A_860 = arith.constant 0 : i32
      %dma_start3A_861 = arith.constant 0 : i32
      %dma_start3A_862 = tpu.memref_slice %arg4[%dma_start3A_859, %add3A_847, %dma_start3A_860, %dma_start3A_861] : memref<1x16384x50x32xf32, #tpu.memory_space<hbm>> -> memref<1x32x50x32xf32, #tpu.memory_space<hbm>>
      %dma_start3A_863 = tpu.memref_squeeze %dma_start3A_862 : memref<1x32x50x32xf32, #tpu.memory_space<hbm>> -> memref<32x50x32xf32, #tpu.memory_space<hbm>>
      %dma_start3A_864 = arith.constant 0 : i32
      %dma_start3A_865 = arith.constant 0 : i32
      %dma_start3A_866 = tpu.memref_slice %arg4[%dma_start3A_859, %add3A_847, %dma_start3A_864, %dma_start3A_865] : memref<1x16384x50x32xf32, #tpu.memory_space<hbm>> -> memref<1x32x50x32xf32, #tpu.memory_space<hbm>>
      %dma_start3A_867 = tpu.memref_squeeze %dma_start3A_866 : memref<1x32x50x32xf32, #tpu.memory_space<hbm>> -> memref<32x50x32xf32, #tpu.memory_space<hbm>>
      tpu.enqueue_dma source(%arg7 : memref<32x50x32xf32, #tpu.memory_space<vmem>>) target(%dma_start3A_867 : memref<32x50x32xf32, #tpu.memory_space<hbm>>) target_semaphore(%arg11 : memref<!tpu.dma_semaphore, #tpu.memory_space<semaphore_mem>>)
      %dma_wait3A_868 = arith.constant 0 : i32
      %dma_wait3A_869 = arith.constant 0 : i32
      %dma_wait3A_870 = arith.constant 0 : i32
      %dma_wait3A_871 = tpu.memref_slice %arg4[%dma_wait3A_868, %add3A_847, %dma_wait3A_869, %dma_wait3A_870] : memref<1x16384x50x32xf32, #tpu.memory_space<hbm>> -> memref<1x32x50x32xf32, #tpu.memory_space<hbm>>
      %dma_wait3A_872 = tpu.memref_squeeze %dma_wait3A_871 : memref<1x32x50x32xf32, #tpu.memory_space<hbm>> -> memref<32x50x32xf32, #tpu.memory_space<hbm>>
      %dma_wait3A_873 = arith.constant 0 : i32
      %dma_wait3A_874 = arith.constant 0 : i32
      %dma_wait3A_875 = tpu.memref_slice %arg4[%dma_wait3A_868, %add3A_847, %dma_wait3A_873, %dma_wait3A_874] : memref<1x16384x50x32xf32, #tpu.memory_space<hbm>> -> memref<1x32x50x32xf32, #tpu.memory_space<hbm>>
      %dma_wait3A_876 = tpu.memref_squeeze %dma_wait3A_875 : memref<1x32x50x32xf32, #tpu.memory_space<hbm>> -> memref<32x50x32xf32, #tpu.memory_space<hbm>>
      tpu.wait_dma2 semaphore(%arg11 : memref<!tpu.dma_semaphore, #tpu.memory_space<semaphore_mem>>) src(%arg7 : memref<32x50x32xf32, #tpu.memory_space<vmem>>) dst(%dma_wait3A_876 : memref<32x50x32xf32, #tpu.memory_space<hbm>>)
      %add3A_877 = arith.constant 64 : i32
      %add3A_878 = arith.addi %add3A_847, %add3A_877 : i32
      "tpu.region"() ({
        %run_scoped3A = tpu.sem_alloc : memref<!tpu.dma_semaphore, #tpu.memory_space<semaphore_mem>>
        %dma_start3A_1685 = arith.constant 0 : i32
        %dma_start3A_1686 = tpu.memref_slice %arg2[%add3A_878, %dma_start3A_1685] : memref<16384x50xi32, #tpu.memory_space<hbm>> -> memref<32x50xi32, #tpu.memory_space<hbm>>
        %dma_start3A_1687 = arith.constant 0 : i32
        %dma_start3A_1688 = tpu.memref_slice %arg2[%add3A_878, %dma_start3A_1687] : memref<16384x50xi32, #tpu.memory_space<hbm>> -> memref<32x50xi32, #tpu.memory_space<hbm>>
        tpu.enqueue_dma source(%dma_start3A_1688 : memref<32x50xi32, #tpu.memory_space<hbm>>) target(%arg5 : memref<32x50xi32, #tpu.memory_space<vmem>>) target_semaphore(%run_scoped3A : memref<!tpu.dma_semaphore, #tpu.memory_space<semaphore_mem>>)
        %dma_wait3A_1689 = arith.constant 0 : i32
        %dma_wait3A_1690 = tpu.memref_slice %arg2[%add3A_878, %dma_wait3A_1689] : memref<16384x50xi32, #tpu.memory_space<hbm>> -> memref<32x50xi32, #tpu.memory_space<hbm>>
        %dma_wait3A_1691 = arith.constant 0 : i32
        %dma_wait3A_1692 = tpu.memref_slice %arg2[%add3A_878, %dma_wait3A_1691] : memref<16384x50xi32, #tpu.memory_space<hbm>> -> memref<32x50xi32, #tpu.memory_space<hbm>>
        tpu.wait_dma2 semaphore(%run_scoped3A : memref<!tpu.dma_semaphore, #tpu.memory_space<semaphore_mem>>) src(%dma_wait3A_1692 : memref<32x50xi32, #tpu.memory_space<hbm>>) dst(%arg5 : memref<32x50xi32, #tpu.memory_space<vmem>>)
        tpu.yield
      }) : () -> ()
      %dma_start3A_879 = arith.constant 0 : i32
      %dma_start3A_880 = arith.constant 0 : i32
      %dma_start3A_881 = arith.constant 0 : i32
      %dma_start3A_882 = arith.constant 0 : i32
      %dma_start3A_883 = tpu.memref_slice %arg7[%dma_start3A_880, %dma_start3A_881, %dma_start3A_882] : memref<32x50x32xf32, #tpu.memory_space<vmem>> -> memref<1x50x32xf32, #tpu.memory_space<vmem>>
      %dma_start3A_884 = tpu.memref_squeeze %dma_start3A_883 : memref<1x50x32xf32, #tpu.memory_space<vmem>> -> memref<50x32xf32, #tpu.memory_space<vmem>>
      %dma_start3A_885 = arith.constant 0 : i32
      %dma_start3A_886 = tpu.memref_slice %arg5[%dma_start3A_879, %dma_start3A_885] : memref<32x50xi32, #tpu.memory_space<vmem>> -> memref<1x50xi32, #tpu.memory_space<vmem>>
      %dma_start3A_887 = tpu.memref_squeeze %dma_start3A_886 : memref<1x50xi32, #tpu.memory_space<vmem>> -> memref<50xi32, #tpu.memory_space<vmem>>
      %dma_start3A_888 = arith.constant 0 : i32
      %dma_start3A_889 = arith.constant 0 : i32
      %dma_start3A_890 = tpu.memref_slice %arg3[%dma_start3A_888, %dma_start3A_889] : memref<1000000x32xf32, #tpu.memory_space<hbm>> -> memref<1000000x32xf32, #tpu.memory_space<hbm>>
      tpu.enqueue_indirect_dma source(%dma_start3A_890 : memref<1000000x32xf32, #tpu.memory_space<hbm>>) target(%dma_start3A_884 : memref<50x32xf32, #tpu.memory_space<vmem>>) offsets(%dma_start3A_887 : memref<50xi32, #tpu.memory_space<vmem>>) semaphore(%arg9 : memref<!tpu.dma_semaphore, #tpu.memory_space<semaphore_mem>>)
      %dma_start3A_891 = arith.constant 1 : i32
      %dma_start3A_892 = arith.constant 1 : i32
      %dma_start3A_893 = arith.constant 0 : i32
      %dma_start3A_894 = arith.constant 0 : i32
      %dma_start3A_895 = tpu.memref_slice %arg7[%dma_start3A_892, %dma_start3A_893, %dma_start3A_894] : memref<32x50x32xf32, #tpu.memory_space<vmem>> -> memref<1x50x32xf32, #tpu.memory_space<vmem>>
      %dma_start3A_896 = tpu.memref_squeeze %dma_start3A_895 : memref<1x50x32xf32, #tpu.memory_space<vmem>> -> memref<50x32xf32, #tpu.memory_space<vmem>>
      %dma_start3A_897 = arith.constant 0 : i32
      %dma_start3A_898 = tpu.memref_slice %arg5[%dma_start3A_891, %dma_start3A_897] : memref<32x50xi32, #tpu.memory_space<vmem>> -> memref<1x50xi32, #tpu.memory_space<vmem>>
      %dma_start3A_899 = tpu.memref_squeeze %dma_start3A_898 : memref<1x50xi32, #tpu.memory_space<vmem>> -> memref<50xi32, #tpu.memory_space<vmem>>
      %dma_start3A_900 = arith.constant 0 : i32
      %dma_start3A_901 = arith.constant 0 : i32
      %dma_start3A_902 = tpu.memref_slice %arg3[%dma_start3A_900, %dma_start3A_901] : memref<1000000x32xf32, #tpu.memory_space<hbm>> -> memref<1000000x32xf32, #tpu.memory_space<hbm>>
      tpu.enqueue_indirect_dma source(%dma_start3A_902 : memref<1000000x32xf32, #tpu.memory_space<hbm>>) target(%dma_start3A_896 : memref<50x32xf32, #tpu.memory_space<vmem>>) offsets(%dma_start3A_899 : memref<50xi32, #tpu.memory_space<vmem>>) semaphore(%arg9 : memref<!tpu.dma_semaphore, #tpu.memory_space<semaphore_mem>>)
      %dma_start3A_903 = arith.constant 2 : i32
      %dma_start3A_904 = arith.constant 2 : i32
      %dma_start3A_905 = arith.constant 0 : i32
      %dma_start3A_906 = arith.constant 0 : i32
      %dma_start3A_907 = tpu.memref_slice %arg7[%dma_start3A_904, %dma_start3A_905, %dma_start3A_906] : memref<32x50x32xf32, #tpu.memory_space<vmem>> -> memref<1x50x32xf32, #tpu.memory_space<vmem>>
      %dma_start3A_908 = tpu.memref_squeeze %dma_start3A_907 : memref<1x50x32xf32, #tpu.memory_space<vmem>> -> memref<50x32xf32, #tpu.memory_space<vmem>>
      %dma_start3A_909 = arith.constant 0 : i32
      %dma_start3A_910 = tpu.memref_slice %arg5[%dma_start3A_903, %dma_start3A_909] : memref<32x50xi32, #tpu.memory_space<vmem>> -> memref<1x50xi32, #tpu.memory_space<vmem>>
      %dma_start3A_911 = tpu.memref_squeeze %dma_start3A_910 : memref<1x50xi32, #tpu.memory_space<vmem>> -> memref<50xi32, #tpu.memory_space<vmem>>
      %dma_start3A_912 = arith.constant 0 : i32
      %dma_start3A_913 = arith.constant 0 : i32
      %dma_start3A_914 = tpu.memref_slice %arg3[%dma_start3A_912, %dma_start3A_913] : memref<1000000x32xf32, #tpu.memory_space<hbm>> -> memref<1000000x32xf32, #tpu.memory_space<hbm>>
      tpu.enqueue_indirect_dma source(%dma_start3A_914 : memref<1000000x32xf32, #tpu.memory_space<hbm>>) target(%dma_start3A_908 : memref<50x32xf32, #tpu.memory_space<vmem>>) offsets(%dma_start3A_911 : memref<50xi32, #tpu.memory_space<vmem>>) semaphore(%arg9 : memref<!tpu.dma_semaphore, #tpu.memory_space<semaphore_mem>>)
      %dma_start3A_915 = arith.constant 3 : i32
      %dma_start3A_916 = arith.constant 3 : i32
      %dma_start3A_917 = arith.constant 0 : i32
      %dma_start3A_918 = arith.constant 0 : i32
      %dma_start3A_919 = tpu.memref_slice %arg7[%dma_start3A_916, %dma_start3A_917, %dma_start3A_918] : memref<32x50x32xf32, #tpu.memory_space<vmem>> -> memref<1x50x32xf32, #tpu.memory_space<vmem>>
      %dma_start3A_920 = tpu.memref_squeeze %dma_start3A_919 : memref<1x50x32xf32, #tpu.memory_space<vmem>> -> memref<50x32xf32, #tpu.memory_space<vmem>>
      %dma_start3A_921 = arith.constant 0 : i32
      %dma_start3A_922 = tpu.memref_slice %arg5[%dma_start3A_915, %dma_start3A_921] : memref<32x50xi32, #tpu.memory_space<vmem>> -> memref<1x50xi32, #tpu.memory_space<vmem>>
      %dma_start3A_923 = tpu.memref_squeeze %dma_start3A_922 : memref<1x50xi32, #tpu.memory_space<vmem>> -> memref<50xi32, #tpu.memory_space<vmem>>
      %dma_start3A_924 = arith.constant 0 : i32
      %dma_start3A_925 = arith.constant 0 : i32
      %dma_start3A_926 = tpu.memref_slice %arg3[%dma_start3A_924, %dma_start3A_925] : memref<1000000x32xf32, #tpu.memory_space<hbm>> -> memref<1000000x32xf32, #tpu.memory_space<hbm>>
      tpu.enqueue_indirect_dma source(%dma_start3A_926 : memref<1000000x32xf32, #tpu.memory_space<hbm>>) target(%dma_start3A_920 : memref<50x32xf32, #tpu.memory_space<vmem>>) offsets(%dma_start3A_923 : memref<50xi32, #tpu.memory_space<vmem>>) semaphore(%arg9 : memref<!tpu.dma_semaphore, #tpu.memory_space<semaphore_mem>>)
      %dma_start3A_927 = arith.constant 4 : i32
      %dma_start3A_928 = arith.constant 4 : i32
      %dma_start3A_929 = arith.constant 0 : i32
      %dma_start3A_930 = arith.constant 0 : i32
      %dma_start3A_931 = tpu.memref_slice %arg7[%dma_start3A_928, %dma_start3A_929, %dma_start3A_930] : memref<32x50x32xf32, #tpu.memory_space<vmem>> -> memref<1x50x32xf32, #tpu.memory_space<vmem>>
      %dma_start3A_932 = tpu.memref_squeeze %dma_start3A_931 : memref<1x50x32xf32, #tpu.memory_space<vmem>> -> memref<50x32xf32, #tpu.memory_space<vmem>>
      %dma_start3A_933 = arith.constant 0 : i32
      %dma_start3A_934 = tpu.memref_slice %arg5[%dma_start3A_927, %dma_start3A_933] : memref<32x50xi32, #tpu.memory_space<vmem>> -> memref<1x50xi32, #tpu.memory_space<vmem>>
      %dma_start3A_935 = tpu.memref_squeeze %dma_start3A_934 : memref<1x50xi32, #tpu.memory_space<vmem>> -> memref<50xi32, #tpu.memory_space<vmem>>
      %dma_start3A_936 = arith.constant 0 : i32
      %dma_start3A_937 = arith.constant 0 : i32
      %dma_start3A_938 = tpu.memref_slice %arg3[%dma_start3A_936, %dma_start3A_937] : memref<1000000x32xf32, #tpu.memory_space<hbm>> -> memref<1000000x32xf32, #tpu.memory_space<hbm>>
      tpu.enqueue_indirect_dma source(%dma_start3A_938 : memref<1000000x32xf32, #tpu.memory_space<hbm>>) target(%dma_start3A_932 : memref<50x32xf32, #tpu.memory_space<vmem>>) offsets(%dma_start3A_935 : memref<50xi32, #tpu.memory_space<vmem>>) semaphore(%arg9 : memref<!tpu.dma_semaphore, #tpu.memory_space<semaphore_mem>>)
      %dma_start3A_939 = arith.constant 5 : i32
      %dma_start3A_940 = arith.constant 5 : i32
      %dma_start3A_941 = arith.constant 0 : i32
      %dma_start3A_942 = arith.constant 0 : i32
      %dma_start3A_943 = tpu.memref_slice %arg7[%dma_start3A_940, %dma_start3A_941, %dma_start3A_942] : memref<32x50x32xf32, #tpu.memory_space<vmem>> -> memref<1x50x32xf32, #tpu.memory_space<vmem>>
      %dma_start3A_944 = tpu.memref_squeeze %dma_start3A_943 : memref<1x50x32xf32, #tpu.memory_space<vmem>> -> memref<50x32xf32, #tpu.memory_space<vmem>>
      %dma_start3A_945 = arith.constant 0 : i32
      %dma_start3A_946 = tpu.memref_slice %arg5[%dma_start3A_939, %dma_start3A_945] : memref<32x50xi32, #tpu.memory_space<vmem>> -> memref<1x50xi32, #tpu.memory_space<vmem>>
      %dma_start3A_947 = tpu.memref_squeeze %dma_start3A_946 : memref<1x50xi32, #tpu.memory_space<vmem>> -> memref<50xi32, #tpu.memory_space<vmem>>
      %dma_start3A_948 = arith.constant 0 : i32
      %dma_start3A_949 = arith.constant 0 : i32
      %dma_start3A_950 = tpu.memref_slice %arg3[%dma_start3A_948, %dma_start3A_949] : memref<1000000x32xf32, #tpu.memory_space<hbm>> -> memref<1000000x32xf32, #tpu.memory_space<hbm>>
      tpu.enqueue_indirect_dma source(%dma_start3A_950 : memref<1000000x32xf32, #tpu.memory_space<hbm>>) target(%dma_start3A_944 : memref<50x32xf32, #tpu.memory_space<vmem>>) offsets(%dma_start3A_947 : memref<50xi32, #tpu.memory_space<vmem>>) semaphore(%arg9 : memref<!tpu.dma_semaphore, #tpu.memory_space<semaphore_mem>>)
      %dma_start3A_951 = arith.constant 6 : i32
      %dma_start3A_952 = arith.constant 6 : i32
      %dma_start3A_953 = arith.constant 0 : i32
      %dma_start3A_954 = arith.constant 0 : i32
      %dma_start3A_955 = tpu.memref_slice %arg7[%dma_start3A_952, %dma_start3A_953, %dma_start3A_954] : memref<32x50x32xf32, #tpu.memory_space<vmem>> -> memref<1x50x32xf32, #tpu.memory_space<vmem>>
      %dma_start3A_956 = tpu.memref_squeeze %dma_start3A_955 : memref<1x50x32xf32, #tpu.memory_space<vmem>> -> memref<50x32xf32, #tpu.memory_space<vmem>>
      %dma_start3A_957 = arith.constant 0 : i32
      %dma_start3A_958 = tpu.memref_slice %arg5[%dma_start3A_951, %dma_start3A_957] : memref<32x50xi32, #tpu.memory_space<vmem>> -> memref<1x50xi32, #tpu.memory_space<vmem>>
      %dma_start3A_959 = tpu.memref_squeeze %dma_start3A_958 : memref<1x50xi32, #tpu.memory_space<vmem>> -> memref<50xi32, #tpu.memory_space<vmem>>
      %dma_start3A_960 = arith.constant 0 : i32
      %dma_start3A_961 = arith.constant 0 : i32
      %dma_start3A_962 = tpu.memref_slice %arg3[%dma_start3A_960, %dma_start3A_961] : memref<1000000x32xf32, #tpu.memory_space<hbm>> -> memref<1000000x32xf32, #tpu.memory_space<hbm>>
      tpu.enqueue_indirect_dma source(%dma_start3A_962 : memref<1000000x32xf32, #tpu.memory_space<hbm>>) target(%dma_start3A_956 : memref<50x32xf32, #tpu.memory_space<vmem>>) offsets(%dma_start3A_959 : memref<50xi32, #tpu.memory_space<vmem>>) semaphore(%arg9 : memref<!tpu.dma_semaphore, #tpu.memory_space<semaphore_mem>>)
      %dma_start3A_963 = arith.constant 7 : i32
      %dma_start3A_964 = arith.constant 7 : i32
      %dma_start3A_965 = arith.constant 0 : i32
      %dma_start3A_966 = arith.constant 0 : i32
      %dma_start3A_967 = tpu.memref_slice %arg7[%dma_start3A_964, %dma_start3A_965, %dma_start3A_966] : memref<32x50x32xf32, #tpu.memory_space<vmem>> -> memref<1x50x32xf32, #tpu.memory_space<vmem>>
      %dma_start3A_968 = tpu.memref_squeeze %dma_start3A_967 : memref<1x50x32xf32, #tpu.memory_space<vmem>> -> memref<50x32xf32, #tpu.memory_space<vmem>>
      %dma_start3A_969 = arith.constant 0 : i32
      %dma_start3A_970 = tpu.memref_slice %arg5[%dma_start3A_963, %dma_start3A_969] : memref<32x50xi32, #tpu.memory_space<vmem>> -> memref<1x50xi32, #tpu.memory_space<vmem>>
      %dma_start3A_971 = tpu.memref_squeeze %dma_start3A_970 : memref<1x50xi32, #tpu.memory_space<vmem>> -> memref<50xi32, #tpu.memory_space<vmem>>
      %dma_start3A_972 = arith.constant 0 : i32
      %dma_start3A_973 = arith.constant 0 : i32
      %dma_start3A_974 = tpu.memref_slice %arg3[%dma_start3A_972, %dma_start3A_973] : memref<1000000x32xf32, #tpu.memory_space<hbm>> -> memref<1000000x32xf32, #tpu.memory_space<hbm>>
      tpu.enqueue_indirect_dma source(%dma_start3A_974 : memref<1000000x32xf32, #tpu.memory_space<hbm>>) target(%dma_start3A_968 : memref<50x32xf32, #tpu.memory_space<vmem>>) offsets(%dma_start3A_971 : memref<50xi32, #tpu.memory_space<vmem>>) semaphore(%arg9 : memref<!tpu.dma_semaphore, #tpu.memory_space<semaphore_mem>>)
      %dma_start3A_975 = arith.constant 8 : i32
      %dma_start3A_976 = arith.constant 8 : i32
      %dma_start3A_977 = arith.constant 0 : i32
      %dma_start3A_978 = arith.constant 0 : i32
      %dma_start3A_979 = tpu.memref_slice %arg7[%dma_start3A_976, %dma_start3A_977, %dma_start3A_978] : memref<32x50x32xf32, #tpu.memory_space<vmem>> -> memref<1x50x32xf32, #tpu.memory_space<vmem>>
      %dma_start3A_980 = tpu.memref_squeeze %dma_start3A_979 : memref<1x50x32xf32, #tpu.memory_space<vmem>> -> memref<50x32xf32, #tpu.memory_space<vmem>>
      %dma_start3A_981 = arith.constant 0 : i32
      %dma_start3A_982 = tpu.memref_slice %arg5[%dma_start3A_975, %dma_start3A_981] : memref<32x50xi32, #tpu.memory_space<vmem>> -> memref<1x50xi32, #tpu.memory_space<vmem>>
      %dma_start3A_983 = tpu.memref_squeeze %dma_start3A_982 : memref<1x50xi32, #tpu.memory_space<vmem>> -> memref<50xi32, #tpu.memory_space<vmem>>
      %dma_start3A_984 = arith.constant 0 : i32
      %dma_start3A_985 = arith.constant 0 : i32
      %dma_start3A_986 = tpu.memref_slice %arg3[%dma_start3A_984, %dma_start3A_985] : memref<1000000x32xf32, #tpu.memory_space<hbm>> -> memref<1000000x32xf32, #tpu.memory_space<hbm>>
      tpu.enqueue_indirect_dma source(%dma_start3A_986 : memref<1000000x32xf32, #tpu.memory_space<hbm>>) target(%dma_start3A_980 : memref<50x32xf32, #tpu.memory_space<vmem>>) offsets(%dma_start3A_983 : memref<50xi32, #tpu.memory_space<vmem>>) semaphore(%arg9 : memref<!tpu.dma_semaphore, #tpu.memory_space<semaphore_mem>>)
      %dma_start3A_987 = arith.constant 9 : i32
      %dma_start3A_988 = arith.constant 9 : i32
      %dma_start3A_989 = arith.constant 0 : i32
      %dma_start3A_990 = arith.constant 0 : i32
      %dma_start3A_991 = tpu.memref_slice %arg7[%dma_start3A_988, %dma_start3A_989, %dma_start3A_990] : memref<32x50x32xf32, #tpu.memory_space<vmem>> -> memref<1x50x32xf32, #tpu.memory_space<vmem>>
      %dma_start3A_992 = tpu.memref_squeeze %dma_start3A_991 : memref<1x50x32xf32, #tpu.memory_space<vmem>> -> memref<50x32xf32, #tpu.memory_space<vmem>>
      %dma_start3A_993 = arith.constant 0 : i32
      %dma_start3A_994 = tpu.memref_slice %arg5[%dma_start3A_987, %dma_start3A_993] : memref<32x50xi32, #tpu.memory_space<vmem>> -> memref<1x50xi32, #tpu.memory_space<vmem>>
      %dma_start3A_995 = tpu.memref_squeeze %dma_start3A_994 : memref<1x50xi32, #tpu.memory_space<vmem>> -> memref<50xi32, #tpu.memory_space<vmem>>
      %dma_start3A_996 = arith.constant 0 : i32
      %dma_start3A_997 = arith.constant 0 : i32
      %dma_start3A_998 = tpu.memref_slice %arg3[%dma_start3A_996, %dma_start3A_997] : memref<1000000x32xf32, #tpu.memory_space<hbm>> -> memref<1000000x32xf32, #tpu.memory_space<hbm>>
      tpu.enqueue_indirect_dma source(%dma_start3A_998 : memref<1000000x32xf32, #tpu.memory_space<hbm>>) target(%dma_start3A_992 : memref<50x32xf32, #tpu.memory_space<vmem>>) offsets(%dma_start3A_995 : memref<50xi32, #tpu.memory_space<vmem>>) semaphore(%arg9 : memref<!tpu.dma_semaphore, #tpu.memory_space<semaphore_mem>>)
      %dma_start3A_999 = arith.constant 10 : i32
      %dma_start3A_1000 = arith.constant 10 : i32
      %dma_start3A_1001 = arith.constant 0 : i32
      %dma_start3A_1002 = arith.constant 0 : i32
      %dma_start3A_1003 = tpu.memref_slice %arg7[%dma_start3A_1000, %dma_start3A_1001, %dma_start3A_1002] : memref<32x50x32xf32, #tpu.memory_space<vmem>> -> memref<1x50x32xf32, #tpu.memory_space<vmem>>
      %dma_start3A_1004 = tpu.memref_squeeze %dma_start3A_1003 : memref<1x50x32xf32, #tpu.memory_space<vmem>> -> memref<50x32xf32, #tpu.memory_space<vmem>>
      %dma_start3A_1005 = arith.constant 0 : i32
      %dma_start3A_1006 = tpu.memref_slice %arg5[%dma_start3A_999, %dma_start3A_1005] : memref<32x50xi32, #tpu.memory_space<vmem>> -> memref<1x50xi32, #tpu.memory_space<vmem>>
      %dma_start3A_1007 = tpu.memref_squeeze %dma_start3A_1006 : memref<1x50xi32, #tpu.memory_space<vmem>> -> memref<50xi32, #tpu.memory_space<vmem>>
      %dma_start3A_1008 = arith.constant 0 : i32
      %dma_start3A_1009 = arith.constant 0 : i32
      %dma_start3A_1010 = tpu.memref_slice %arg3[%dma_start3A_1008, %dma_start3A_1009] : memref<1000000x32xf32, #tpu.memory_space<hbm>> -> memref<1000000x32xf32, #tpu.memory_space<hbm>>
      tpu.enqueue_indirect_dma source(%dma_start3A_1010 : memref<1000000x32xf32, #tpu.memory_space<hbm>>) target(%dma_start3A_1004 : memref<50x32xf32, #tpu.memory_space<vmem>>) offsets(%dma_start3A_1007 : memref<50xi32, #tpu.memory_space<vmem>>) semaphore(%arg9 : memref<!tpu.dma_semaphore, #tpu.memory_space<semaphore_mem>>)
      %dma_start3A_1011 = arith.constant 11 : i32
      %dma_start3A_1012 = arith.constant 11 : i32
      %dma_start3A_1013 = arith.constant 0 : i32
      %dma_start3A_1014 = arith.constant 0 : i32
      %dma_start3A_1015 = tpu.memref_slice %arg7[%dma_start3A_1012, %dma_start3A_1013, %dma_start3A_1014] : memref<32x50x32xf32, #tpu.memory_space<vmem>> -> memref<1x50x32xf32, #tpu.memory_space<vmem>>
      %dma_start3A_1016 = tpu.memref_squeeze %dma_start3A_1015 : memref<1x50x32xf32, #tpu.memory_space<vmem>> -> memref<50x32xf32, #tpu.memory_space<vmem>>
      %dma_start3A_1017 = arith.constant 0 : i32
      %dma_start3A_1018 = tpu.memref_slice %arg5[%dma_start3A_1011, %dma_start3A_1017] : memref<32x50xi32, #tpu.memory_space<vmem>> -> memref<1x50xi32, #tpu.memory_space<vmem>>
      %dma_start3A_1019 = tpu.memref_squeeze %dma_start3A_1018 : memref<1x50xi32, #tpu.memory_space<vmem>> -> memref<50xi32, #tpu.memory_space<vmem>>
      %dma_start3A_1020 = arith.constant 0 : i32
      %dma_start3A_1021 = arith.constant 0 : i32
      %dma_start3A_1022 = tpu.memref_slice %arg3[%dma_start3A_1020, %dma_start3A_1021] : memref<1000000x32xf32, #tpu.memory_space<hbm>> -> memref<1000000x32xf32, #tpu.memory_space<hbm>>
      tpu.enqueue_indirect_dma source(%dma_start3A_1022 : memref<1000000x32xf32, #tpu.memory_space<hbm>>) target(%dma_start3A_1016 : memref<50x32xf32, #tpu.memory_space<vmem>>) offsets(%dma_start3A_1019 : memref<50xi32, #tpu.memory_space<vmem>>) semaphore(%arg9 : memref<!tpu.dma_semaphore, #tpu.memory_space<semaphore_mem>>)
      %dma_start3A_1023 = arith.constant 12 : i32
      %dma_start3A_1024 = arith.constant 12 : i32
      %dma_start3A_1025 = arith.constant 0 : i32
      %dma_start3A_1026 = arith.constant 0 : i32
      %dma_start3A_1027 = tpu.memref_slice %arg7[%dma_start3A_1024, %dma_start3A_1025, %dma_start3A_1026] : memref<32x50x32xf32, #tpu.memory_space<vmem>> -> memref<1x50x32xf32, #tpu.memory_space<vmem>>
      %dma_start3A_1028 = tpu.memref_squeeze %dma_start3A_1027 : memref<1x50x32xf32, #tpu.memory_space<vmem>> -> memref<50x32xf32, #tpu.memory_space<vmem>>
      %dma_start3A_1029 = arith.constant 0 : i32
      %dma_start3A_1030 = tpu.memref_slice %arg5[%dma_start3A_1023, %dma_start3A_1029] : memref<32x50xi32, #tpu.memory_space<vmem>> -> memref<1x50xi32, #tpu.memory_space<vmem>>
      %dma_start3A_1031 = tpu.memref_squeeze %dma_start3A_1030 : memref<1x50xi32, #tpu.memory_space<vmem>> -> memref<50xi32, #tpu.memory_space<vmem>>
      %dma_start3A_1032 = arith.constant 0 : i32
      %dma_start3A_1033 = arith.constant 0 : i32
      %dma_start3A_1034 = tpu.memref_slice %arg3[%dma_start3A_1032, %dma_start3A_1033] : memref<1000000x32xf32, #tpu.memory_space<hbm>> -> memref<1000000x32xf32, #tpu.memory_space<hbm>>
      tpu.enqueue_indirect_dma source(%dma_start3A_1034 : memref<1000000x32xf32, #tpu.memory_space<hbm>>) target(%dma_start3A_1028 : memref<50x32xf32, #tpu.memory_space<vmem>>) offsets(%dma_start3A_1031 : memref<50xi32, #tpu.memory_space<vmem>>) semaphore(%arg9 : memref<!tpu.dma_semaphore, #tpu.memory_space<semaphore_mem>>)
      %dma_start3A_1035 = arith.constant 13 : i32
      %dma_start3A_1036 = arith.constant 13 : i32
      %dma_start3A_1037 = arith.constant 0 : i32
      %dma_start3A_1038 = arith.constant 0 : i32
      %dma_start3A_1039 = tpu.memref_slice %arg7[%dma_start3A_1036, %dma_start3A_1037, %dma_start3A_1038] : memref<32x50x32xf32, #tpu.memory_space<vmem>> -> memref<1x50x32xf32, #tpu.memory_space<vmem>>
      %dma_start3A_1040 = tpu.memref_squeeze %dma_start3A_1039 : memref<1x50x32xf32, #tpu.memory_space<vmem>> -> memref<50x32xf32, #tpu.memory_space<vmem>>
      %dma_start3A_1041 = arith.constant 0 : i32
      %dma_start3A_1042 = tpu.memref_slice %arg5[%dma_start3A_1035, %dma_start3A_1041] : memref<32x50xi32, #tpu.memory_space<vmem>> -> memref<1x50xi32, #tpu.memory_space<vmem>>
      %dma_start3A_1043 = tpu.memref_squeeze %dma_start3A_1042 : memref<1x50xi32, #tpu.memory_space<vmem>> -> memref<50xi32, #tpu.memory_space<vmem>>
      %dma_start3A_1044 = arith.constant 0 : i32
      %dma_start3A_1045 = arith.constant 0 : i32
      %dma_start3A_1046 = tpu.memref_slice %arg3[%dma_start3A_1044, %dma_start3A_1045] : memref<1000000x32xf32, #tpu.memory_space<hbm>> -> memref<1000000x32xf32, #tpu.memory_space<hbm>>
      tpu.enqueue_indirect_dma source(%dma_start3A_1046 : memref<1000000x32xf32, #tpu.memory_space<hbm>>) target(%dma_start3A_1040 : memref<50x32xf32, #tpu.memory_space<vmem>>) offsets(%dma_start3A_1043 : memref<50xi32, #tpu.memory_space<vmem>>) semaphore(%arg9 : memref<!tpu.dma_semaphore, #tpu.memory_space<semaphore_mem>>)
      %dma_start3A_1047 = arith.constant 14 : i32
      %dma_start3A_1048 = arith.constant 14 : i32
      %dma_start3A_1049 = arith.constant 0 : i32
      %dma_start3A_1050 = arith.constant 0 : i32
      %dma_start3A_1051 = tpu.memref_slice %arg7[%dma_start3A_1048, %dma_start3A_1049, %dma_start3A_1050] : memref<32x50x32xf32, #tpu.memory_space<vmem>> -> memref<1x50x32xf32, #tpu.memory_space<vmem>>
      %dma_start3A_1052 = tpu.memref_squeeze %dma_start3A_1051 : memref<1x50x32xf32, #tpu.memory_space<vmem>> -> memref<50x32xf32, #tpu.memory_space<vmem>>
      %dma_start3A_1053 = arith.constant 0 : i32
      %dma_start3A_1054 = tpu.memref_slice %arg5[%dma_start3A_1047, %dma_start3A_1053] : memref<32x50xi32, #tpu.memory_space<vmem>> -> memref<1x50xi32, #tpu.memory_space<vmem>>
      %dma_start3A_1055 = tpu.memref_squeeze %dma_start3A_1054 : memref<1x50xi32, #tpu.memory_space<vmem>> -> memref<50xi32, #tpu.memory_space<vmem>>
      %dma_start3A_1056 = arith.constant 0 : i32
      %dma_start3A_1057 = arith.constant 0 : i32
      %dma_start3A_1058 = tpu.memref_slice %arg3[%dma_start3A_1056, %dma_start3A_1057] : memref<1000000x32xf32, #tpu.memory_space<hbm>> -> memref<1000000x32xf32, #tpu.memory_space<hbm>>
      tpu.enqueue_indirect_dma source(%dma_start3A_1058 : memref<1000000x32xf32, #tpu.memory_space<hbm>>) target(%dma_start3A_1052 : memref<50x32xf32, #tpu.memory_space<vmem>>) offsets(%dma_start3A_1055 : memref<50xi32, #tpu.memory_space<vmem>>) semaphore(%arg9 : memref<!tpu.dma_semaphore, #tpu.memory_space<semaphore_mem>>)
      %dma_start3A_1059 = arith.constant 15 : i32
      %dma_start3A_1060 = arith.constant 15 : i32
      %dma_start3A_1061 = arith.constant 0 : i32
      %dma_start3A_1062 = arith.constant 0 : i32
      %dma_start3A_1063 = tpu.memref_slice %arg7[%dma_start3A_1060, %dma_start3A_1061, %dma_start3A_1062] : memref<32x50x32xf32, #tpu.memory_space<vmem>> -> memref<1x50x32xf32, #tpu.memory_space<vmem>>
      %dma_start3A_1064 = tpu.memref_squeeze %dma_start3A_1063 : memref<1x50x32xf32, #tpu.memory_space<vmem>> -> memref<50x32xf32, #tpu.memory_space<vmem>>
      %dma_start3A_1065 = arith.constant 0 : i32
      %dma_start3A_1066 = tpu.memref_slice %arg5[%dma_start3A_1059, %dma_start3A_1065] : memref<32x50xi32, #tpu.memory_space<vmem>> -> memref<1x50xi32, #tpu.memory_space<vmem>>
      %dma_start3A_1067 = tpu.memref_squeeze %dma_start3A_1066 : memref<1x50xi32, #tpu.memory_space<vmem>> -> memref<50xi32, #tpu.memory_space<vmem>>
      %dma_start3A_1068 = arith.constant 0 : i32
      %dma_start3A_1069 = arith.constant 0 : i32
      %dma_start3A_1070 = tpu.memref_slice %arg3[%dma_start3A_1068, %dma_start3A_1069] : memref<1000000x32xf32, #tpu.memory_space<hbm>> -> memref<1000000x32xf32, #tpu.memory_space<hbm>>
      tpu.enqueue_indirect_dma source(%dma_start3A_1070 : memref<1000000x32xf32, #tpu.memory_space<hbm>>) target(%dma_start3A_1064 : memref<50x32xf32, #tpu.memory_space<vmem>>) offsets(%dma_start3A_1067 : memref<50xi32, #tpu.memory_space<vmem>>) semaphore(%arg9 : memref<!tpu.dma_semaphore, #tpu.memory_space<semaphore_mem>>)
      %dma_start3A_1071 = arith.constant 16 : i32
      %dma_start3A_1072 = arith.constant 16 : i32
      %dma_start3A_1073 = arith.constant 0 : i32
      %dma_start3A_1074 = arith.constant 0 : i32
      %dma_start3A_1075 = tpu.memref_slice %arg7[%dma_start3A_1072, %dma_start3A_1073, %dma_start3A_1074] : memref<32x50x32xf32, #tpu.memory_space<vmem>> -> memref<1x50x32xf32, #tpu.memory_space<vmem>>
      %dma_start3A_1076 = tpu.memref_squeeze %dma_start3A_1075 : memref<1x50x32xf32, #tpu.memory_space<vmem>> -> memref<50x32xf32, #tpu.memory_space<vmem>>
      %dma_start3A_1077 = arith.constant 0 : i32
      %dma_start3A_1078 = tpu.memref_slice %arg5[%dma_start3A_1071, %dma_start3A_1077] : memref<32x50xi32, #tpu.memory_space<vmem>> -> memref<1x50xi32, #tpu.memory_space<vmem>>
      %dma_start3A_1079 = tpu.memref_squeeze %dma_start3A_1078 : memref<1x50xi32, #tpu.memory_space<vmem>> -> memref<50xi32, #tpu.memory_space<vmem>>
      %dma_start3A_1080 = arith.constant 0 : i32
      %dma_start3A_1081 = arith.constant 0 : i32
      %dma_start3A_1082 = tpu.memref_slice %arg3[%dma_start3A_1080, %dma_start3A_1081] : memref<1000000x32xf32, #tpu.memory_space<hbm>> -> memref<1000000x32xf32, #tpu.memory_space<hbm>>
      tpu.enqueue_indirect_dma source(%dma_start3A_1082 : memref<1000000x32xf32, #tpu.memory_space<hbm>>) target(%dma_start3A_1076 : memref<50x32xf32, #tpu.memory_space<vmem>>) offsets(%dma_start3A_1079 : memref<50xi32, #tpu.memory_space<vmem>>) semaphore(%arg9 : memref<!tpu.dma_semaphore, #tpu.memory_space<semaphore_mem>>)
      %dma_start3A_1083 = arith.constant 17 : i32
      %dma_start3A_1084 = arith.constant 17 : i32
      %dma_start3A_1085 = arith.constant 0 : i32
      %dma_start3A_1086 = arith.constant 0 : i32
      %dma_start3A_1087 = tpu.memref_slice %arg7[%dma_start3A_1084, %dma_start3A_1085, %dma_start3A_1086] : memref<32x50x32xf32, #tpu.memory_space<vmem>> -> memref<1x50x32xf32, #tpu.memory_space<vmem>>
      %dma_start3A_1088 = tpu.memref_squeeze %dma_start3A_1087 : memref<1x50x32xf32, #tpu.memory_space<vmem>> -> memref<50x32xf32, #tpu.memory_space<vmem>>
      %dma_start3A_1089 = arith.constant 0 : i32
      %dma_start3A_1090 = tpu.memref_slice %arg5[%dma_start3A_1083, %dma_start3A_1089] : memref<32x50xi32, #tpu.memory_space<vmem>> -> memref<1x50xi32, #tpu.memory_space<vmem>>
      %dma_start3A_1091 = tpu.memref_squeeze %dma_start3A_1090 : memref<1x50xi32, #tpu.memory_space<vmem>> -> memref<50xi32, #tpu.memory_space<vmem>>
      %dma_start3A_1092 = arith.constant 0 : i32
      %dma_start3A_1093 = arith.constant 0 : i32
      %dma_start3A_1094 = tpu.memref_slice %arg3[%dma_start3A_1092, %dma_start3A_1093] : memref<1000000x32xf32, #tpu.memory_space<hbm>> -> memref<1000000x32xf32, #tpu.memory_space<hbm>>
      tpu.enqueue_indirect_dma source(%dma_start3A_1094 : memref<1000000x32xf32, #tpu.memory_space<hbm>>) target(%dma_start3A_1088 : memref<50x32xf32, #tpu.memory_space<vmem>>) offsets(%dma_start3A_1091 : memref<50xi32, #tpu.memory_space<vmem>>) semaphore(%arg9 : memref<!tpu.dma_semaphore, #tpu.memory_space<semaphore_mem>>)
      %dma_start3A_1095 = arith.constant 18 : i32
      %dma_start3A_1096 = arith.constant 18 : i32
      %dma_start3A_1097 = arith.constant 0 : i32
      %dma_start3A_1098 = arith.constant 0 : i32
      %dma_start3A_1099 = tpu.memref_slice %arg7[%dma_start3A_1096, %dma_start3A_1097, %dma_start3A_1098] : memref<32x50x32xf32, #tpu.memory_space<vmem>> -> memref<1x50x32xf32, #tpu.memory_space<vmem>>
      %dma_start3A_1100 = tpu.memref_squeeze %dma_start3A_1099 : memref<1x50x32xf32, #tpu.memory_space<vmem>> -> memref<50x32xf32, #tpu.memory_space<vmem>>
      %dma_start3A_1101 = arith.constant 0 : i32
      %dma_start3A_1102 = tpu.memref_slice %arg5[%dma_start3A_1095, %dma_start3A_1101] : memref<32x50xi32, #tpu.memory_space<vmem>> -> memref<1x50xi32, #tpu.memory_space<vmem>>
      %dma_start3A_1103 = tpu.memref_squeeze %dma_start3A_1102 : memref<1x50xi32, #tpu.memory_space<vmem>> -> memref<50xi32, #tpu.memory_space<vmem>>
      %dma_start3A_1104 = arith.constant 0 : i32
      %dma_start3A_1105 = arith.constant 0 : i32
      %dma_start3A_1106 = tpu.memref_slice %arg3[%dma_start3A_1104, %dma_start3A_1105] : memref<1000000x32xf32, #tpu.memory_space<hbm>> -> memref<1000000x32xf32, #tpu.memory_space<hbm>>
      tpu.enqueue_indirect_dma source(%dma_start3A_1106 : memref<1000000x32xf32, #tpu.memory_space<hbm>>) target(%dma_start3A_1100 : memref<50x32xf32, #tpu.memory_space<vmem>>) offsets(%dma_start3A_1103 : memref<50xi32, #tpu.memory_space<vmem>>) semaphore(%arg9 : memref<!tpu.dma_semaphore, #tpu.memory_space<semaphore_mem>>)
      %dma_start3A_1107 = arith.constant 19 : i32
      %dma_start3A_1108 = arith.constant 19 : i32
      %dma_start3A_1109 = arith.constant 0 : i32
      %dma_start3A_1110 = arith.constant 0 : i32
      %dma_start3A_1111 = tpu.memref_slice %arg7[%dma_start3A_1108, %dma_start3A_1109, %dma_start3A_1110] : memref<32x50x32xf32, #tpu.memory_space<vmem>> -> memref<1x50x32xf32, #tpu.memory_space<vmem>>
      %dma_start3A_1112 = tpu.memref_squeeze %dma_start3A_1111 : memref<1x50x32xf32, #tpu.memory_space<vmem>> -> memref<50x32xf32, #tpu.memory_space<vmem>>
      %dma_start3A_1113 = arith.constant 0 : i32
      %dma_start3A_1114 = tpu.memref_slice %arg5[%dma_start3A_1107, %dma_start3A_1113] : memref<32x50xi32, #tpu.memory_space<vmem>> -> memref<1x50xi32, #tpu.memory_space<vmem>>
      %dma_start3A_1115 = tpu.memref_squeeze %dma_start3A_1114 : memref<1x50xi32, #tpu.memory_space<vmem>> -> memref<50xi32, #tpu.memory_space<vmem>>
      %dma_start3A_1116 = arith.constant 0 : i32
      %dma_start3A_1117 = arith.constant 0 : i32
      %dma_start3A_1118 = tpu.memref_slice %arg3[%dma_start3A_1116, %dma_start3A_1117] : memref<1000000x32xf32, #tpu.memory_space<hbm>> -> memref<1000000x32xf32, #tpu.memory_space<hbm>>
      tpu.enqueue_indirect_dma source(%dma_start3A_1118 : memref<1000000x32xf32, #tpu.memory_space<hbm>>) target(%dma_start3A_1112 : memref<50x32xf32, #tpu.memory_space<vmem>>) offsets(%dma_start3A_1115 : memref<50xi32, #tpu.memory_space<vmem>>) semaphore(%arg9 : memref<!tpu.dma_semaphore, #tpu.memory_space<semaphore_mem>>)
      %dma_start3A_1119 = arith.constant 20 : i32
      %dma_start3A_1120 = arith.constant 20 : i32
      %dma_start3A_1121 = arith.constant 0 : i32
      %dma_start3A_1122 = arith.constant 0 : i32
      %dma_start3A_1123 = tpu.memref_slice %arg7[%dma_start3A_1120, %dma_start3A_1121, %dma_start3A_1122] : memref<32x50x32xf32, #tpu.memory_space<vmem>> -> memref<1x50x32xf32, #tpu.memory_space<vmem>>
      %dma_start3A_1124 = tpu.memref_squeeze %dma_start3A_1123 : memref<1x50x32xf32, #tpu.memory_space<vmem>> -> memref<50x32xf32, #tpu.memory_space<vmem>>
      %dma_start3A_1125 = arith.constant 0 : i32
      %dma_start3A_1126 = tpu.memref_slice %arg5[%dma_start3A_1119, %dma_start3A_1125] : memref<32x50xi32, #tpu.memory_space<vmem>> -> memref<1x50xi32, #tpu.memory_space<vmem>>
      %dma_start3A_1127 = tpu.memref_squeeze %dma_start3A_1126 : memref<1x50xi32, #tpu.memory_space<vmem>> -> memref<50xi32, #tpu.memory_space<vmem>>
      %dma_start3A_1128 = arith.constant 0 : i32
      %dma_start3A_1129 = arith.constant 0 : i32
      %dma_start3A_1130 = tpu.memref_slice %arg3[%dma_start3A_1128, %dma_start3A_1129] : memref<1000000x32xf32, #tpu.memory_space<hbm>> -> memref<1000000x32xf32, #tpu.memory_space<hbm>>
      tpu.enqueue_indirect_dma source(%dma_start3A_1130 : memref<1000000x32xf32, #tpu.memory_space<hbm>>) target(%dma_start3A_1124 : memref<50x32xf32, #tpu.memory_space<vmem>>) offsets(%dma_start3A_1127 : memref<50xi32, #tpu.memory_space<vmem>>) semaphore(%arg9 : memref<!tpu.dma_semaphore, #tpu.memory_space<semaphore_mem>>)
      %dma_start3A_1131 = arith.constant 21 : i32
      %dma_start3A_1132 = arith.constant 21 : i32
      %dma_start3A_1133 = arith.constant 0 : i32
      %dma_start3A_1134 = arith.constant 0 : i32
      %dma_start3A_1135 = tpu.memref_slice %arg7[%dma_start3A_1132, %dma_start3A_1133, %dma_start3A_1134] : memref<32x50x32xf32, #tpu.memory_space<vmem>> -> memref<1x50x32xf32, #tpu.memory_space<vmem>>
      %dma_start3A_1136 = tpu.memref_squeeze %dma_start3A_1135 : memref<1x50x32xf32, #tpu.memory_space<vmem>> -> memref<50x32xf32, #tpu.memory_space<vmem>>
      %dma_start3A_1137 = arith.constant 0 : i32
      %dma_start3A_1138 = tpu.memref_slice %arg5[%dma_start3A_1131, %dma_start3A_1137] : memref<32x50xi32, #tpu.memory_space<vmem>> -> memref<1x50xi32, #tpu.memory_space<vmem>>
      %dma_start3A_1139 = tpu.memref_squeeze %dma_start3A_1138 : memref<1x50xi32, #tpu.memory_space<vmem>> -> memref<50xi32, #tpu.memory_space<vmem>>
      %dma_start3A_1140 = arith.constant 0 : i32
      %dma_start3A_1141 = arith.constant 0 : i32
      %dma_start3A_1142 = tpu.memref_slice %arg3[%dma_start3A_1140, %dma_start3A_1141] : memref<1000000x32xf32, #tpu.memory_space<hbm>> -> memref<1000000x32xf32, #tpu.memory_space<hbm>>
      tpu.enqueue_indirect_dma source(%dma_start3A_1142 : memref<1000000x32xf32, #tpu.memory_space<hbm>>) target(%dma_start3A_1136 : memref<50x32xf32, #tpu.memory_space<vmem>>) offsets(%dma_start3A_1139 : memref<50xi32, #tpu.memory_space<vmem>>) semaphore(%arg9 : memref<!tpu.dma_semaphore, #tpu.memory_space<semaphore_mem>>)
      %dma_start3A_1143 = arith.constant 22 : i32
      %dma_start3A_1144 = arith.constant 22 : i32
      %dma_start3A_1145 = arith.constant 0 : i32
      %dma_start3A_1146 = arith.constant 0 : i32
      %dma_start3A_1147 = tpu.memref_slice %arg7[%dma_start3A_1144, %dma_start3A_1145, %dma_start3A_1146] : memref<32x50x32xf32, #tpu.memory_space<vmem>> -> memref<1x50x32xf32, #tpu.memory_space<vmem>>
      %dma_start3A_1148 = tpu.memref_squeeze %dma_start3A_1147 : memref<1x50x32xf32, #tpu.memory_space<vmem>> -> memref<50x32xf32, #tpu.memory_space<vmem>>
      %dma_start3A_1149 = arith.constant 0 : i32
      %dma_start3A_1150 = tpu.memref_slice %arg5[%dma_start3A_1143, %dma_start3A_1149] : memref<32x50xi32, #tpu.memory_space<vmem>> -> memref<1x50xi32, #tpu.memory_space<vmem>>
      %dma_start3A_1151 = tpu.memref_squeeze %dma_start3A_1150 : memref<1x50xi32, #tpu.memory_space<vmem>> -> memref<50xi32, #tpu.memory_space<vmem>>
      %dma_start3A_1152 = arith.constant 0 : i32
      %dma_start3A_1153 = arith.constant 0 : i32
      %dma_start3A_1154 = tpu.memref_slice %arg3[%dma_start3A_1152, %dma_start3A_1153] : memref<1000000x32xf32, #tpu.memory_space<hbm>> -> memref<1000000x32xf32, #tpu.memory_space<hbm>>
      tpu.enqueue_indirect_dma source(%dma_start3A_1154 : memref<1000000x32xf32, #tpu.memory_space<hbm>>) target(%dma_start3A_1148 : memref<50x32xf32, #tpu.memory_space<vmem>>) offsets(%dma_start3A_1151 : memref<50xi32, #tpu.memory_space<vmem>>) semaphore(%arg9 : memref<!tpu.dma_semaphore, #tpu.memory_space<semaphore_mem>>)
      %dma_start3A_1155 = arith.constant 23 : i32
      %dma_start3A_1156 = arith.constant 23 : i32
      %dma_start3A_1157 = arith.constant 0 : i32
      %dma_start3A_1158 = arith.constant 0 : i32
      %dma_start3A_1159 = tpu.memref_slice %arg7[%dma_start3A_1156, %dma_start3A_1157, %dma_start3A_1158] : memref<32x50x32xf32, #tpu.memory_space<vmem>> -> memref<1x50x32xf32, #tpu.memory_space<vmem>>
      %dma_start3A_1160 = tpu.memref_squeeze %dma_start3A_1159 : memref<1x50x32xf32, #tpu.memory_space<vmem>> -> memref<50x32xf32, #tpu.memory_space<vmem>>
      %dma_start3A_1161 = arith.constant 0 : i32
      %dma_start3A_1162 = tpu.memref_slice %arg5[%dma_start3A_1155, %dma_start3A_1161] : memref<32x50xi32, #tpu.memory_space<vmem>> -> memref<1x50xi32, #tpu.memory_space<vmem>>
      %dma_start3A_1163 = tpu.memref_squeeze %dma_start3A_1162 : memref<1x50xi32, #tpu.memory_space<vmem>> -> memref<50xi32, #tpu.memory_space<vmem>>
      %dma_start3A_1164 = arith.constant 0 : i32
      %dma_start3A_1165 = arith.constant 0 : i32
      %dma_start3A_1166 = tpu.memref_slice %arg3[%dma_start3A_1164, %dma_start3A_1165] : memref<1000000x32xf32, #tpu.memory_space<hbm>> -> memref<1000000x32xf32, #tpu.memory_space<hbm>>
      tpu.enqueue_indirect_dma source(%dma_start3A_1166 : memref<1000000x32xf32, #tpu.memory_space<hbm>>) target(%dma_start3A_1160 : memref<50x32xf32, #tpu.memory_space<vmem>>) offsets(%dma_start3A_1163 : memref<50xi32, #tpu.memory_space<vmem>>) semaphore(%arg9 : memref<!tpu.dma_semaphore, #tpu.memory_space<semaphore_mem>>)
      %dma_start3A_1167 = arith.constant 24 : i32
      %dma_start3A_1168 = arith.constant 24 : i32
      %dma_start3A_1169 = arith.constant 0 : i32
      %dma_start3A_1170 = arith.constant 0 : i32
      %dma_start3A_1171 = tpu.memref_slice %arg7[%dma_start3A_1168, %dma_start3A_1169, %dma_start3A_1170] : memref<32x50x32xf32, #tpu.memory_space<vmem>> -> memref<1x50x32xf32, #tpu.memory_space<vmem>>
      %dma_start3A_1172 = tpu.memref_squeeze %dma_start3A_1171 : memref<1x50x32xf32, #tpu.memory_space<vmem>> -> memref<50x32xf32, #tpu.memory_space<vmem>>
      %dma_start3A_1173 = arith.constant 0 : i32
      %dma_start3A_1174 = tpu.memref_slice %arg5[%dma_start3A_1167, %dma_start3A_1173] : memref<32x50xi32, #tpu.memory_space<vmem>> -> memref<1x50xi32, #tpu.memory_space<vmem>>
      %dma_start3A_1175 = tpu.memref_squeeze %dma_start3A_1174 : memref<1x50xi32, #tpu.memory_space<vmem>> -> memref<50xi32, #tpu.memory_space<vmem>>
      %dma_start3A_1176 = arith.constant 0 : i32
      %dma_start3A_1177 = arith.constant 0 : i32
      %dma_start3A_1178 = tpu.memref_slice %arg3[%dma_start3A_1176, %dma_start3A_1177] : memref<1000000x32xf32, #tpu.memory_space<hbm>> -> memref<1000000x32xf32, #tpu.memory_space<hbm>>
      tpu.enqueue_indirect_dma source(%dma_start3A_1178 : memref<1000000x32xf32, #tpu.memory_space<hbm>>) target(%dma_start3A_1172 : memref<50x32xf32, #tpu.memory_space<vmem>>) offsets(%dma_start3A_1175 : memref<50xi32, #tpu.memory_space<vmem>>) semaphore(%arg9 : memref<!tpu.dma_semaphore, #tpu.memory_space<semaphore_mem>>)
      %dma_start3A_1179 = arith.constant 25 : i32
      %dma_start3A_1180 = arith.constant 25 : i32
      %dma_start3A_1181 = arith.constant 0 : i32
      %dma_start3A_1182 = arith.constant 0 : i32
      %dma_start3A_1183 = tpu.memref_slice %arg7[%dma_start3A_1180, %dma_start3A_1181, %dma_start3A_1182] : memref<32x50x32xf32, #tpu.memory_space<vmem>> -> memref<1x50x32xf32, #tpu.memory_space<vmem>>
      %dma_start3A_1184 = tpu.memref_squeeze %dma_start3A_1183 : memref<1x50x32xf32, #tpu.memory_space<vmem>> -> memref<50x32xf32, #tpu.memory_space<vmem>>
      %dma_start3A_1185 = arith.constant 0 : i32
      %dma_start3A_1186 = tpu.memref_slice %arg5[%dma_start3A_1179, %dma_start3A_1185] : memref<32x50xi32, #tpu.memory_space<vmem>> -> memref<1x50xi32, #tpu.memory_space<vmem>>
      %dma_start3A_1187 = tpu.memref_squeeze %dma_start3A_1186 : memref<1x50xi32, #tpu.memory_space<vmem>> -> memref<50xi32, #tpu.memory_space<vmem>>
      %dma_start3A_1188 = arith.constant 0 : i32
      %dma_start3A_1189 = arith.constant 0 : i32
      %dma_start3A_1190 = tpu.memref_slice %arg3[%dma_start3A_1188, %dma_start3A_1189] : memref<1000000x32xf32, #tpu.memory_space<hbm>> -> memref<1000000x32xf32, #tpu.memory_space<hbm>>
      tpu.enqueue_indirect_dma source(%dma_start3A_1190 : memref<1000000x32xf32, #tpu.memory_space<hbm>>) target(%dma_start3A_1184 : memref<50x32xf32, #tpu.memory_space<vmem>>) offsets(%dma_start3A_1187 : memref<50xi32, #tpu.memory_space<vmem>>) semaphore(%arg9 : memref<!tpu.dma_semaphore, #tpu.memory_space<semaphore_mem>>)
      %dma_start3A_1191 = arith.constant 26 : i32
      %dma_start3A_1192 = arith.constant 26 : i32
      %dma_start3A_1193 = arith.constant 0 : i32
      %dma_start3A_1194 = arith.constant 0 : i32
      %dma_start3A_1195 = tpu.memref_slice %arg7[%dma_start3A_1192, %dma_start3A_1193, %dma_start3A_1194] : memref<32x50x32xf32, #tpu.memory_space<vmem>> -> memref<1x50x32xf32, #tpu.memory_space<vmem>>
      %dma_start3A_1196 = tpu.memref_squeeze %dma_start3A_1195 : memref<1x50x32xf32, #tpu.memory_space<vmem>> -> memref<50x32xf32, #tpu.memory_space<vmem>>
      %dma_start3A_1197 = arith.constant 0 : i32
      %dma_start3A_1198 = tpu.memref_slice %arg5[%dma_start3A_1191, %dma_start3A_1197] : memref<32x50xi32, #tpu.memory_space<vmem>> -> memref<1x50xi32, #tpu.memory_space<vmem>>
      %dma_start3A_1199 = tpu.memref_squeeze %dma_start3A_1198 : memref<1x50xi32, #tpu.memory_space<vmem>> -> memref<50xi32, #tpu.memory_space<vmem>>
      %dma_start3A_1200 = arith.constant 0 : i32
      %dma_start3A_1201 = arith.constant 0 : i32
      %dma_start3A_1202 = tpu.memref_slice %arg3[%dma_start3A_1200, %dma_start3A_1201] : memref<1000000x32xf32, #tpu.memory_space<hbm>> -> memref<1000000x32xf32, #tpu.memory_space<hbm>>
      tpu.enqueue_indirect_dma source(%dma_start3A_1202 : memref<1000000x32xf32, #tpu.memory_space<hbm>>) target(%dma_start3A_1196 : memref<50x32xf32, #tpu.memory_space<vmem>>) offsets(%dma_start3A_1199 : memref<50xi32, #tpu.memory_space<vmem>>) semaphore(%arg9 : memref<!tpu.dma_semaphore, #tpu.memory_space<semaphore_mem>>)
      %dma_start3A_1203 = arith.constant 27 : i32
      %dma_start3A_1204 = arith.constant 27 : i32
      %dma_start3A_1205 = arith.constant 0 : i32
      %dma_start3A_1206 = arith.constant 0 : i32
      %dma_start3A_1207 = tpu.memref_slice %arg7[%dma_start3A_1204, %dma_start3A_1205, %dma_start3A_1206] : memref<32x50x32xf32, #tpu.memory_space<vmem>> -> memref<1x50x32xf32, #tpu.memory_space<vmem>>
      %dma_start3A_1208 = tpu.memref_squeeze %dma_start3A_1207 : memref<1x50x32xf32, #tpu.memory_space<vmem>> -> memref<50x32xf32, #tpu.memory_space<vmem>>
      %dma_start3A_1209 = arith.constant 0 : i32
      %dma_start3A_1210 = tpu.memref_slice %arg5[%dma_start3A_1203, %dma_start3A_1209] : memref<32x50xi32, #tpu.memory_space<vmem>> -> memref<1x50xi32, #tpu.memory_space<vmem>>
      %dma_start3A_1211 = tpu.memref_squeeze %dma_start3A_1210 : memref<1x50xi32, #tpu.memory_space<vmem>> -> memref<50xi32, #tpu.memory_space<vmem>>
      %dma_start3A_1212 = arith.constant 0 : i32
      %dma_start3A_1213 = arith.constant 0 : i32
      %dma_start3A_1214 = tpu.memref_slice %arg3[%dma_start3A_1212, %dma_start3A_1213] : memref<1000000x32xf32, #tpu.memory_space<hbm>> -> memref<1000000x32xf32, #tpu.memory_space<hbm>>
      tpu.enqueue_indirect_dma source(%dma_start3A_1214 : memref<1000000x32xf32, #tpu.memory_space<hbm>>) target(%dma_start3A_1208 : memref<50x32xf32, #tpu.memory_space<vmem>>) offsets(%dma_start3A_1211 : memref<50xi32, #tpu.memory_space<vmem>>) semaphore(%arg9 : memref<!tpu.dma_semaphore, #tpu.memory_space<semaphore_mem>>)
      %dma_start3A_1215 = arith.constant 28 : i32
      %dma_start3A_1216 = arith.constant 28 : i32
      %dma_start3A_1217 = arith.constant 0 : i32
      %dma_start3A_1218 = arith.constant 0 : i32
      %dma_start3A_1219 = tpu.memref_slice %arg7[%dma_start3A_1216, %dma_start3A_1217, %dma_start3A_1218] : memref<32x50x32xf32, #tpu.memory_space<vmem>> -> memref<1x50x32xf32, #tpu.memory_space<vmem>>
      %dma_start3A_1220 = tpu.memref_squeeze %dma_start3A_1219 : memref<1x50x32xf32, #tpu.memory_space<vmem>> -> memref<50x32xf32, #tpu.memory_space<vmem>>
      %dma_start3A_1221 = arith.constant 0 : i32
      %dma_start3A_1222 = tpu.memref_slice %arg5[%dma_start3A_1215, %dma_start3A_1221] : memref<32x50xi32, #tpu.memory_space<vmem>> -> memref<1x50xi32, #tpu.memory_space<vmem>>
      %dma_start3A_1223 = tpu.memref_squeeze %dma_start3A_1222 : memref<1x50xi32, #tpu.memory_space<vmem>> -> memref<50xi32, #tpu.memory_space<vmem>>
      %dma_start3A_1224 = arith.constant 0 : i32
      %dma_start3A_1225 = arith.constant 0 : i32
      %dma_start3A_1226 = tpu.memref_slice %arg3[%dma_start3A_1224, %dma_start3A_1225] : memref<1000000x32xf32, #tpu.memory_space<hbm>> -> memref<1000000x32xf32, #tpu.memory_space<hbm>>
      tpu.enqueue_indirect_dma source(%dma_start3A_1226 : memref<1000000x32xf32, #tpu.memory_space<hbm>>) target(%dma_start3A_1220 : memref<50x32xf32, #tpu.memory_space<vmem>>) offsets(%dma_start3A_1223 : memref<50xi32, #tpu.memory_space<vmem>>) semaphore(%arg9 : memref<!tpu.dma_semaphore, #tpu.memory_space<semaphore_mem>>)
      %dma_start3A_1227 = arith.constant 29 : i32
      %dma_start3A_1228 = arith.constant 29 : i32
      %dma_start3A_1229 = arith.constant 0 : i32
      %dma_start3A_1230 = arith.constant 0 : i32
      %dma_start3A_1231 = tpu.memref_slice %arg7[%dma_start3A_1228, %dma_start3A_1229, %dma_start3A_1230] : memref<32x50x32xf32, #tpu.memory_space<vmem>> -> memref<1x50x32xf32, #tpu.memory_space<vmem>>
      %dma_start3A_1232 = tpu.memref_squeeze %dma_start3A_1231 : memref<1x50x32xf32, #tpu.memory_space<vmem>> -> memref<50x32xf32, #tpu.memory_space<vmem>>
      %dma_start3A_1233 = arith.constant 0 : i32
      %dma_start3A_1234 = tpu.memref_slice %arg5[%dma_start3A_1227, %dma_start3A_1233] : memref<32x50xi32, #tpu.memory_space<vmem>> -> memref<1x50xi32, #tpu.memory_space<vmem>>
      %dma_start3A_1235 = tpu.memref_squeeze %dma_start3A_1234 : memref<1x50xi32, #tpu.memory_space<vmem>> -> memref<50xi32, #tpu.memory_space<vmem>>
      %dma_start3A_1236 = arith.constant 0 : i32
      %dma_start3A_1237 = arith.constant 0 : i32
      %dma_start3A_1238 = tpu.memref_slice %arg3[%dma_start3A_1236, %dma_start3A_1237] : memref<1000000x32xf32, #tpu.memory_space<hbm>> -> memref<1000000x32xf32, #tpu.memory_space<hbm>>
      tpu.enqueue_indirect_dma source(%dma_start3A_1238 : memref<1000000x32xf32, #tpu.memory_space<hbm>>) target(%dma_start3A_1232 : memref<50x32xf32, #tpu.memory_space<vmem>>) offsets(%dma_start3A_1235 : memref<50xi32, #tpu.memory_space<vmem>>) semaphore(%arg9 : memref<!tpu.dma_semaphore, #tpu.memory_space<semaphore_mem>>)
      %dma_start3A_1239 = arith.constant 30 : i32
      %dma_start3A_1240 = arith.constant 30 : i32
      %dma_start3A_1241 = arith.constant 0 : i32
      %dma_start3A_1242 = arith.constant 0 : i32
      %dma_start3A_1243 = tpu.memref_slice %arg7[%dma_start3A_1240, %dma_start3A_1241, %dma_start3A_1242] : memref<32x50x32xf32, #tpu.memory_space<vmem>> -> memref<1x50x32xf32, #tpu.memory_space<vmem>>
      %dma_start3A_1244 = tpu.memref_squeeze %dma_start3A_1243 : memref<1x50x32xf32, #tpu.memory_space<vmem>> -> memref<50x32xf32, #tpu.memory_space<vmem>>
      %dma_start3A_1245 = arith.constant 0 : i32
      %dma_start3A_1246 = tpu.memref_slice %arg5[%dma_start3A_1239, %dma_start3A_1245] : memref<32x50xi32, #tpu.memory_space<vmem>> -> memref<1x50xi32, #tpu.memory_space<vmem>>
      %dma_start3A_1247 = tpu.memref_squeeze %dma_start3A_1246 : memref<1x50xi32, #tpu.memory_space<vmem>> -> memref<50xi32, #tpu.memory_space<vmem>>
      %dma_start3A_1248 = arith.constant 0 : i32
      %dma_start3A_1249 = arith.constant 0 : i32
      %dma_start3A_1250 = tpu.memref_slice %arg3[%dma_start3A_1248, %dma_start3A_1249] : memref<1000000x32xf32, #tpu.memory_space<hbm>> -> memref<1000000x32xf32, #tpu.memory_space<hbm>>
      tpu.enqueue_indirect_dma source(%dma_start3A_1250 : memref<1000000x32xf32, #tpu.memory_space<hbm>>) target(%dma_start3A_1244 : memref<50x32xf32, #tpu.memory_space<vmem>>) offsets(%dma_start3A_1247 : memref<50xi32, #tpu.memory_space<vmem>>) semaphore(%arg9 : memref<!tpu.dma_semaphore, #tpu.memory_space<semaphore_mem>>)
      %dma_start3A_1251 = arith.constant 31 : i32
      %dma_start3A_1252 = arith.constant 31 : i32
      %dma_start3A_1253 = arith.constant 0 : i32
      %dma_start3A_1254 = arith.constant 0 : i32
      %dma_start3A_1255 = tpu.memref_slice %arg7[%dma_start3A_1252, %dma_start3A_1253, %dma_start3A_1254] : memref<32x50x32xf32, #tpu.memory_space<vmem>> -> memref<1x50x32xf32, #tpu.memory_space<vmem>>
      %dma_start3A_1256 = tpu.memref_squeeze %dma_start3A_1255 : memref<1x50x32xf32, #tpu.memory_space<vmem>> -> memref<50x32xf32, #tpu.memory_space<vmem>>
      %dma_start3A_1257 = arith.constant 0 : i32
      %dma_start3A_1258 = tpu.memref_slice %arg5[%dma_start3A_1251, %dma_start3A_1257] : memref<32x50xi32, #tpu.memory_space<vmem>> -> memref<1x50xi32, #tpu.memory_space<vmem>>
      %dma_start3A_1259 = tpu.memref_squeeze %dma_start3A_1258 : memref<1x50xi32, #tpu.memory_space<vmem>> -> memref<50xi32, #tpu.memory_space<vmem>>
      %dma_start3A_1260 = arith.constant 0 : i32
      %dma_start3A_1261 = arith.constant 0 : i32
      %dma_start3A_1262 = tpu.memref_slice %arg3[%dma_start3A_1260, %dma_start3A_1261] : memref<1000000x32xf32, #tpu.memory_space<hbm>> -> memref<1000000x32xf32, #tpu.memory_space<hbm>>
      tpu.enqueue_indirect_dma source(%dma_start3A_1262 : memref<1000000x32xf32, #tpu.memory_space<hbm>>) target(%dma_start3A_1256 : memref<50x32xf32, #tpu.memory_space<vmem>>) offsets(%dma_start3A_1259 : memref<50xi32, #tpu.memory_space<vmem>>) semaphore(%arg9 : memref<!tpu.dma_semaphore, #tpu.memory_space<semaphore_mem>>)
      %mul3A_1263 = arith.constant 2 : i32
      %mul3A_1264 = arith.muli %mul3A_1263, %scan3A_840 : i32
      %add3A_1265 = arith.constant 1 : i32
      %add3A_1266 = arith.addi %mul3A_1264, %add3A_1265 : i32
      %mul3A_1267 = arith.constant 32 : i32
      %mul3A_1268 = arith.muli %add3A_1266, %mul3A_1267 : i32
      %add3A_1269 = arith.addi %mul3A_2, %mul3A_1268 : i32
      %dma_wait3A_1270 = arith.constant 0 : i32
      %dma_wait3A_1271 = arith.constant 0 : i32
      %dma_wait3A_1272 = arith.constant 0 : i32
      %dma_wait3A_1273 = arith.constant 0 : i32
      %dma_wait3A_1274 = tpu.memref_slice %arg4[%dma_wait3A_1270, %dma_wait3A_1271, %dma_wait3A_1272, %dma_wait3A_1273] : memref<1x16384x50x32xf32, #tpu.memory_space<hbm>> -> memref<1x32x50x32xf32, #tpu.memory_space<hbm>>
      %dma_wait3A_1275 = tpu.memref_squeeze %dma_wait3A_1274 : memref<1x32x50x32xf32, #tpu.memory_space<hbm>> -> memref<32x50x32xf32, #tpu.memory_space<hbm>>
      %dma_wait3A_1276 = arith.constant 0 : i32
      %dma_wait3A_1277 = arith.constant 0 : i32
      %dma_wait3A_1278 = arith.constant 0 : i32
      %dma_wait3A_1279 = tpu.memref_slice %arg4[%dma_wait3A_1270, %dma_wait3A_1276, %dma_wait3A_1277, %dma_wait3A_1278] : memref<1x16384x50x32xf32, #tpu.memory_space<hbm>> -> memref<1x32x50x32xf32, #tpu.memory_space<hbm>>
      %dma_wait3A_1280 = tpu.memref_squeeze %dma_wait3A_1279 : memref<1x32x50x32xf32, #tpu.memory_space<hbm>> -> memref<32x50x32xf32, #tpu.memory_space<hbm>>
      tpu.wait_dma2 semaphore(%arg10 : memref<!tpu.dma_semaphore, #tpu.memory_space<semaphore_mem>>) src(%dma_wait3A_1280 : memref<32x50x32xf32, #tpu.memory_space<hbm>>) dst(%arg8 : memref<32x50x32xf32, #tpu.memory_space<vmem>>)
      %dma_start3A_1281 = arith.constant 0 : i32
      %dma_start3A_1282 = arith.constant 0 : i32
      %dma_start3A_1283 = arith.constant 0 : i32
      %dma_start3A_1284 = tpu.memref_slice %arg4[%dma_start3A_1281, %add3A_1269, %dma_start3A_1282, %dma_start3A_1283] : memref<1x16384x50x32xf32, #tpu.memory_space<hbm>> -> memref<1x32x50x32xf32, #tpu.memory_space<hbm>>
      %dma_start3A_1285 = tpu.memref_squeeze %dma_start3A_1284 : memref<1x32x50x32xf32, #tpu.memory_space<hbm>> -> memref<32x50x32xf32, #tpu.memory_space<hbm>>
      %dma_start3A_1286 = arith.constant 0 : i32
      %dma_start3A_1287 = arith.constant 0 : i32
      %dma_start3A_1288 = tpu.memref_slice %arg4[%dma_start3A_1281, %add3A_1269, %dma_start3A_1286, %dma_start3A_1287] : memref<1x16384x50x32xf32, #tpu.memory_space<hbm>> -> memref<1x32x50x32xf32, #tpu.memory_space<hbm>>
      %dma_start3A_1289 = tpu.memref_squeeze %dma_start3A_1288 : memref<1x32x50x32xf32, #tpu.memory_space<hbm>> -> memref<32x50x32xf32, #tpu.memory_space<hbm>>
      tpu.enqueue_dma source(%arg8 : memref<32x50x32xf32, #tpu.memory_space<vmem>>) target(%dma_start3A_1289 : memref<32x50x32xf32, #tpu.memory_space<hbm>>) target_semaphore(%arg12 : memref<!tpu.dma_semaphore, #tpu.memory_space<semaphore_mem>>)
      %dma_wait3A_1290 = arith.constant 0 : i32
      %dma_wait3A_1291 = arith.constant 0 : i32
      %dma_wait3A_1292 = arith.constant 0 : i32
      %dma_wait3A_1293 = tpu.memref_slice %arg4[%dma_wait3A_1290, %add3A_1269, %dma_wait3A_1291, %dma_wait3A_1292] : memref<1x16384x50x32xf32, #tpu.memory_space<hbm>> -> memref<1x32x50x32xf32, #tpu.memory_space<hbm>>
      %dma_wait3A_1294 = tpu.memref_squeeze %dma_wait3A_1293 : memref<1x32x50x32xf32, #tpu.memory_space<hbm>> -> memref<32x50x32xf32, #tpu.memory_space<hbm>>
      %dma_wait3A_1295 = arith.constant 0 : i32
      %dma_wait3A_1296 = arith.constant 0 : i32
      %dma_wait3A_1297 = tpu.memref_slice %arg4[%dma_wait3A_1290, %add3A_1269, %dma_wait3A_1295, %dma_wait3A_1296] : memref<1x16384x50x32xf32, #tpu.memory_space<hbm>> -> memref<1x32x50x32xf32, #tpu.memory_space<hbm>>
      %dma_wait3A_1298 = tpu.memref_squeeze %dma_wait3A_1297 : memref<1x32x50x32xf32, #tpu.memory_space<hbm>> -> memref<32x50x32xf32, #tpu.memory_space<hbm>>
      tpu.wait_dma2 semaphore(%arg12 : memref<!tpu.dma_semaphore, #tpu.memory_space<semaphore_mem>>) src(%arg8 : memref<32x50x32xf32, #tpu.memory_space<vmem>>) dst(%dma_wait3A_1298 : memref<32x50x32xf32, #tpu.memory_space<hbm>>)
      %add3A_1299 = arith.constant 64 : i32
      %add3A_1300 = arith.addi %add3A_1269, %add3A_1299 : i32
      "tpu.region"() ({
        %run_scoped3A = tpu.sem_alloc : memref<!tpu.dma_semaphore, #tpu.memory_space<semaphore_mem>>
        %dma_start3A_1685 = arith.constant 0 : i32
        %dma_start3A_1686 = tpu.memref_slice %arg2[%add3A_1300, %dma_start3A_1685] : memref<16384x50xi32, #tpu.memory_space<hbm>> -> memref<32x50xi32, #tpu.memory_space<hbm>>
        %dma_start3A_1687 = arith.constant 0 : i32
        %dma_start3A_1688 = tpu.memref_slice %arg2[%add3A_1300, %dma_start3A_1687] : memref<16384x50xi32, #tpu.memory_space<hbm>> -> memref<32x50xi32, #tpu.memory_space<hbm>>
        tpu.enqueue_dma source(%dma_start3A_1688 : memref<32x50xi32, #tpu.memory_space<hbm>>) target(%arg6 : memref<32x50xi32, #tpu.memory_space<vmem>>) target_semaphore(%run_scoped3A : memref<!tpu.dma_semaphore, #tpu.memory_space<semaphore_mem>>)
        %dma_wait3A_1689 = arith.constant 0 : i32
        %dma_wait3A_1690 = tpu.memref_slice %arg2[%add3A_1300, %dma_wait3A_1689] : memref<16384x50xi32, #tpu.memory_space<hbm>> -> memref<32x50xi32, #tpu.memory_space<hbm>>
        %dma_wait3A_1691 = arith.constant 0 : i32
        %dma_wait3A_1692 = tpu.memref_slice %arg2[%add3A_1300, %dma_wait3A_1691] : memref<16384x50xi32, #tpu.memory_space<hbm>> -> memref<32x50xi32, #tpu.memory_space<hbm>>
        tpu.wait_dma2 semaphore(%run_scoped3A : memref<!tpu.dma_semaphore, #tpu.memory_space<semaphore_mem>>) src(%dma_wait3A_1692 : memref<32x50xi32, #tpu.memory_space<hbm>>) dst(%arg6 : memref<32x50xi32, #tpu.memory_space<vmem>>)
        tpu.yield
      }) : () -> ()
      %dma_start3A_1301 = arith.constant 0 : i32
      %dma_start3A_1302 = arith.constant 0 : i32
      %dma_start3A_1303 = arith.constant 0 : i32
      %dma_start3A_1304 = arith.constant 0 : i32
      %dma_start3A_1305 = tpu.memref_slice %arg8[%dma_start3A_1302, %dma_start3A_1303, %dma_start3A_1304] : memref<32x50x32xf32, #tpu.memory_space<vmem>> -> memref<1x50x32xf32, #tpu.memory_space<vmem>>
      %dma_start3A_1306 = tpu.memref_squeeze %dma_start3A_1305 : memref<1x50x32xf32, #tpu.memory_space<vmem>> -> memref<50x32xf32, #tpu.memory_space<vmem>>
      %dma_start3A_1307 = arith.constant 0 : i32
      %dma_start3A_1308 = tpu.memref_slice %arg6[%dma_start3A_1301, %dma_start3A_1307] : memref<32x50xi32, #tpu.memory_space<vmem>> -> memref<1x50xi32, #tpu.memory_space<vmem>>
      %dma_start3A_1309 = tpu.memref_squeeze %dma_start3A_1308 : memref<1x50xi32, #tpu.memory_space<vmem>> -> memref<50xi32, #tpu.memory_space<vmem>>
      %dma_start3A_1310 = arith.constant 0 : i32
      %dma_start3A_1311 = arith.constant 0 : i32
      %dma_start3A_1312 = tpu.memref_slice %arg3[%dma_start3A_1310, %dma_start3A_1311] : memref<1000000x32xf32, #tpu.memory_space<hbm>> -> memref<1000000x32xf32, #tpu.memory_space<hbm>>
      tpu.enqueue_indirect_dma source(%dma_start3A_1312 : memref<1000000x32xf32, #tpu.memory_space<hbm>>) target(%dma_start3A_1306 : memref<50x32xf32, #tpu.memory_space<vmem>>) offsets(%dma_start3A_1309 : memref<50xi32, #tpu.memory_space<vmem>>) semaphore(%arg10 : memref<!tpu.dma_semaphore, #tpu.memory_space<semaphore_mem>>)
      %dma_start3A_1313 = arith.constant 1 : i32
      %dma_start3A_1314 = arith.constant 1 : i32
      %dma_start3A_1315 = arith.constant 0 : i32
      %dma_start3A_1316 = arith.constant 0 : i32
      %dma_start3A_1317 = tpu.memref_slice %arg8[%dma_start3A_1314, %dma_start3A_1315, %dma_start3A_1316] : memref<32x50x32xf32, #tpu.memory_space<vmem>> -> memref<1x50x32xf32, #tpu.memory_space<vmem>>
      %dma_start3A_1318 = tpu.memref_squeeze %dma_start3A_1317 : memref<1x50x32xf32, #tpu.memory_space<vmem>> -> memref<50x32xf32, #tpu.memory_space<vmem>>
      %dma_start3A_1319 = arith.constant 0 : i32
      %dma_start3A_1320 = tpu.memref_slice %arg6[%dma_start3A_1313, %dma_start3A_1319] : memref<32x50xi32, #tpu.memory_space<vmem>> -> memref<1x50xi32, #tpu.memory_space<vmem>>
      %dma_start3A_1321 = tpu.memref_squeeze %dma_start3A_1320 : memref<1x50xi32, #tpu.memory_space<vmem>> -> memref<50xi32, #tpu.memory_space<vmem>>
      %dma_start3A_1322 = arith.constant 0 : i32
      %dma_start3A_1323 = arith.constant 0 : i32
      %dma_start3A_1324 = tpu.memref_slice %arg3[%dma_start3A_1322, %dma_start3A_1323] : memref<1000000x32xf32, #tpu.memory_space<hbm>> -> memref<1000000x32xf32, #tpu.memory_space<hbm>>
      tpu.enqueue_indirect_dma source(%dma_start3A_1324 : memref<1000000x32xf32, #tpu.memory_space<hbm>>) target(%dma_start3A_1318 : memref<50x32xf32, #tpu.memory_space<vmem>>) offsets(%dma_start3A_1321 : memref<50xi32, #tpu.memory_space<vmem>>) semaphore(%arg10 : memref<!tpu.dma_semaphore, #tpu.memory_space<semaphore_mem>>)
      %dma_start3A_1325 = arith.constant 2 : i32
      %dma_start3A_1326 = arith.constant 2 : i32
      %dma_start3A_1327 = arith.constant 0 : i32
      %dma_start3A_1328 = arith.constant 0 : i32
      %dma_start3A_1329 = tpu.memref_slice %arg8[%dma_start3A_1326, %dma_start3A_1327, %dma_start3A_1328] : memref<32x50x32xf32, #tpu.memory_space<vmem>> -> memref<1x50x32xf32, #tpu.memory_space<vmem>>
      %dma_start3A_1330 = tpu.memref_squeeze %dma_start3A_1329 : memref<1x50x32xf32, #tpu.memory_space<vmem>> -> memref<50x32xf32, #tpu.memory_space<vmem>>
      %dma_start3A_1331 = arith.constant 0 : i32
      %dma_start3A_1332 = tpu.memref_slice %arg6[%dma_start3A_1325, %dma_start3A_1331] : memref<32x50xi32, #tpu.memory_space<vmem>> -> memref<1x50xi32, #tpu.memory_space<vmem>>
      %dma_start3A_1333 = tpu.memref_squeeze %dma_start3A_1332 : memref<1x50xi32, #tpu.memory_space<vmem>> -> memref<50xi32, #tpu.memory_space<vmem>>
      %dma_start3A_1334 = arith.constant 0 : i32
      %dma_start3A_1335 = arith.constant 0 : i32
      %dma_start3A_1336 = tpu.memref_slice %arg3[%dma_start3A_1334, %dma_start3A_1335] : memref<1000000x32xf32, #tpu.memory_space<hbm>> -> memref<1000000x32xf32, #tpu.memory_space<hbm>>
      tpu.enqueue_indirect_dma source(%dma_start3A_1336 : memref<1000000x32xf32, #tpu.memory_space<hbm>>) target(%dma_start3A_1330 : memref<50x32xf32, #tpu.memory_space<vmem>>) offsets(%dma_start3A_1333 : memref<50xi32, #tpu.memory_space<vmem>>) semaphore(%arg10 : memref<!tpu.dma_semaphore, #tpu.memory_space<semaphore_mem>>)
      %dma_start3A_1337 = arith.constant 3 : i32
      %dma_start3A_1338 = arith.constant 3 : i32
      %dma_start3A_1339 = arith.constant 0 : i32
      %dma_start3A_1340 = arith.constant 0 : i32
      %dma_start3A_1341 = tpu.memref_slice %arg8[%dma_start3A_1338, %dma_start3A_1339, %dma_start3A_1340] : memref<32x50x32xf32, #tpu.memory_space<vmem>> -> memref<1x50x32xf32, #tpu.memory_space<vmem>>
      %dma_start3A_1342 = tpu.memref_squeeze %dma_start3A_1341 : memref<1x50x32xf32, #tpu.memory_space<vmem>> -> memref<50x32xf32, #tpu.memory_space<vmem>>
      %dma_start3A_1343 = arith.constant 0 : i32
      %dma_start3A_1344 = tpu.memref_slice %arg6[%dma_start3A_1337, %dma_start3A_1343] : memref<32x50xi32, #tpu.memory_space<vmem>> -> memref<1x50xi32, #tpu.memory_space<vmem>>
      %dma_start3A_1345 = tpu.memref_squeeze %dma_start3A_1344 : memref<1x50xi32, #tpu.memory_space<vmem>> -> memref<50xi32, #tpu.memory_space<vmem>>
      %dma_start3A_1346 = arith.constant 0 : i32
      %dma_start3A_1347 = arith.constant 0 : i32
      %dma_start3A_1348 = tpu.memref_slice %arg3[%dma_start3A_1346, %dma_start3A_1347] : memref<1000000x32xf32, #tpu.memory_space<hbm>> -> memref<1000000x32xf32, #tpu.memory_space<hbm>>
      tpu.enqueue_indirect_dma source(%dma_start3A_1348 : memref<1000000x32xf32, #tpu.memory_space<hbm>>) target(%dma_start3A_1342 : memref<50x32xf32, #tpu.memory_space<vmem>>) offsets(%dma_start3A_1345 : memref<50xi32, #tpu.memory_space<vmem>>) semaphore(%arg10 : memref<!tpu.dma_semaphore, #tpu.memory_space<semaphore_mem>>)
      %dma_start3A_1349 = arith.constant 4 : i32
      %dma_start3A_1350 = arith.constant 4 : i32
      %dma_start3A_1351 = arith.constant 0 : i32
      %dma_start3A_1352 = arith.constant 0 : i32
      %dma_start3A_1353 = tpu.memref_slice %arg8[%dma_start3A_1350, %dma_start3A_1351, %dma_start3A_1352] : memref<32x50x32xf32, #tpu.memory_space<vmem>> -> memref<1x50x32xf32, #tpu.memory_space<vmem>>
      %dma_start3A_1354 = tpu.memref_squeeze %dma_start3A_1353 : memref<1x50x32xf32, #tpu.memory_space<vmem>> -> memref<50x32xf32, #tpu.memory_space<vmem>>
      %dma_start3A_1355 = arith.constant 0 : i32
      %dma_start3A_1356 = tpu.memref_slice %arg6[%dma_start3A_1349, %dma_start3A_1355] : memref<32x50xi32, #tpu.memory_space<vmem>> -> memref<1x50xi32, #tpu.memory_space<vmem>>
      %dma_start3A_1357 = tpu.memref_squeeze %dma_start3A_1356 : memref<1x50xi32, #tpu.memory_space<vmem>> -> memref<50xi32, #tpu.memory_space<vmem>>
      %dma_start3A_1358 = arith.constant 0 : i32
      %dma_start3A_1359 = arith.constant 0 : i32
      %dma_start3A_1360 = tpu.memref_slice %arg3[%dma_start3A_1358, %dma_start3A_1359] : memref<1000000x32xf32, #tpu.memory_space<hbm>> -> memref<1000000x32xf32, #tpu.memory_space<hbm>>
      tpu.enqueue_indirect_dma source(%dma_start3A_1360 : memref<1000000x32xf32, #tpu.memory_space<hbm>>) target(%dma_start3A_1354 : memref<50x32xf32, #tpu.memory_space<vmem>>) offsets(%dma_start3A_1357 : memref<50xi32, #tpu.memory_space<vmem>>) semaphore(%arg10 : memref<!tpu.dma_semaphore, #tpu.memory_space<semaphore_mem>>)
      %dma_start3A_1361 = arith.constant 5 : i32
      %dma_start3A_1362 = arith.constant 5 : i32
      %dma_start3A_1363 = arith.constant 0 : i32
      %dma_start3A_1364 = arith.constant 0 : i32
      %dma_start3A_1365 = tpu.memref_slice %arg8[%dma_start3A_1362, %dma_start3A_1363, %dma_start3A_1364] : memref<32x50x32xf32, #tpu.memory_space<vmem>> -> memref<1x50x32xf32, #tpu.memory_space<vmem>>
      %dma_start3A_1366 = tpu.memref_squeeze %dma_start3A_1365 : memref<1x50x32xf32, #tpu.memory_space<vmem>> -> memref<50x32xf32, #tpu.memory_space<vmem>>
      %dma_start3A_1367 = arith.constant 0 : i32
      %dma_start3A_1368 = tpu.memref_slice %arg6[%dma_start3A_1361, %dma_start3A_1367] : memref<32x50xi32, #tpu.memory_space<vmem>> -> memref<1x50xi32, #tpu.memory_space<vmem>>
      %dma_start3A_1369 = tpu.memref_squeeze %dma_start3A_1368 : memref<1x50xi32, #tpu.memory_space<vmem>> -> memref<50xi32, #tpu.memory_space<vmem>>
      %dma_start3A_1370 = arith.constant 0 : i32
      %dma_start3A_1371 = arith.constant 0 : i32
      %dma_start3A_1372 = tpu.memref_slice %arg3[%dma_start3A_1370, %dma_start3A_1371] : memref<1000000x32xf32, #tpu.memory_space<hbm>> -> memref<1000000x32xf32, #tpu.memory_space<hbm>>
      tpu.enqueue_indirect_dma source(%dma_start3A_1372 : memref<1000000x32xf32, #tpu.memory_space<hbm>>) target(%dma_start3A_1366 : memref<50x32xf32, #tpu.memory_space<vmem>>) offsets(%dma_start3A_1369 : memref<50xi32, #tpu.memory_space<vmem>>) semaphore(%arg10 : memref<!tpu.dma_semaphore, #tpu.memory_space<semaphore_mem>>)
      %dma_start3A_1373 = arith.constant 6 : i32
      %dma_start3A_1374 = arith.constant 6 : i32
      %dma_start3A_1375 = arith.constant 0 : i32
      %dma_start3A_1376 = arith.constant 0 : i32
      %dma_start3A_1377 = tpu.memref_slice %arg8[%dma_start3A_1374, %dma_start3A_1375, %dma_start3A_1376] : memref<32x50x32xf32, #tpu.memory_space<vmem>> -> memref<1x50x32xf32, #tpu.memory_space<vmem>>
      %dma_start3A_1378 = tpu.memref_squeeze %dma_start3A_1377 : memref<1x50x32xf32, #tpu.memory_space<vmem>> -> memref<50x32xf32, #tpu.memory_space<vmem>>
      %dma_start3A_1379 = arith.constant 0 : i32
      %dma_start3A_1380 = tpu.memref_slice %arg6[%dma_start3A_1373, %dma_start3A_1379] : memref<32x50xi32, #tpu.memory_space<vmem>> -> memref<1x50xi32, #tpu.memory_space<vmem>>
      %dma_start3A_1381 = tpu.memref_squeeze %dma_start3A_1380 : memref<1x50xi32, #tpu.memory_space<vmem>> -> memref<50xi32, #tpu.memory_space<vmem>>
      %dma_start3A_1382 = arith.constant 0 : i32
      %dma_start3A_1383 = arith.constant 0 : i32
      %dma_start3A_1384 = tpu.memref_slice %arg3[%dma_start3A_1382, %dma_start3A_1383] : memref<1000000x32xf32, #tpu.memory_space<hbm>> -> memref<1000000x32xf32, #tpu.memory_space<hbm>>
      tpu.enqueue_indirect_dma source(%dma_start3A_1384 : memref<1000000x32xf32, #tpu.memory_space<hbm>>) target(%dma_start3A_1378 : memref<50x32xf32, #tpu.memory_space<vmem>>) offsets(%dma_start3A_1381 : memref<50xi32, #tpu.memory_space<vmem>>) semaphore(%arg10 : memref<!tpu.dma_semaphore, #tpu.memory_space<semaphore_mem>>)
      %dma_start3A_1385 = arith.constant 7 : i32
      %dma_start3A_1386 = arith.constant 7 : i32
      %dma_start3A_1387 = arith.constant 0 : i32
      %dma_start3A_1388 = arith.constant 0 : i32
      %dma_start3A_1389 = tpu.memref_slice %arg8[%dma_start3A_1386, %dma_start3A_1387, %dma_start3A_1388] : memref<32x50x32xf32, #tpu.memory_space<vmem>> -> memref<1x50x32xf32, #tpu.memory_space<vmem>>
      %dma_start3A_1390 = tpu.memref_squeeze %dma_start3A_1389 : memref<1x50x32xf32, #tpu.memory_space<vmem>> -> memref<50x32xf32, #tpu.memory_space<vmem>>
      %dma_start3A_1391 = arith.constant 0 : i32
      %dma_start3A_1392 = tpu.memref_slice %arg6[%dma_start3A_1385, %dma_start3A_1391] : memref<32x50xi32, #tpu.memory_space<vmem>> -> memref<1x50xi32, #tpu.memory_space<vmem>>
      %dma_start3A_1393 = tpu.memref_squeeze %dma_start3A_1392 : memref<1x50xi32, #tpu.memory_space<vmem>> -> memref<50xi32, #tpu.memory_space<vmem>>
      %dma_start3A_1394 = arith.constant 0 : i32
      %dma_start3A_1395 = arith.constant 0 : i32
      %dma_start3A_1396 = tpu.memref_slice %arg3[%dma_start3A_1394, %dma_start3A_1395] : memref<1000000x32xf32, #tpu.memory_space<hbm>> -> memref<1000000x32xf32, #tpu.memory_space<hbm>>
      tpu.enqueue_indirect_dma source(%dma_start3A_1396 : memref<1000000x32xf32, #tpu.memory_space<hbm>>) target(%dma_start3A_1390 : memref<50x32xf32, #tpu.memory_space<vmem>>) offsets(%dma_start3A_1393 : memref<50xi32, #tpu.memory_space<vmem>>) semaphore(%arg10 : memref<!tpu.dma_semaphore, #tpu.memory_space<semaphore_mem>>)
      %dma_start3A_1397 = arith.constant 8 : i32
      %dma_start3A_1398 = arith.constant 8 : i32
      %dma_start3A_1399 = arith.constant 0 : i32
      %dma_start3A_1400 = arith.constant 0 : i32
      %dma_start3A_1401 = tpu.memref_slice %arg8[%dma_start3A_1398, %dma_start3A_1399, %dma_start3A_1400] : memref<32x50x32xf32, #tpu.memory_space<vmem>> -> memref<1x50x32xf32, #tpu.memory_space<vmem>>
      %dma_start3A_1402 = tpu.memref_squeeze %dma_start3A_1401 : memref<1x50x32xf32, #tpu.memory_space<vmem>> -> memref<50x32xf32, #tpu.memory_space<vmem>>
      %dma_start3A_1403 = arith.constant 0 : i32
      %dma_start3A_1404 = tpu.memref_slice %arg6[%dma_start3A_1397, %dma_start3A_1403] : memref<32x50xi32, #tpu.memory_space<vmem>> -> memref<1x50xi32, #tpu.memory_space<vmem>>
      %dma_start3A_1405 = tpu.memref_squeeze %dma_start3A_1404 : memref<1x50xi32, #tpu.memory_space<vmem>> -> memref<50xi32, #tpu.memory_space<vmem>>
      %dma_start3A_1406 = arith.constant 0 : i32
      %dma_start3A_1407 = arith.constant 0 : i32
      %dma_start3A_1408 = tpu.memref_slice %arg3[%dma_start3A_1406, %dma_start3A_1407] : memref<1000000x32xf32, #tpu.memory_space<hbm>> -> memref<1000000x32xf32, #tpu.memory_space<hbm>>
      tpu.enqueue_indirect_dma source(%dma_start3A_1408 : memref<1000000x32xf32, #tpu.memory_space<hbm>>) target(%dma_start3A_1402 : memref<50x32xf32, #tpu.memory_space<vmem>>) offsets(%dma_start3A_1405 : memref<50xi32, #tpu.memory_space<vmem>>) semaphore(%arg10 : memref<!tpu.dma_semaphore, #tpu.memory_space<semaphore_mem>>)
      %dma_start3A_1409 = arith.constant 9 : i32
      %dma_start3A_1410 = arith.constant 9 : i32
      %dma_start3A_1411 = arith.constant 0 : i32
      %dma_start3A_1412 = arith.constant 0 : i32
      %dma_start3A_1413 = tpu.memref_slice %arg8[%dma_start3A_1410, %dma_start3A_1411, %dma_start3A_1412] : memref<32x50x32xf32, #tpu.memory_space<vmem>> -> memref<1x50x32xf32, #tpu.memory_space<vmem>>
      %dma_start3A_1414 = tpu.memref_squeeze %dma_start3A_1413 : memref<1x50x32xf32, #tpu.memory_space<vmem>> -> memref<50x32xf32, #tpu.memory_space<vmem>>
      %dma_start3A_1415 = arith.constant 0 : i32
      %dma_start3A_1416 = tpu.memref_slice %arg6[%dma_start3A_1409, %dma_start3A_1415] : memref<32x50xi32, #tpu.memory_space<vmem>> -> memref<1x50xi32, #tpu.memory_space<vmem>>
      %dma_start3A_1417 = tpu.memref_squeeze %dma_start3A_1416 : memref<1x50xi32, #tpu.memory_space<vmem>> -> memref<50xi32, #tpu.memory_space<vmem>>
      %dma_start3A_1418 = arith.constant 0 : i32
      %dma_start3A_1419 = arith.constant 0 : i32
      %dma_start3A_1420 = tpu.memref_slice %arg3[%dma_start3A_1418, %dma_start3A_1419] : memref<1000000x32xf32, #tpu.memory_space<hbm>> -> memref<1000000x32xf32, #tpu.memory_space<hbm>>
      tpu.enqueue_indirect_dma source(%dma_start3A_1420 : memref<1000000x32xf32, #tpu.memory_space<hbm>>) target(%dma_start3A_1414 : memref<50x32xf32, #tpu.memory_space<vmem>>) offsets(%dma_start3A_1417 : memref<50xi32, #tpu.memory_space<vmem>>) semaphore(%arg10 : memref<!tpu.dma_semaphore, #tpu.memory_space<semaphore_mem>>)
      %dma_start3A_1421 = arith.constant 10 : i32
      %dma_start3A_1422 = arith.constant 10 : i32
      %dma_start3A_1423 = arith.constant 0 : i32
      %dma_start3A_1424 = arith.constant 0 : i32
      %dma_start3A_1425 = tpu.memref_slice %arg8[%dma_start3A_1422, %dma_start3A_1423, %dma_start3A_1424] : memref<32x50x32xf32, #tpu.memory_space<vmem>> -> memref<1x50x32xf32, #tpu.memory_space<vmem>>
      %dma_start3A_1426 = tpu.memref_squeeze %dma_start3A_1425 : memref<1x50x32xf32, #tpu.memory_space<vmem>> -> memref<50x32xf32, #tpu.memory_space<vmem>>
      %dma_start3A_1427 = arith.constant 0 : i32
      %dma_start3A_1428 = tpu.memref_slice %arg6[%dma_start3A_1421, %dma_start3A_1427] : memref<32x50xi32, #tpu.memory_space<vmem>> -> memref<1x50xi32, #tpu.memory_space<vmem>>
      %dma_start3A_1429 = tpu.memref_squeeze %dma_start3A_1428 : memref<1x50xi32, #tpu.memory_space<vmem>> -> memref<50xi32, #tpu.memory_space<vmem>>
      %dma_start3A_1430 = arith.constant 0 : i32
      %dma_start3A_1431 = arith.constant 0 : i32
      %dma_start3A_1432 = tpu.memref_slice %arg3[%dma_start3A_1430, %dma_start3A_1431] : memref<1000000x32xf32, #tpu.memory_space<hbm>> -> memref<1000000x32xf32, #tpu.memory_space<hbm>>
      tpu.enqueue_indirect_dma source(%dma_start3A_1432 : memref<1000000x32xf32, #tpu.memory_space<hbm>>) target(%dma_start3A_1426 : memref<50x32xf32, #tpu.memory_space<vmem>>) offsets(%dma_start3A_1429 : memref<50xi32, #tpu.memory_space<vmem>>) semaphore(%arg10 : memref<!tpu.dma_semaphore, #tpu.memory_space<semaphore_mem>>)
      %dma_start3A_1433 = arith.constant 11 : i32
      %dma_start3A_1434 = arith.constant 11 : i32
      %dma_start3A_1435 = arith.constant 0 : i32
      %dma_start3A_1436 = arith.constant 0 : i32
      %dma_start3A_1437 = tpu.memref_slice %arg8[%dma_start3A_1434, %dma_start3A_1435, %dma_start3A_1436] : memref<32x50x32xf32, #tpu.memory_space<vmem>> -> memref<1x50x32xf32, #tpu.memory_space<vmem>>
      %dma_start3A_1438 = tpu.memref_squeeze %dma_start3A_1437 : memref<1x50x32xf32, #tpu.memory_space<vmem>> -> memref<50x32xf32, #tpu.memory_space<vmem>>
      %dma_start3A_1439 = arith.constant 0 : i32
      %dma_start3A_1440 = tpu.memref_slice %arg6[%dma_start3A_1433, %dma_start3A_1439] : memref<32x50xi32, #tpu.memory_space<vmem>> -> memref<1x50xi32, #tpu.memory_space<vmem>>
      %dma_start3A_1441 = tpu.memref_squeeze %dma_start3A_1440 : memref<1x50xi32, #tpu.memory_space<vmem>> -> memref<50xi32, #tpu.memory_space<vmem>>
      %dma_start3A_1442 = arith.constant 0 : i32
      %dma_start3A_1443 = arith.constant 0 : i32
      %dma_start3A_1444 = tpu.memref_slice %arg3[%dma_start3A_1442, %dma_start3A_1443] : memref<1000000x32xf32, #tpu.memory_space<hbm>> -> memref<1000000x32xf32, #tpu.memory_space<hbm>>
      tpu.enqueue_indirect_dma source(%dma_start3A_1444 : memref<1000000x32xf32, #tpu.memory_space<hbm>>) target(%dma_start3A_1438 : memref<50x32xf32, #tpu.memory_space<vmem>>) offsets(%dma_start3A_1441 : memref<50xi32, #tpu.memory_space<vmem>>) semaphore(%arg10 : memref<!tpu.dma_semaphore, #tpu.memory_space<semaphore_mem>>)
      %dma_start3A_1445 = arith.constant 12 : i32
      %dma_start3A_1446 = arith.constant 12 : i32
      %dma_start3A_1447 = arith.constant 0 : i32
      %dma_start3A_1448 = arith.constant 0 : i32
      %dma_start3A_1449 = tpu.memref_slice %arg8[%dma_start3A_1446, %dma_start3A_1447, %dma_start3A_1448] : memref<32x50x32xf32, #tpu.memory_space<vmem>> -> memref<1x50x32xf32, #tpu.memory_space<vmem>>
      %dma_start3A_1450 = tpu.memref_squeeze %dma_start3A_1449 : memref<1x50x32xf32, #tpu.memory_space<vmem>> -> memref<50x32xf32, #tpu.memory_space<vmem>>
      %dma_start3A_1451 = arith.constant 0 : i32
      %dma_start3A_1452 = tpu.memref_slice %arg6[%dma_start3A_1445, %dma_start3A_1451] : memref<32x50xi32, #tpu.memory_space<vmem>> -> memref<1x50xi32, #tpu.memory_space<vmem>>
      %dma_start3A_1453 = tpu.memref_squeeze %dma_start3A_1452 : memref<1x50xi32, #tpu.memory_space<vmem>> -> memref<50xi32, #tpu.memory_space<vmem>>
      %dma_start3A_1454 = arith.constant 0 : i32
      %dma_start3A_1455 = arith.constant 0 : i32
      %dma_start3A_1456 = tpu.memref_slice %arg3[%dma_start3A_1454, %dma_start3A_1455] : memref<1000000x32xf32, #tpu.memory_space<hbm>> -> memref<1000000x32xf32, #tpu.memory_space<hbm>>
      tpu.enqueue_indirect_dma source(%dma_start3A_1456 : memref<1000000x32xf32, #tpu.memory_space<hbm>>) target(%dma_start3A_1450 : memref<50x32xf32, #tpu.memory_space<vmem>>) offsets(%dma_start3A_1453 : memref<50xi32, #tpu.memory_space<vmem>>) semaphore(%arg10 : memref<!tpu.dma_semaphore, #tpu.memory_space<semaphore_mem>>)
      %dma_start3A_1457 = arith.constant 13 : i32
      %dma_start3A_1458 = arith.constant 13 : i32
      %dma_start3A_1459 = arith.constant 0 : i32
      %dma_start3A_1460 = arith.constant 0 : i32
      %dma_start3A_1461 = tpu.memref_slice %arg8[%dma_start3A_1458, %dma_start3A_1459, %dma_start3A_1460] : memref<32x50x32xf32, #tpu.memory_space<vmem>> -> memref<1x50x32xf32, #tpu.memory_space<vmem>>
      %dma_start3A_1462 = tpu.memref_squeeze %dma_start3A_1461 : memref<1x50x32xf32, #tpu.memory_space<vmem>> -> memref<50x32xf32, #tpu.memory_space<vmem>>
      %dma_start3A_1463 = arith.constant 0 : i32
      %dma_start3A_1464 = tpu.memref_slice %arg6[%dma_start3A_1457, %dma_start3A_1463] : memref<32x50xi32, #tpu.memory_space<vmem>> -> memref<1x50xi32, #tpu.memory_space<vmem>>
      %dma_start3A_1465 = tpu.memref_squeeze %dma_start3A_1464 : memref<1x50xi32, #tpu.memory_space<vmem>> -> memref<50xi32, #tpu.memory_space<vmem>>
      %dma_start3A_1466 = arith.constant 0 : i32
      %dma_start3A_1467 = arith.constant 0 : i32
      %dma_start3A_1468 = tpu.memref_slice %arg3[%dma_start3A_1466, %dma_start3A_1467] : memref<1000000x32xf32, #tpu.memory_space<hbm>> -> memref<1000000x32xf32, #tpu.memory_space<hbm>>
      tpu.enqueue_indirect_dma source(%dma_start3A_1468 : memref<1000000x32xf32, #tpu.memory_space<hbm>>) target(%dma_start3A_1462 : memref<50x32xf32, #tpu.memory_space<vmem>>) offsets(%dma_start3A_1465 : memref<50xi32, #tpu.memory_space<vmem>>) semaphore(%arg10 : memref<!tpu.dma_semaphore, #tpu.memory_space<semaphore_mem>>)
      %dma_start3A_1469 = arith.constant 14 : i32
      %dma_start3A_1470 = arith.constant 14 : i32
      %dma_start3A_1471 = arith.constant 0 : i32
      %dma_start3A_1472 = arith.constant 0 : i32
      %dma_start3A_1473 = tpu.memref_slice %arg8[%dma_start3A_1470, %dma_start3A_1471, %dma_start3A_1472] : memref<32x50x32xf32, #tpu.memory_space<vmem>> -> memref<1x50x32xf32, #tpu.memory_space<vmem>>
      %dma_start3A_1474 = tpu.memref_squeeze %dma_start3A_1473 : memref<1x50x32xf32, #tpu.memory_space<vmem>> -> memref<50x32xf32, #tpu.memory_space<vmem>>
      %dma_start3A_1475 = arith.constant 0 : i32
      %dma_start3A_1476 = tpu.memref_slice %arg6[%dma_start3A_1469, %dma_start3A_1475] : memref<32x50xi32, #tpu.memory_space<vmem>> -> memref<1x50xi32, #tpu.memory_space<vmem>>
      %dma_start3A_1477 = tpu.memref_squeeze %dma_start3A_1476 : memref<1x50xi32, #tpu.memory_space<vmem>> -> memref<50xi32, #tpu.memory_space<vmem>>
      %dma_start3A_1478 = arith.constant 0 : i32
      %dma_start3A_1479 = arith.constant 0 : i32
      %dma_start3A_1480 = tpu.memref_slice %arg3[%dma_start3A_1478, %dma_start3A_1479] : memref<1000000x32xf32, #tpu.memory_space<hbm>> -> memref<1000000x32xf32, #tpu.memory_space<hbm>>
      tpu.enqueue_indirect_dma source(%dma_start3A_1480 : memref<1000000x32xf32, #tpu.memory_space<hbm>>) target(%dma_start3A_1474 : memref<50x32xf32, #tpu.memory_space<vmem>>) offsets(%dma_start3A_1477 : memref<50xi32, #tpu.memory_space<vmem>>) semaphore(%arg10 : memref<!tpu.dma_semaphore, #tpu.memory_space<semaphore_mem>>)
      %dma_start3A_1481 = arith.constant 15 : i32
      %dma_start3A_1482 = arith.constant 15 : i32
      %dma_start3A_1483 = arith.constant 0 : i32
      %dma_start3A_1484 = arith.constant 0 : i32
      %dma_start3A_1485 = tpu.memref_slice %arg8[%dma_start3A_1482, %dma_start3A_1483, %dma_start3A_1484] : memref<32x50x32xf32, #tpu.memory_space<vmem>> -> memref<1x50x32xf32, #tpu.memory_space<vmem>>
      %dma_start3A_1486 = tpu.memref_squeeze %dma_start3A_1485 : memref<1x50x32xf32, #tpu.memory_space<vmem>> -> memref<50x32xf32, #tpu.memory_space<vmem>>
      %dma_start3A_1487 = arith.constant 0 : i32
      %dma_start3A_1488 = tpu.memref_slice %arg6[%dma_start3A_1481, %dma_start3A_1487] : memref<32x50xi32, #tpu.memory_space<vmem>> -> memref<1x50xi32, #tpu.memory_space<vmem>>
      %dma_start3A_1489 = tpu.memref_squeeze %dma_start3A_1488 : memref<1x50xi32, #tpu.memory_space<vmem>> -> memref<50xi32, #tpu.memory_space<vmem>>
      %dma_start3A_1490 = arith.constant 0 : i32
      %dma_start3A_1491 = arith.constant 0 : i32
      %dma_start3A_1492 = tpu.memref_slice %arg3[%dma_start3A_1490, %dma_start3A_1491] : memref<1000000x32xf32, #tpu.memory_space<hbm>> -> memref<1000000x32xf32, #tpu.memory_space<hbm>>
      tpu.enqueue_indirect_dma source(%dma_start3A_1492 : memref<1000000x32xf32, #tpu.memory_space<hbm>>) target(%dma_start3A_1486 : memref<50x32xf32, #tpu.memory_space<vmem>>) offsets(%dma_start3A_1489 : memref<50xi32, #tpu.memory_space<vmem>>) semaphore(%arg10 : memref<!tpu.dma_semaphore, #tpu.memory_space<semaphore_mem>>)
      %dma_start3A_1493 = arith.constant 16 : i32
      %dma_start3A_1494 = arith.constant 16 : i32
      %dma_start3A_1495 = arith.constant 0 : i32
      %dma_start3A_1496 = arith.constant 0 : i32
      %dma_start3A_1497 = tpu.memref_slice %arg8[%dma_start3A_1494, %dma_start3A_1495, %dma_start3A_1496] : memref<32x50x32xf32, #tpu.memory_space<vmem>> -> memref<1x50x32xf32, #tpu.memory_space<vmem>>
      %dma_start3A_1498 = tpu.memref_squeeze %dma_start3A_1497 : memref<1x50x32xf32, #tpu.memory_space<vmem>> -> memref<50x32xf32, #tpu.memory_space<vmem>>
      %dma_start3A_1499 = arith.constant 0 : i32
      %dma_start3A_1500 = tpu.memref_slice %arg6[%dma_start3A_1493, %dma_start3A_1499] : memref<32x50xi32, #tpu.memory_space<vmem>> -> memref<1x50xi32, #tpu.memory_space<vmem>>
      %dma_start3A_1501 = tpu.memref_squeeze %dma_start3A_1500 : memref<1x50xi32, #tpu.memory_space<vmem>> -> memref<50xi32, #tpu.memory_space<vmem>>
      %dma_start3A_1502 = arith.constant 0 : i32
      %dma_start3A_1503 = arith.constant 0 : i32
      %dma_start3A_1504 = tpu.memref_slice %arg3[%dma_start3A_1502, %dma_start3A_1503] : memref<1000000x32xf32, #tpu.memory_space<hbm>> -> memref<1000000x32xf32, #tpu.memory_space<hbm>>
      tpu.enqueue_indirect_dma source(%dma_start3A_1504 : memref<1000000x32xf32, #tpu.memory_space<hbm>>) target(%dma_start3A_1498 : memref<50x32xf32, #tpu.memory_space<vmem>>) offsets(%dma_start3A_1501 : memref<50xi32, #tpu.memory_space<vmem>>) semaphore(%arg10 : memref<!tpu.dma_semaphore, #tpu.memory_space<semaphore_mem>>)
      %dma_start3A_1505 = arith.constant 17 : i32
      %dma_start3A_1506 = arith.constant 17 : i32
      %dma_start3A_1507 = arith.constant 0 : i32
      %dma_start3A_1508 = arith.constant 0 : i32
      %dma_start3A_1509 = tpu.memref_slice %arg8[%dma_start3A_1506, %dma_start3A_1507, %dma_start3A_1508] : memref<32x50x32xf32, #tpu.memory_space<vmem>> -> memref<1x50x32xf32, #tpu.memory_space<vmem>>
      %dma_start3A_1510 = tpu.memref_squeeze %dma_start3A_1509 : memref<1x50x32xf32, #tpu.memory_space<vmem>> -> memref<50x32xf32, #tpu.memory_space<vmem>>
      %dma_start3A_1511 = arith.constant 0 : i32
      %dma_start3A_1512 = tpu.memref_slice %arg6[%dma_start3A_1505, %dma_start3A_1511] : memref<32x50xi32, #tpu.memory_space<vmem>> -> memref<1x50xi32, #tpu.memory_space<vmem>>
      %dma_start3A_1513 = tpu.memref_squeeze %dma_start3A_1512 : memref<1x50xi32, #tpu.memory_space<vmem>> -> memref<50xi32, #tpu.memory_space<vmem>>
      %dma_start3A_1514 = arith.constant 0 : i32
      %dma_start3A_1515 = arith.constant 0 : i32
      %dma_start3A_1516 = tpu.memref_slice %arg3[%dma_start3A_1514, %dma_start3A_1515] : memref<1000000x32xf32, #tpu.memory_space<hbm>> -> memref<1000000x32xf32, #tpu.memory_space<hbm>>
      tpu.enqueue_indirect_dma source(%dma_start3A_1516 : memref<1000000x32xf32, #tpu.memory_space<hbm>>) target(%dma_start3A_1510 : memref<50x32xf32, #tpu.memory_space<vmem>>) offsets(%dma_start3A_1513 : memref<50xi32, #tpu.memory_space<vmem>>) semaphore(%arg10 : memref<!tpu.dma_semaphore, #tpu.memory_space<semaphore_mem>>)
      %dma_start3A_1517 = arith.constant 18 : i32
      %dma_start3A_1518 = arith.constant 18 : i32
      %dma_start3A_1519 = arith.constant 0 : i32
      %dma_start3A_1520 = arith.constant 0 : i32
      %dma_start3A_1521 = tpu.memref_slice %arg8[%dma_start3A_1518, %dma_start3A_1519, %dma_start3A_1520] : memref<32x50x32xf32, #tpu.memory_space<vmem>> -> memref<1x50x32xf32, #tpu.memory_space<vmem>>
      %dma_start3A_1522 = tpu.memref_squeeze %dma_start3A_1521 : memref<1x50x32xf32, #tpu.memory_space<vmem>> -> memref<50x32xf32, #tpu.memory_space<vmem>>
      %dma_start3A_1523 = arith.constant 0 : i32
      %dma_start3A_1524 = tpu.memref_slice %arg6[%dma_start3A_1517, %dma_start3A_1523] : memref<32x50xi32, #tpu.memory_space<vmem>> -> memref<1x50xi32, #tpu.memory_space<vmem>>
      %dma_start3A_1525 = tpu.memref_squeeze %dma_start3A_1524 : memref<1x50xi32, #tpu.memory_space<vmem>> -> memref<50xi32, #tpu.memory_space<vmem>>
      %dma_start3A_1526 = arith.constant 0 : i32
      %dma_start3A_1527 = arith.constant 0 : i32
      %dma_start3A_1528 = tpu.memref_slice %arg3[%dma_start3A_1526, %dma_start3A_1527] : memref<1000000x32xf32, #tpu.memory_space<hbm>> -> memref<1000000x32xf32, #tpu.memory_space<hbm>>
      tpu.enqueue_indirect_dma source(%dma_start3A_1528 : memref<1000000x32xf32, #tpu.memory_space<hbm>>) target(%dma_start3A_1522 : memref<50x32xf32, #tpu.memory_space<vmem>>) offsets(%dma_start3A_1525 : memref<50xi32, #tpu.memory_space<vmem>>) semaphore(%arg10 : memref<!tpu.dma_semaphore, #tpu.memory_space<semaphore_mem>>)
      %dma_start3A_1529 = arith.constant 19 : i32
      %dma_start3A_1530 = arith.constant 19 : i32
      %dma_start3A_1531 = arith.constant 0 : i32
      %dma_start3A_1532 = arith.constant 0 : i32
      %dma_start3A_1533 = tpu.memref_slice %arg8[%dma_start3A_1530, %dma_start3A_1531, %dma_start3A_1532] : memref<32x50x32xf32, #tpu.memory_space<vmem>> -> memref<1x50x32xf32, #tpu.memory_space<vmem>>
      %dma_start3A_1534 = tpu.memref_squeeze %dma_start3A_1533 : memref<1x50x32xf32, #tpu.memory_space<vmem>> -> memref<50x32xf32, #tpu.memory_space<vmem>>
      %dma_start3A_1535 = arith.constant 0 : i32
      %dma_start3A_1536 = tpu.memref_slice %arg6[%dma_start3A_1529, %dma_start3A_1535] : memref<32x50xi32, #tpu.memory_space<vmem>> -> memref<1x50xi32, #tpu.memory_space<vmem>>
      %dma_start3A_1537 = tpu.memref_squeeze %dma_start3A_1536 : memref<1x50xi32, #tpu.memory_space<vmem>> -> memref<50xi32, #tpu.memory_space<vmem>>
      %dma_start3A_1538 = arith.constant 0 : i32
      %dma_start3A_1539 = arith.constant 0 : i32
      %dma_start3A_1540 = tpu.memref_slice %arg3[%dma_start3A_1538, %dma_start3A_1539] : memref<1000000x32xf32, #tpu.memory_space<hbm>> -> memref<1000000x32xf32, #tpu.memory_space<hbm>>
      tpu.enqueue_indirect_dma source(%dma_start3A_1540 : memref<1000000x32xf32, #tpu.memory_space<hbm>>) target(%dma_start3A_1534 : memref<50x32xf32, #tpu.memory_space<vmem>>) offsets(%dma_start3A_1537 : memref<50xi32, #tpu.memory_space<vmem>>) semaphore(%arg10 : memref<!tpu.dma_semaphore, #tpu.memory_space<semaphore_mem>>)
      %dma_start3A_1541 = arith.constant 20 : i32
      %dma_start3A_1542 = arith.constant 20 : i32
      %dma_start3A_1543 = arith.constant 0 : i32
      %dma_start3A_1544 = arith.constant 0 : i32
      %dma_start3A_1545 = tpu.memref_slice %arg8[%dma_start3A_1542, %dma_start3A_1543, %dma_start3A_1544] : memref<32x50x32xf32, #tpu.memory_space<vmem>> -> memref<1x50x32xf32, #tpu.memory_space<vmem>>
      %dma_start3A_1546 = tpu.memref_squeeze %dma_start3A_1545 : memref<1x50x32xf32, #tpu.memory_space<vmem>> -> memref<50x32xf32, #tpu.memory_space<vmem>>
      %dma_start3A_1547 = arith.constant 0 : i32
      %dma_start3A_1548 = tpu.memref_slice %arg6[%dma_start3A_1541, %dma_start3A_1547] : memref<32x50xi32, #tpu.memory_space<vmem>> -> memref<1x50xi32, #tpu.memory_space<vmem>>
      %dma_start3A_1549 = tpu.memref_squeeze %dma_start3A_1548 : memref<1x50xi32, #tpu.memory_space<vmem>> -> memref<50xi32, #tpu.memory_space<vmem>>
      %dma_start3A_1550 = arith.constant 0 : i32
      %dma_start3A_1551 = arith.constant 0 : i32
      %dma_start3A_1552 = tpu.memref_slice %arg3[%dma_start3A_1550, %dma_start3A_1551] : memref<1000000x32xf32, #tpu.memory_space<hbm>> -> memref<1000000x32xf32, #tpu.memory_space<hbm>>
      tpu.enqueue_indirect_dma source(%dma_start3A_1552 : memref<1000000x32xf32, #tpu.memory_space<hbm>>) target(%dma_start3A_1546 : memref<50x32xf32, #tpu.memory_space<vmem>>) offsets(%dma_start3A_1549 : memref<50xi32, #tpu.memory_space<vmem>>) semaphore(%arg10 : memref<!tpu.dma_semaphore, #tpu.memory_space<semaphore_mem>>)
      %dma_start3A_1553 = arith.constant 21 : i32
      %dma_start3A_1554 = arith.constant 21 : i32
      %dma_start3A_1555 = arith.constant 0 : i32
      %dma_start3A_1556 = arith.constant 0 : i32
      %dma_start3A_1557 = tpu.memref_slice %arg8[%dma_start3A_1554, %dma_start3A_1555, %dma_start3A_1556] : memref<32x50x32xf32, #tpu.memory_space<vmem>> -> memref<1x50x32xf32, #tpu.memory_space<vmem>>
      %dma_start3A_1558 = tpu.memref_squeeze %dma_start3A_1557 : memref<1x50x32xf32, #tpu.memory_space<vmem>> -> memref<50x32xf32, #tpu.memory_space<vmem>>
      %dma_start3A_1559 = arith.constant 0 : i32
      %dma_start3A_1560 = tpu.memref_slice %arg6[%dma_start3A_1553, %dma_start3A_1559] : memref<32x50xi32, #tpu.memory_space<vmem>> -> memref<1x50xi32, #tpu.memory_space<vmem>>
      %dma_start3A_1561 = tpu.memref_squeeze %dma_start3A_1560 : memref<1x50xi32, #tpu.memory_space<vmem>> -> memref<50xi32, #tpu.memory_space<vmem>>
      %dma_start3A_1562 = arith.constant 0 : i32
      %dma_start3A_1563 = arith.constant 0 : i32
      %dma_start3A_1564 = tpu.memref_slice %arg3[%dma_start3A_1562, %dma_start3A_1563] : memref<1000000x32xf32, #tpu.memory_space<hbm>> -> memref<1000000x32xf32, #tpu.memory_space<hbm>>
      tpu.enqueue_indirect_dma source(%dma_start3A_1564 : memref<1000000x32xf32, #tpu.memory_space<hbm>>) target(%dma_start3A_1558 : memref<50x32xf32, #tpu.memory_space<vmem>>) offsets(%dma_start3A_1561 : memref<50xi32, #tpu.memory_space<vmem>>) semaphore(%arg10 : memref<!tpu.dma_semaphore, #tpu.memory_space<semaphore_mem>>)
      %dma_start3A_1565 = arith.constant 22 : i32
      %dma_start3A_1566 = arith.constant 22 : i32
      %dma_start3A_1567 = arith.constant 0 : i32
      %dma_start3A_1568 = arith.constant 0 : i32
      %dma_start3A_1569 = tpu.memref_slice %arg8[%dma_start3A_1566, %dma_start3A_1567, %dma_start3A_1568] : memref<32x50x32xf32, #tpu.memory_space<vmem>> -> memref<1x50x32xf32, #tpu.memory_space<vmem>>
      %dma_start3A_1570 = tpu.memref_squeeze %dma_start3A_1569 : memref<1x50x32xf32, #tpu.memory_space<vmem>> -> memref<50x32xf32, #tpu.memory_space<vmem>>
      %dma_start3A_1571 = arith.constant 0 : i32
      %dma_start3A_1572 = tpu.memref_slice %arg6[%dma_start3A_1565, %dma_start3A_1571] : memref<32x50xi32, #tpu.memory_space<vmem>> -> memref<1x50xi32, #tpu.memory_space<vmem>>
      %dma_start3A_1573 = tpu.memref_squeeze %dma_start3A_1572 : memref<1x50xi32, #tpu.memory_space<vmem>> -> memref<50xi32, #tpu.memory_space<vmem>>
      %dma_start3A_1574 = arith.constant 0 : i32
      %dma_start3A_1575 = arith.constant 0 : i32
      %dma_start3A_1576 = tpu.memref_slice %arg3[%dma_start3A_1574, %dma_start3A_1575] : memref<1000000x32xf32, #tpu.memory_space<hbm>> -> memref<1000000x32xf32, #tpu.memory_space<hbm>>
      tpu.enqueue_indirect_dma source(%dma_start3A_1576 : memref<1000000x32xf32, #tpu.memory_space<hbm>>) target(%dma_start3A_1570 : memref<50x32xf32, #tpu.memory_space<vmem>>) offsets(%dma_start3A_1573 : memref<50xi32, #tpu.memory_space<vmem>>) semaphore(%arg10 : memref<!tpu.dma_semaphore, #tpu.memory_space<semaphore_mem>>)
      %dma_start3A_1577 = arith.constant 23 : i32
      %dma_start3A_1578 = arith.constant 23 : i32
      %dma_start3A_1579 = arith.constant 0 : i32
      %dma_start3A_1580 = arith.constant 0 : i32
      %dma_start3A_1581 = tpu.memref_slice %arg8[%dma_start3A_1578, %dma_start3A_1579, %dma_start3A_1580] : memref<32x50x32xf32, #tpu.memory_space<vmem>> -> memref<1x50x32xf32, #tpu.memory_space<vmem>>
      %dma_start3A_1582 = tpu.memref_squeeze %dma_start3A_1581 : memref<1x50x32xf32, #tpu.memory_space<vmem>> -> memref<50x32xf32, #tpu.memory_space<vmem>>
      %dma_start3A_1583 = arith.constant 0 : i32
      %dma_start3A_1584 = tpu.memref_slice %arg6[%dma_start3A_1577, %dma_start3A_1583] : memref<32x50xi32, #tpu.memory_space<vmem>> -> memref<1x50xi32, #tpu.memory_space<vmem>>
      %dma_start3A_1585 = tpu.memref_squeeze %dma_start3A_1584 : memref<1x50xi32, #tpu.memory_space<vmem>> -> memref<50xi32, #tpu.memory_space<vmem>>
      %dma_start3A_1586 = arith.constant 0 : i32
      %dma_start3A_1587 = arith.constant 0 : i32
      %dma_start3A_1588 = tpu.memref_slice %arg3[%dma_start3A_1586, %dma_start3A_1587] : memref<1000000x32xf32, #tpu.memory_space<hbm>> -> memref<1000000x32xf32, #tpu.memory_space<hbm>>
      tpu.enqueue_indirect_dma source(%dma_start3A_1588 : memref<1000000x32xf32, #tpu.memory_space<hbm>>) target(%dma_start3A_1582 : memref<50x32xf32, #tpu.memory_space<vmem>>) offsets(%dma_start3A_1585 : memref<50xi32, #tpu.memory_space<vmem>>) semaphore(%arg10 : memref<!tpu.dma_semaphore, #tpu.memory_space<semaphore_mem>>)
      %dma_start3A_1589 = arith.constant 24 : i32
      %dma_start3A_1590 = arith.constant 24 : i32
      %dma_start3A_1591 = arith.constant 0 : i32
      %dma_start3A_1592 = arith.constant 0 : i32
      %dma_start3A_1593 = tpu.memref_slice %arg8[%dma_start3A_1590, %dma_start3A_1591, %dma_start3A_1592] : memref<32x50x32xf32, #tpu.memory_space<vmem>> -> memref<1x50x32xf32, #tpu.memory_space<vmem>>
      %dma_start3A_1594 = tpu.memref_squeeze %dma_start3A_1593 : memref<1x50x32xf32, #tpu.memory_space<vmem>> -> memref<50x32xf32, #tpu.memory_space<vmem>>
      %dma_start3A_1595 = arith.constant 0 : i32
      %dma_start3A_1596 = tpu.memref_slice %arg6[%dma_start3A_1589, %dma_start3A_1595] : memref<32x50xi32, #tpu.memory_space<vmem>> -> memref<1x50xi32, #tpu.memory_space<vmem>>
      %dma_start3A_1597 = tpu.memref_squeeze %dma_start3A_1596 : memref<1x50xi32, #tpu.memory_space<vmem>> -> memref<50xi32, #tpu.memory_space<vmem>>
      %dma_start3A_1598 = arith.constant 0 : i32
      %dma_start3A_1599 = arith.constant 0 : i32
      %dma_start3A_1600 = tpu.memref_slice %arg3[%dma_start3A_1598, %dma_start3A_1599] : memref<1000000x32xf32, #tpu.memory_space<hbm>> -> memref<1000000x32xf32, #tpu.memory_space<hbm>>
      tpu.enqueue_indirect_dma source(%dma_start3A_1600 : memref<1000000x32xf32, #tpu.memory_space<hbm>>) target(%dma_start3A_1594 : memref<50x32xf32, #tpu.memory_space<vmem>>) offsets(%dma_start3A_1597 : memref<50xi32, #tpu.memory_space<vmem>>) semaphore(%arg10 : memref<!tpu.dma_semaphore, #tpu.memory_space<semaphore_mem>>)
      %dma_start3A_1601 = arith.constant 25 : i32
      %dma_start3A_1602 = arith.constant 25 : i32
      %dma_start3A_1603 = arith.constant 0 : i32
      %dma_start3A_1604 = arith.constant 0 : i32
      %dma_start3A_1605 = tpu.memref_slice %arg8[%dma_start3A_1602, %dma_start3A_1603, %dma_start3A_1604] : memref<32x50x32xf32, #tpu.memory_space<vmem>> -> memref<1x50x32xf32, #tpu.memory_space<vmem>>
      %dma_start3A_1606 = tpu.memref_squeeze %dma_start3A_1605 : memref<1x50x32xf32, #tpu.memory_space<vmem>> -> memref<50x32xf32, #tpu.memory_space<vmem>>
      %dma_start3A_1607 = arith.constant 0 : i32
      %dma_start3A_1608 = tpu.memref_slice %arg6[%dma_start3A_1601, %dma_start3A_1607] : memref<32x50xi32, #tpu.memory_space<vmem>> -> memref<1x50xi32, #tpu.memory_space<vmem>>
      %dma_start3A_1609 = tpu.memref_squeeze %dma_start3A_1608 : memref<1x50xi32, #tpu.memory_space<vmem>> -> memref<50xi32, #tpu.memory_space<vmem>>
      %dma_start3A_1610 = arith.constant 0 : i32
      %dma_start3A_1611 = arith.constant 0 : i32
      %dma_start3A_1612 = tpu.memref_slice %arg3[%dma_start3A_1610, %dma_start3A_1611] : memref<1000000x32xf32, #tpu.memory_space<hbm>> -> memref<1000000x32xf32, #tpu.memory_space<hbm>>
      tpu.enqueue_indirect_dma source(%dma_start3A_1612 : memref<1000000x32xf32, #tpu.memory_space<hbm>>) target(%dma_start3A_1606 : memref<50x32xf32, #tpu.memory_space<vmem>>) offsets(%dma_start3A_1609 : memref<50xi32, #tpu.memory_space<vmem>>) semaphore(%arg10 : memref<!tpu.dma_semaphore, #tpu.memory_space<semaphore_mem>>)
      %dma_start3A_1613 = arith.constant 26 : i32
      %dma_start3A_1614 = arith.constant 26 : i32
      %dma_start3A_1615 = arith.constant 0 : i32
      %dma_start3A_1616 = arith.constant 0 : i32
      %dma_start3A_1617 = tpu.memref_slice %arg8[%dma_start3A_1614, %dma_start3A_1615, %dma_start3A_1616] : memref<32x50x32xf32, #tpu.memory_space<vmem>> -> memref<1x50x32xf32, #tpu.memory_space<vmem>>
      %dma_start3A_1618 = tpu.memref_squeeze %dma_start3A_1617 : memref<1x50x32xf32, #tpu.memory_space<vmem>> -> memref<50x32xf32, #tpu.memory_space<vmem>>
      %dma_start3A_1619 = arith.constant 0 : i32
      %dma_start3A_1620 = tpu.memref_slice %arg6[%dma_start3A_1613, %dma_start3A_1619] : memref<32x50xi32, #tpu.memory_space<vmem>> -> memref<1x50xi32, #tpu.memory_space<vmem>>
      %dma_start3A_1621 = tpu.memref_squeeze %dma_start3A_1620 : memref<1x50xi32, #tpu.memory_space<vmem>> -> memref<50xi32, #tpu.memory_space<vmem>>
      %dma_start3A_1622 = arith.constant 0 : i32
      %dma_start3A_1623 = arith.constant 0 : i32
      %dma_start3A_1624 = tpu.memref_slice %arg3[%dma_start3A_1622, %dma_start3A_1623] : memref<1000000x32xf32, #tpu.memory_space<hbm>> -> memref<1000000x32xf32, #tpu.memory_space<hbm>>
      tpu.enqueue_indirect_dma source(%dma_start3A_1624 : memref<1000000x32xf32, #tpu.memory_space<hbm>>) target(%dma_start3A_1618 : memref<50x32xf32, #tpu.memory_space<vmem>>) offsets(%dma_start3A_1621 : memref<50xi32, #tpu.memory_space<vmem>>) semaphore(%arg10 : memref<!tpu.dma_semaphore, #tpu.memory_space<semaphore_mem>>)
      %dma_start3A_1625 = arith.constant 27 : i32
      %dma_start3A_1626 = arith.constant 27 : i32
      %dma_start3A_1627 = arith.constant 0 : i32
      %dma_start3A_1628 = arith.constant 0 : i32
      %dma_start3A_1629 = tpu.memref_slice %arg8[%dma_start3A_1626, %dma_start3A_1627, %dma_start3A_1628] : memref<32x50x32xf32, #tpu.memory_space<vmem>> -> memref<1x50x32xf32, #tpu.memory_space<vmem>>
      %dma_start3A_1630 = tpu.memref_squeeze %dma_start3A_1629 : memref<1x50x32xf32, #tpu.memory_space<vmem>> -> memref<50x32xf32, #tpu.memory_space<vmem>>
      %dma_start3A_1631 = arith.constant 0 : i32
      %dma_start3A_1632 = tpu.memref_slice %arg6[%dma_start3A_1625, %dma_start3A_1631] : memref<32x50xi32, #tpu.memory_space<vmem>> -> memref<1x50xi32, #tpu.memory_space<vmem>>
      %dma_start3A_1633 = tpu.memref_squeeze %dma_start3A_1632 : memref<1x50xi32, #tpu.memory_space<vmem>> -> memref<50xi32, #tpu.memory_space<vmem>>
      %dma_start3A_1634 = arith.constant 0 : i32
      %dma_start3A_1635 = arith.constant 0 : i32
      %dma_start3A_1636 = tpu.memref_slice %arg3[%dma_start3A_1634, %dma_start3A_1635] : memref<1000000x32xf32, #tpu.memory_space<hbm>> -> memref<1000000x32xf32, #tpu.memory_space<hbm>>
      tpu.enqueue_indirect_dma source(%dma_start3A_1636 : memref<1000000x32xf32, #tpu.memory_space<hbm>>) target(%dma_start3A_1630 : memref<50x32xf32, #tpu.memory_space<vmem>>) offsets(%dma_start3A_1633 : memref<50xi32, #tpu.memory_space<vmem>>) semaphore(%arg10 : memref<!tpu.dma_semaphore, #tpu.memory_space<semaphore_mem>>)
      %dma_start3A_1637 = arith.constant 28 : i32
      %dma_start3A_1638 = arith.constant 28 : i32
      %dma_start3A_1639 = arith.constant 0 : i32
      %dma_start3A_1640 = arith.constant 0 : i32
      %dma_start3A_1641 = tpu.memref_slice %arg8[%dma_start3A_1638, %dma_start3A_1639, %dma_start3A_1640] : memref<32x50x32xf32, #tpu.memory_space<vmem>> -> memref<1x50x32xf32, #tpu.memory_space<vmem>>
      %dma_start3A_1642 = tpu.memref_squeeze %dma_start3A_1641 : memref<1x50x32xf32, #tpu.memory_space<vmem>> -> memref<50x32xf32, #tpu.memory_space<vmem>>
      %dma_start3A_1643 = arith.constant 0 : i32
      %dma_start3A_1644 = tpu.memref_slice %arg6[%dma_start3A_1637, %dma_start3A_1643] : memref<32x50xi32, #tpu.memory_space<vmem>> -> memref<1x50xi32, #tpu.memory_space<vmem>>
      %dma_start3A_1645 = tpu.memref_squeeze %dma_start3A_1644 : memref<1x50xi32, #tpu.memory_space<vmem>> -> memref<50xi32, #tpu.memory_space<vmem>>
      %dma_start3A_1646 = arith.constant 0 : i32
      %dma_start3A_1647 = arith.constant 0 : i32
      %dma_start3A_1648 = tpu.memref_slice %arg3[%dma_start3A_1646, %dma_start3A_1647] : memref<1000000x32xf32, #tpu.memory_space<hbm>> -> memref<1000000x32xf32, #tpu.memory_space<hbm>>
      tpu.enqueue_indirect_dma source(%dma_start3A_1648 : memref<1000000x32xf32, #tpu.memory_space<hbm>>) target(%dma_start3A_1642 : memref<50x32xf32, #tpu.memory_space<vmem>>) offsets(%dma_start3A_1645 : memref<50xi32, #tpu.memory_space<vmem>>) semaphore(%arg10 : memref<!tpu.dma_semaphore, #tpu.memory_space<semaphore_mem>>)
      %dma_start3A_1649 = arith.constant 29 : i32
      %dma_start3A_1650 = arith.constant 29 : i32
      %dma_start3A_1651 = arith.constant 0 : i32
      %dma_start3A_1652 = arith.constant 0 : i32
      %dma_start3A_1653 = tpu.memref_slice %arg8[%dma_start3A_1650, %dma_start3A_1651, %dma_start3A_1652] : memref<32x50x32xf32, #tpu.memory_space<vmem>> -> memref<1x50x32xf32, #tpu.memory_space<vmem>>
      %dma_start3A_1654 = tpu.memref_squeeze %dma_start3A_1653 : memref<1x50x32xf32, #tpu.memory_space<vmem>> -> memref<50x32xf32, #tpu.memory_space<vmem>>
      %dma_start3A_1655 = arith.constant 0 : i32
      %dma_start3A_1656 = tpu.memref_slice %arg6[%dma_start3A_1649, %dma_start3A_1655] : memref<32x50xi32, #tpu.memory_space<vmem>> -> memref<1x50xi32, #tpu.memory_space<vmem>>
      %dma_start3A_1657 = tpu.memref_squeeze %dma_start3A_1656 : memref<1x50xi32, #tpu.memory_space<vmem>> -> memref<50xi32, #tpu.memory_space<vmem>>
      %dma_start3A_1658 = arith.constant 0 : i32
      %dma_start3A_1659 = arith.constant 0 : i32
      %dma_start3A_1660 = tpu.memref_slice %arg3[%dma_start3A_1658, %dma_start3A_1659] : memref<1000000x32xf32, #tpu.memory_space<hbm>> -> memref<1000000x32xf32, #tpu.memory_space<hbm>>
      tpu.enqueue_indirect_dma source(%dma_start3A_1660 : memref<1000000x32xf32, #tpu.memory_space<hbm>>) target(%dma_start3A_1654 : memref<50x32xf32, #tpu.memory_space<vmem>>) offsets(%dma_start3A_1657 : memref<50xi32, #tpu.memory_space<vmem>>) semaphore(%arg10 : memref<!tpu.dma_semaphore, #tpu.memory_space<semaphore_mem>>)
      %dma_start3A_1661 = arith.constant 30 : i32
      %dma_start3A_1662 = arith.constant 30 : i32
      %dma_start3A_1663 = arith.constant 0 : i32
      %dma_start3A_1664 = arith.constant 0 : i32
      %dma_start3A_1665 = tpu.memref_slice %arg8[%dma_start3A_1662, %dma_start3A_1663, %dma_start3A_1664] : memref<32x50x32xf32, #tpu.memory_space<vmem>> -> memref<1x50x32xf32, #tpu.memory_space<vmem>>
      %dma_start3A_1666 = tpu.memref_squeeze %dma_start3A_1665 : memref<1x50x32xf32, #tpu.memory_space<vmem>> -> memref<50x32xf32, #tpu.memory_space<vmem>>
      %dma_start3A_1667 = arith.constant 0 : i32
      %dma_start3A_1668 = tpu.memref_slice %arg6[%dma_start3A_1661, %dma_start3A_1667] : memref<32x50xi32, #tpu.memory_space<vmem>> -> memref<1x50xi32, #tpu.memory_space<vmem>>
      %dma_start3A_1669 = tpu.memref_squeeze %dma_start3A_1668 : memref<1x50xi32, #tpu.memory_space<vmem>> -> memref<50xi32, #tpu.memory_space<vmem>>
      %dma_start3A_1670 = arith.constant 0 : i32
      %dma_start3A_1671 = arith.constant 0 : i32
      %dma_start3A_1672 = tpu.memref_slice %arg3[%dma_start3A_1670, %dma_start3A_1671] : memref<1000000x32xf32, #tpu.memory_space<hbm>> -> memref<1000000x32xf32, #tpu.memory_space<hbm>>
      tpu.enqueue_indirect_dma source(%dma_start3A_1672 : memref<1000000x32xf32, #tpu.memory_space<hbm>>) target(%dma_start3A_1666 : memref<50x32xf32, #tpu.memory_space<vmem>>) offsets(%dma_start3A_1669 : memref<50xi32, #tpu.memory_space<vmem>>) semaphore(%arg10 : memref<!tpu.dma_semaphore, #tpu.memory_space<semaphore_mem>>)
      %dma_start3A_1673 = arith.constant 31 : i32
      %dma_start3A_1674 = arith.constant 31 : i32
      %dma_start3A_1675 = arith.constant 0 : i32
      %dma_start3A_1676 = arith.constant 0 : i32
      %dma_start3A_1677 = tpu.memref_slice %arg8[%dma_start3A_1674, %dma_start3A_1675, %dma_start3A_1676] : memref<32x50x32xf32, #tpu.memory_space<vmem>> -> memref<1x50x32xf32, #tpu.memory_space<vmem>>
      %dma_start3A_1678 = tpu.memref_squeeze %dma_start3A_1677 : memref<1x50x32xf32, #tpu.memory_space<vmem>> -> memref<50x32xf32, #tpu.memory_space<vmem>>
      %dma_start3A_1679 = arith.constant 0 : i32
      %dma_start3A_1680 = tpu.memref_slice %arg6[%dma_start3A_1673, %dma_start3A_1679] : memref<32x50xi32, #tpu.memory_space<vmem>> -> memref<1x50xi32, #tpu.memory_space<vmem>>
      %dma_start3A_1681 = tpu.memref_squeeze %dma_start3A_1680 : memref<1x50xi32, #tpu.memory_space<vmem>> -> memref<50xi32, #tpu.memory_space<vmem>>
      %dma_start3A_1682 = arith.constant 0 : i32
      %dma_start3A_1683 = arith.constant 0 : i32
      %dma_start3A_1684 = tpu.memref_slice %arg3[%dma_start3A_1682, %dma_start3A_1683] : memref<1000000x32xf32, #tpu.memory_space<hbm>> -> memref<1000000x32xf32, #tpu.memory_space<hbm>>
      tpu.enqueue_indirect_dma source(%dma_start3A_1684 : memref<1000000x32xf32, #tpu.memory_space<hbm>>) target(%dma_start3A_1678 : memref<50x32xf32, #tpu.memory_space<vmem>>) offsets(%dma_start3A_1681 : memref<50xi32, #tpu.memory_space<vmem>>) semaphore(%arg10 : memref<!tpu.dma_semaphore, #tpu.memory_space<semaphore_mem>>)
    }
    %scan3A_778 = arith.constant 7 : i32
    %add3A_779 = arith.constant 448 : i32
    %add3A_780 = arith.addi %mul3A_2, %add3A_779 : i32
    %dma_wait3A = arith.constant 0 : i32
    %dma_wait3A_781 = arith.constant 0 : i32
    %dma_wait3A_782 = arith.constant 0 : i32
    %dma_wait3A_783 = arith.constant 0 : i32
    %dma_wait3A_784 = tpu.memref_slice %arg4[%dma_wait3A, %dma_wait3A_781, %dma_wait3A_782, %dma_wait3A_783] : memref<1x16384x50x32xf32, #tpu.memory_space<hbm>> -> memref<1x32x50x32xf32, #tpu.memory_space<hbm>>
    %dma_wait3A_785 = tpu.memref_squeeze %dma_wait3A_784 : memref<1x32x50x32xf32, #tpu.memory_space<hbm>> -> memref<32x50x32xf32, #tpu.memory_space<hbm>>
    %dma_wait3A_786 = arith.constant 0 : i32
    %dma_wait3A_787 = arith.constant 0 : i32
    %dma_wait3A_788 = arith.constant 0 : i32
    %dma_wait3A_789 = tpu.memref_slice %arg4[%dma_wait3A, %dma_wait3A_786, %dma_wait3A_787, %dma_wait3A_788] : memref<1x16384x50x32xf32, #tpu.memory_space<hbm>> -> memref<1x32x50x32xf32, #tpu.memory_space<hbm>>
    %dma_wait3A_790 = tpu.memref_squeeze %dma_wait3A_789 : memref<1x32x50x32xf32, #tpu.memory_space<hbm>> -> memref<32x50x32xf32, #tpu.memory_space<hbm>>
    tpu.wait_dma2 semaphore(%arg9 : memref<!tpu.dma_semaphore, #tpu.memory_space<semaphore_mem>>) src(%dma_wait3A_790 : memref<32x50x32xf32, #tpu.memory_space<hbm>>) dst(%arg7 : memref<32x50x32xf32, #tpu.memory_space<vmem>>)
    %dma_start3A_791 = arith.constant 0 : i32
    %dma_start3A_792 = arith.constant 0 : i32
    %dma_start3A_793 = arith.constant 0 : i32
    %dma_start3A_794 = tpu.memref_slice %arg4[%dma_start3A_791, %add3A_780, %dma_start3A_792, %dma_start3A_793] : memref<1x16384x50x32xf32, #tpu.memory_space<hbm>> -> memref<1x32x50x32xf32, #tpu.memory_space<hbm>>
    %dma_start3A_795 = tpu.memref_squeeze %dma_start3A_794 : memref<1x32x50x32xf32, #tpu.memory_space<hbm>> -> memref<32x50x32xf32, #tpu.memory_space<hbm>>
    %dma_start3A_796 = arith.constant 0 : i32
    %dma_start3A_797 = arith.constant 0 : i32
    %dma_start3A_798 = tpu.memref_slice %arg4[%dma_start3A_791, %add3A_780, %dma_start3A_796, %dma_start3A_797] : memref<1x16384x50x32xf32, #tpu.memory_space<hbm>> -> memref<1x32x50x32xf32, #tpu.memory_space<hbm>>
    %dma_start3A_799 = tpu.memref_squeeze %dma_start3A_798 : memref<1x32x50x32xf32, #tpu.memory_space<hbm>> -> memref<32x50x32xf32, #tpu.memory_space<hbm>>
    tpu.enqueue_dma source(%arg7 : memref<32x50x32xf32, #tpu.memory_space<vmem>>) target(%dma_start3A_799 : memref<32x50x32xf32, #tpu.memory_space<hbm>>) target_semaphore(%arg11 : memref<!tpu.dma_semaphore, #tpu.memory_space<semaphore_mem>>)
    %dma_wait3A_800 = arith.constant 0 : i32
    %dma_wait3A_801 = arith.constant 0 : i32
    %dma_wait3A_802 = arith.constant 0 : i32
    %dma_wait3A_803 = tpu.memref_slice %arg4[%dma_wait3A_800, %add3A_780, %dma_wait3A_801, %dma_wait3A_802] : memref<1x16384x50x32xf32, #tpu.memory_space<hbm>> -> memref<1x32x50x32xf32, #tpu.memory_space<hbm>>
    %dma_wait3A_804 = tpu.memref_squeeze %dma_wait3A_803 : memref<1x32x50x32xf32, #tpu.memory_space<hbm>> -> memref<32x50x32xf32, #tpu.memory_space<hbm>>
    %dma_wait3A_805 = arith.constant 0 : i32
    %dma_wait3A_806 = arith.constant 0 : i32
    %dma_wait3A_807 = tpu.memref_slice %arg4[%dma_wait3A_800, %add3A_780, %dma_wait3A_805, %dma_wait3A_806] : memref<1x16384x50x32xf32, #tpu.memory_space<hbm>> -> memref<1x32x50x32xf32, #tpu.memory_space<hbm>>
    %dma_wait3A_808 = tpu.memref_squeeze %dma_wait3A_807 : memref<1x32x50x32xf32, #tpu.memory_space<hbm>> -> memref<32x50x32xf32, #tpu.memory_space<hbm>>
    tpu.wait_dma2 semaphore(%arg11 : memref<!tpu.dma_semaphore, #tpu.memory_space<semaphore_mem>>) src(%arg7 : memref<32x50x32xf32, #tpu.memory_space<vmem>>) dst(%dma_wait3A_808 : memref<32x50x32xf32, #tpu.memory_space<hbm>>)
    %add3A_809 = arith.constant 480 : i32
    %add3A_810 = arith.addi %mul3A_2, %add3A_809 : i32
    %dma_wait3A_811 = arith.constant 0 : i32
    %dma_wait3A_812 = arith.constant 0 : i32
    %dma_wait3A_813 = arith.constant 0 : i32
    %dma_wait3A_814 = arith.constant 0 : i32
    %dma_wait3A_815 = tpu.memref_slice %arg4[%dma_wait3A_811, %dma_wait3A_812, %dma_wait3A_813, %dma_wait3A_814] : memref<1x16384x50x32xf32, #tpu.memory_space<hbm>> -> memref<1x32x50x32xf32, #tpu.memory_space<hbm>>
    %dma_wait3A_816 = tpu.memref_squeeze %dma_wait3A_815 : memref<1x32x50x32xf32, #tpu.memory_space<hbm>> -> memref<32x50x32xf32, #tpu.memory_space<hbm>>
    %dma_wait3A_817 = arith.constant 0 : i32
    %dma_wait3A_818 = arith.constant 0 : i32
    %dma_wait3A_819 = arith.constant 0 : i32
    %dma_wait3A_820 = tpu.memref_slice %arg4[%dma_wait3A_811, %dma_wait3A_817, %dma_wait3A_818, %dma_wait3A_819] : memref<1x16384x50x32xf32, #tpu.memory_space<hbm>> -> memref<1x32x50x32xf32, #tpu.memory_space<hbm>>
    %dma_wait3A_821 = tpu.memref_squeeze %dma_wait3A_820 : memref<1x32x50x32xf32, #tpu.memory_space<hbm>> -> memref<32x50x32xf32, #tpu.memory_space<hbm>>
    tpu.wait_dma2 semaphore(%arg10 : memref<!tpu.dma_semaphore, #tpu.memory_space<semaphore_mem>>) src(%dma_wait3A_821 : memref<32x50x32xf32, #tpu.memory_space<hbm>>) dst(%arg8 : memref<32x50x32xf32, #tpu.memory_space<vmem>>)
    %dma_start3A_822 = arith.constant 0 : i32
    %dma_start3A_823 = arith.constant 0 : i32
    %dma_start3A_824 = arith.constant 0 : i32
    %dma_start3A_825 = tpu.memref_slice %arg4[%dma_start3A_822, %add3A_810, %dma_start3A_823, %dma_start3A_824] : memref<1x16384x50x32xf32, #tpu.memory_space<hbm>> -> memref<1x32x50x32xf32, #tpu.memory_space<hbm>>
    %dma_start3A_826 = tpu.memref_squeeze %dma_start3A_825 : memref<1x32x50x32xf32, #tpu.memory_space<hbm>> -> memref<32x50x32xf32, #tpu.memory_space<hbm>>
    %dma_start3A_827 = arith.constant 0 : i32
    %dma_start3A_828 = arith.constant 0 : i32
    %dma_start3A_829 = tpu.memref_slice %arg4[%dma_start3A_822, %add3A_810, %dma_start3A_827, %dma_start3A_828] : memref<1x16384x50x32xf32, #tpu.memory_space<hbm>> -> memref<1x32x50x32xf32, #tpu.memory_space<hbm>>
    %dma_start3A_830 = tpu.memref_squeeze %dma_start3A_829 : memref<1x32x50x32xf32, #tpu.memory_space<hbm>> -> memref<32x50x32xf32, #tpu.memory_space<hbm>>
    tpu.enqueue_dma source(%arg8 : memref<32x50x32xf32, #tpu.memory_space<vmem>>) target(%dma_start3A_830 : memref<32x50x32xf32, #tpu.memory_space<hbm>>) target_semaphore(%arg12 : memref<!tpu.dma_semaphore, #tpu.memory_space<semaphore_mem>>)
    %dma_wait3A_831 = arith.constant 0 : i32
    %dma_wait3A_832 = arith.constant 0 : i32
    %dma_wait3A_833 = arith.constant 0 : i32
    %dma_wait3A_834 = tpu.memref_slice %arg4[%dma_wait3A_831, %add3A_810, %dma_wait3A_832, %dma_wait3A_833] : memref<1x16384x50x32xf32, #tpu.memory_space<hbm>> -> memref<1x32x50x32xf32, #tpu.memory_space<hbm>>
    %dma_wait3A_835 = tpu.memref_squeeze %dma_wait3A_834 : memref<1x32x50x32xf32, #tpu.memory_space<hbm>> -> memref<32x50x32xf32, #tpu.memory_space<hbm>>
    %dma_wait3A_836 = arith.constant 0 : i32
    %dma_wait3A_837 = arith.constant 0 : i32
    %dma_wait3A_838 = tpu.memref_slice %arg4[%dma_wait3A_831, %add3A_810, %dma_wait3A_836, %dma_wait3A_837] : memref<1x16384x50x32xf32, #tpu.memory_space<hbm>> -> memref<1x32x50x32xf32, #tpu.memory_space<hbm>>
    %dma_wait3A_839 = tpu.memref_squeeze %dma_wait3A_838 : memref<1x32x50x32xf32, #tpu.memory_space<hbm>> -> memref<32x50x32xf32, #tpu.memory_space<hbm>>
    tpu.wait_dma2 semaphore(%arg12 : memref<!tpu.dma_semaphore, #tpu.memory_space<semaphore_mem>>) src(%arg8 : memref<32x50x32xf32, #tpu.memory_space<vmem>>) dst(%dma_wait3A_839 : memref<32x50x32xf32, #tpu.memory_space<hbm>>)
    return
  }
}

</mosaic_0001>

<sc_bundles>
// kernel: kernel.3.cloned.1.call-start
scs
__scs_entry_jumppad:
0x0: {  	(pc) =	sbr.rel $0x88, $3  }
0x1: {  	(tag) =	ssettag $0x0;
	lr =	simm.s32 $0x1  }
0x2: {  	[smem:$0x3F9F] =	sst lr;
	_ =	strace $0xD0000000  }
0x3: {  	_ = 	snop  }
0x4: {  	_ = 	snop  }
0x5: {  	_ = 	snop  }
0x6: {  	_ = 	snop  }
0x7: {  	_ = 	snop  }
__scs_overlays_trampoline_lowered:
0x8: {  	[smem:$0x3FAE] =	sst s0  }
0x9: {  	[smem:$0x3FAF] =	sst s1  }
0xa: {  	[smem:$0x3FB0] =	sst s2  }
0xb: {  	[smem:$0x3FB1] =	sst s3  }
0xc: {  	[smem:$0x3FB2] =	sst s4  }
0xd: {  	[smem:$0x3FB3] =	sst s5  }
0xe: {  	[smem:$0x3FB4] =	sst s6  }
0xf: {  	[smem:$0x3FB5] =	sst s7  }
0x10: {  	[smem:$0x3FB6] =	sst s8  }
0x11: {  	[smem:$0x3FB7] =	sst s9;
	s0 =	simm.s32 @!p0 $0x0  }
0x12: {  	s1 =	sld [smem:$0x3F9D];
	s0 =	simm.s32 @p0 $0x1  }
0x13: {  	[smem:$0x3FB8] =	sst s0;
	s0 =	simm.s32 @!p1 $0x0  }
0x14: {  	s2 =	sld [smem:$0x3F9C];
	s0 =	simm.s32 @p1 $0x1  }
0x15: {  	[smem:$0x3FB9] =	sst s0;
	s0 =	simm.s32 @!p2 $0x0  }
0x16: {  	s3 =	sld [smem:$0x3FDB];
	s0 =	simm.s32 @p2 $0x1  }
0x17: {  	s4 =	simm.s32 $0x1BF5;
	[smem:$0x3FBB] =	sst s0  }
0x18: {  	s0 =	sld [smem:$0x3F9E];
	_ =	swait.ge [sflag:s4], $0x0  }
0x19: {  	s7 =	sld [smem:$0x3F9F]  }
0x1a: {  	s8 =	sadd.s32 $0xFFFFE003, lr  }
0x1b: {  	s9 =	sadd.s32 $0xFFFFFEF7, lr;
	s5 =	simm.s32 $0xFFFFFFFF;
	p2 =	slt.u32 s8, $0xFFFFF086  }
0x1c: {  	p1 =	slt.u32 s9, $0xF7A;
	s5 =	simm.s32 @!p2 $0x0  }
0x1d: {  	s5 =	simm.s32 @p1 $0x1;
	p0 =	seq.s32 s7, s2  }
0x1e: {  	s7 =	smul.u32 @!p0 $0xF7A, s2;
	p2 =	seq.s32 @!p0 s5, $0x0  }
0x1f: {  	s9 =	smul.u32 $0xF7A, s1;
	s8 =	simm.s32 @!p0 $0x1BF5;
	p2 =	por !p2, p0  }
0x20: {  	[sflag:s8] =	ssyncset.s32 @!p0 $0xFFFFF086;
	s6 =	sadd.s32 @!p0 s3, s7;
	s7 =	simm.s32 @!p0 $0x108  }
0x21: {  	s3 =	sadd.s32 s3, s9;
	s6 =	sadd.s32 @!p0 $0x88, s6;
	s7 =	simm.s32 @p2 $0x1082  }
0x22: {  	[simem:s7], [sflag:s8] =	dma.local @!p0 [hbm:s6], $0xF7A  }
0x23: {  	s9 =	sor.u32 $0xD0000000, s2;
	s6 =	simm.s32 $0x108;
	_ =	swait.ge @!p0 [sflag:s8], $0x0  }
0x24: {  	s3 =	sadd.s32 $0x88, s3;
	s6 =	simm.s32 @!p1 $0x1082;
	[sflag:s4] =	ssyncset.s32 $0xFFFFF086  }
0x25: {  	[simem:s6], [sflag:s4] =	dma.local [hbm:s3], $0xF7A  }
0x26: {  	[smem:$0x3F9F] =	sst s1;
	(tag) =	ssettag s2;
	_ =	strace s9  }
0x27: {  	s1 =	sld [smem:$0x3FAF]  }
0x28: {  	s2 =	sld [smem:$0x3FB0]  }
0x29: {  	s4 =	sld [smem:$0x3FB2]  }
0x2a: {  	p0 =	seq.s32 s5, $0x0;
	s5 =	sld [smem:$0x3FB3]  }
0x2b: {  	s6 =	sld [smem:$0x3FB4]  }
0x2c: {  	s7 =	sld [smem:$0x3FB5]  }
0x2d: {  	s3 =	simm.s32 $0x108;
	s8 =	sld [smem:$0x3FB6]  }
0x2e: {  	s3 =	simm.s32 @!p0 $0x1082;
	s9 =	sld [smem:$0x3FB7]  }
0x2f: {  	lr =	sadd.s32 s0, s3;
	s0 =	sld [smem:$0x3FAE]  }
0x30: {  	s3 =	sld [smem:$0x3FB1]  }
0x31: {  	[smem:$0x3FBA] =	sst s10  }
0x32: {  	s10 =	sld [smem:$0x3FB8];
	_ =	sdelay $0x3  }
0x33: {  	p0 =	seq.s32 s10, $0x1;
	s10 =	sld [smem:$0x3FBA];
	_ =	sdelay $0x3  }
0x34: {  	[smem:$0x3FBA] =	sst s10  }
0x35: {  	s10 =	sld [smem:$0x3FB9];
	_ =	sdelay $0x3  }
0x36: {  	p1 =	seq.s32 s10, $0x1;
	s10 =	sld [smem:$0x3FBA];
	_ =	sdelay $0x3  }
0x37: {  	[smem:$0x3FBA] =	sst s10  }
0x38: {  	s10 =	sld [smem:$0x3FBB]  }
0x39: {  	_ = 	snop;
	(pc) =	sbr.ind lr, $3  }
0x3a: {  	_ = 	snop  }
0x3b: {  	_ = 	snop  }
0x3c: {  	p2 =	seq.s32 s10, $0x1;
	s10 =	sld [smem:$0x3FBA]  }
0x3d: {  	_ =	shalt  }
0x3e: {  	_ =	shalt  }
0x3f: {  	_ =	shalt  }
0x40: {  	_ =	shalt  }
0x41: {  	_ =	shalt  }
0x42: {  	_ =	shalt  }
0x43: {  	_ =	shalt  }
0x44: {  	_ =	shalt  }
0x45: {  	_ =	shalt  }
0x46: {  	_ =	shalt  }
0x47: {  	_ =	shalt  }
0x48: {  	_ =	shalt  }
0x49: {  	_ =	shalt  }
0x4a: {  	_ =	shalt  }
0x4b: {  	_ =	shalt  }
0x4c: {  	_ =	shalt  }
0x4d: {  	_ =	shalt  }
0x4e: {  	_ =	shalt  }
0x4f: {  	_ =	shalt  }
0x50: {  	_ =	shalt  }
0x51: {  	_ =	shalt  }
0x52: {  	_ =	shalt  }
0x53: {  	_ =	shalt  }
0x54: {  	_ =	shalt  }
0x55: {  	_ =	shalt  }
0x56: {  	_ =	shalt  }
0x57: {  	_ =	shalt  }
0x58: {  	_ =	shalt  }
0x59: {  	_ =	shalt  }
0x5a: {  	_ =	shalt  }
0x5b: {  	_ =	shalt  }
0x5c: {  	_ =	shalt  }
0x5d: {  	_ =	shalt  }
0x5e: {  	_ =	shalt  }
0x5f: {  	_ =	shalt  }
0x60: {  	_ =	shalt  }
0x61: {  	_ =	shalt  }
0x62: {  	_ =	shalt  }
0x63: {  	_ =	shalt  }
0x64: {  	_ =	shalt  }
0x65: {  	_ =	shalt  }
0x66: {  	_ =	shalt  }
0x67: {  	_ =	shalt  }
0x68: {  	_ =	shalt  }
0x69: {  	_ =	shalt  }
0x6a: {  	_ =	shalt  }
0x6b: {  	_ =	shalt  }
0x6c: {  	_ =	shalt  }
0x6d: {  	_ =	shalt  }
0x6e: {  	_ =	shalt  }
0x6f: {  	_ =	shalt  }
0x70: {  	_ =	shalt  }
0x71: {  	_ =	shalt  }
0x72: {  	_ =	shalt  }
0x73: {  	_ =	shalt  }
0x74: {  	_ =	shalt  }
0x75: {  	_ =	shalt  }
0x76: {  	_ =	shalt  }
0x77: {  	_ =	shalt  }
0x78: {  	_ =	shalt  }
0x79: {  	_ =	shalt  }
0x7a: {  	_ =	shalt  }
0x7b: {  	_ =	shalt  }
0x7c: {  	_ =	shalt  }
0x7d: {  	_ =	shalt  }
0x7e: {  	_ =	shalt  }
0x7f: {  	_ =	shalt  }
0x80: {  	_ =	shalt  }
0x81: {  	_ =	shalt  }
0x82: {  	_ =	shalt  }
0x83: {  	_ =	shalt  }
0x84: {  	_ =	shalt  }
0x85: {  	_ =	shalt  }
0x86: {  	_ =	shalt  }
0x87: {  	_ =	shalt  }
.Lfunc_end0:
.L_simem_size_0:
called_computation.1_lowered:
.L_overlay_start_0:
0x88: {  	s2 =	sld [smem:$0x3FD9]  }
0x89: {  	s3 =	sld [smem:$0x3FFE];
	_ =	sdelay $0x1  }
0x8a: {  	s1 =	srdreg.scid  }
0x8b: {  	s0 =	sand.u32 $0x1, s1  }
0x8c: {  	s17 =	sshll.u32 s0, $0xA;
	s2 =	sadd.s32 s3, s2  }
0x8d: {  	s2 =	sadd.s32 s2, s17  }
0x8e: {  	[smem:$0x3FC6] =	sst s2  }
0x8f: {  	_ = 	snop  }
0x90: {  	s2 =	sld [smem:$0x3FD0];
	(tm) =	ssettm $0x1  }
0x91: {  	s18 =	sld [smem:$0x3FFB];
	_ =	sdelay $0x3  }
0x92: {  	_ =	strace s18  }
0x93: {  	s3 =	sld [smem:$0x3FFC];
	_ =	sdelay $0x3  }
0x94: {  	_ =	strace s3  }
0x95: {  	s3 =	sld [smem:$0x3FFD];
	_ =	sdelay $0x3  }
0x96: {  	_ =	strace s3  }
0x97: {  	_ =	strace $0x8FFFFFFF  }
0x98: {  	s19 =	sld [smem:$0x3FDB];
	_ =	sdelay $0x1  }
0x99: {  	s4 =	simm.s32 $_scs_section_size  }
0x9a: {  	s5 =	simm.s32 $_size__tile_overlayer_lowered;
	s6 =	simm.s32 $_tile_overlayer_lowered  }
0x9b: {  	s22 =	simm.s32 $0x1BFF;
	s21 =	sshll.u32 s6, $0x1;
	s3 =	sadd.s32 s4, s19  }
0x9c: {  	s7 =	simm.s32 $0x0;
	s20 =	sshll.u32 s5, $0x1;
	s5 =	sadd.s32 s21, s3  }
0x9d: {  	[timem:s7], [sflag:s22] =	dma.local [hbm:s5], s20  }
0x9e: {  	_ =	swait.ge [sflag:s22], s20  }
0x9f: {  	s4 =	ssub.s32 $0x0, s20;
	[sflag:s22] =	ssyncset.done $0x0  }
0xa0: {  	[sflag:s22] =	ssyncadd.s32 s4;
	_ =	sdelay $0x1  }
0xa1: {  	s23 =	simm.s32 $0x1B8B  }
0xa2: {  	_ =	swait.ge [sflag:s23], $0x1  }
0xa3: {  	[sflag:s23] =	ssyncset.done $0x0  }
0xa4: {  	s25 =	simm.s32 $0x1B8E;
	s24 =	sld [smem:$0x3FFE];
	[sflag:s23] =	ssyncadd.s32 $0xFFFFFFFF  }
0xa5: {  	s26 =	simm.s32 $execute0_lowered;
	[smem:$0x3FD2] =	sst s25  }
0xa6: {  	s5 =	sshll.u32 s26, $0x1;
	_ =	strace $0x80000046;
	[dreg:$0x1] =	wrdreg $0xFFFFFFFF  }
0xa7: {  	s28 =	simm.s32 $_size_execute0_lowered;
	s3 =	sadd.s32 s3, s5;
	[dreg:$0x0] =	wrdreg $0x0  }
0xa8: {  	s5 =	sshll.u32 s28, $0x1;
	[dreg:$0x2] =	wrdreg s3  }
0xa9: {  	[dreg:$0x3] =	wrdreg s5  }
0xaa: {  	[dreg:$0x4] =	wrdreg $0xC0  }
0xab: {  	_ =	task [dreg:s7], $0x5FFFF  }
0xac: {  	[dreg:$0x1] =	wrdreg $0xFFFFFFFF  }
0xad: {  	[dreg:$0x0] =	wrdreg $0x60  }
0xae: {  	[dreg:$0x2] =	wrdreg s24  }
0xaf: {  	[dreg:$0x3] =	wrdreg s2  }
0xb0: {  	[dreg:$0x4] =	wrdreg $0x9  }
0xb1: {  	_ =	task.clear_ibuf [dreg:s7], $0x5FFFF;
	_ =	strace $0x90000046  }
0xb2: {  	s29 =	simm.s32 $0x9;
	_ =	strace $0x80000048  }
0xb3: {  	_ =	swait.ge [sflag:s29], $0x1  }
0xb4: {  	[sflag:s29] =	ssyncadd.s32 $0xFFFFFFFF  }
0xb5: {  	_ =	strace $0x90000048  }
0xb6: {  	_ =	sfence  }
0xb7: {  	s30 =	sld [smem:$0x0];
	_ =	sdelay $0x2  }
0xb8: {  	s31 =	sshll.u32 s1, $0xD;
	s1 =	sshrl.u32 s1, $0x2  }
0xb9: {  	s3 =	sand.u32 $0x4000, s31;
	s1 =	sadd.s32 s1, s30  }
0xba: {  	s0 =	sor.u32 s3, s0;
	s1 =	sshll.u32 s1, $0x11  }
0xbb: {  	s0 =	sor.u32 s1, s0  }
0xbc: {  	s0 =	sadd.s32 $0x8F2B, s0  }
0xbd: {  	[sflag:s0] =	ssyncadd.remote.s32 $0x1  }
0xbe: {  	_ =	sfence.sel $0xFFFF  }
0xbf: {  	[dreg:$0x0] =	wrdreg $0xFFFFFFFF;
	(pc) =	sbr.abs _section_cstart, $3  }
0xc0: {  	[dreg:$0x1] =	wrdreg $0xFFFFFFFF  }
0xc1: {  	_ =	task.clear_ibuf [dreg:s7], $0x2FFFF;
	_ =	strace $0x9FFFFFFF  }
0xc2: {  	(tm) =	ssettm $0x7FFFFFFF  }
0xc3: {  	_ =	shalt  }
tec
execute0_lowered:
.L_overlay_start_1:
0x0: {  	(tag) =	ssettag $0x1  }
0x1: {  	s0 =	rddreg [dreg:$0x0]  }
0x2: {  	s1 =	rddreg [dreg:$0x1];
	s2 =	srdreg.scid  }
0x3: {  	s10 =	stileid.u32;
	s28 =	simm.s32 $0xE0;
	s29 =	simm.s32 $0x2700  }
0x4: {  	s12 =	simm.s32 $0x1F8;
	s31 =	simm.s32 $0x4640;
	s13 =	simm.s32 $0x1  }
0x5: {  	s14 =	simm.s32 $0x3;
	s15 =	simm.s32 $0x2;
	s30 =	simm.s32 $0x0  }
0x6: {  	s4 =	sand.u32 $0x1, s2;
	s2 =	simm.s32 $0x0;
	s9 =	smul.u32 $0xE000, s10  }
0x7: {  	s3 =	sshll.u32 s10, $0xA;
	s6 =	sadd.s32 $0xA00, s0;
	s22 =	smul.u32 $0x32000, s10  }
0x8: {  	s5 =	sshll.u32 s4, $0x9;
	[smem:$0x7FF] =	sst s2;
	s18 =	smul.u32 $0x7000, s4  }
0x9: {  	s16 =	ssub.s32 $0x2, s4;
	s4 =	smul.u32 $0x19000, s4;
	s5 =	sor.u32 s5, s3  }
0xa: {  	s10 =	simm.s32 $0x5;
	_ =	strace $0x80000047;
	s7 =	smul.u32 $0x640, s5  }
0xb: {  	s3 =	sadd.s32 $0xF42E00, s0;
	s8 =	sshrl.u32 s16, $0x1;
	s5 =	smul.u32 $0x7, s5  }
0xc: {  	s0 =	ssub.s32 s16, s8;
	s21 =	sadd.s32 s18, s9;
	s8 =	simm.s32 $0x39C0  }
0xd: {  	s9 =	simm.s32 $0x4000;
	s18 =	simm.s32 $0x230;
	s16 =	simm.s32 $0x4  }
0xe: {  	s0 =	smax.u32 s0, $0x1;
	s23 =	sadd.s32 $0x1500, s21;
	s7 =	sshrl.u32 s7, $0x3  }
0xf: {  	s11 =	sadd.s32 s6, s5;
	[dreg:$0x9] =	wrdreg s0;
	s0 =	sshrl.u32 s23, $0x3  }
0x10: {  	s23 =	simm.s32 $0x700;
	s17 =	sadd.s32 s1, s7;
	[dreg:$0x5] =	wrdreg s11  }
0x11: {  	s19 =	sadd.s32 $0xE0, s11;
	s1 =	sadd.s32 s22, s1;
	s0 =	sadd.s32 s0, s6  }
0x12: {  	s11 =	simm.s32 $0x32;
	s22 =	simm.s32 $0x1A80;
	s7 =	simm.s32 $0x188  }
0x13: {  	[dreg:$0x6] =	wrdreg s19;
	s20 =	sadd.s32 $0x15E00, s17;
	s5 =	sadd.s32 $0x17700, s17  }
0x14: {  	s1 =	sadd.s32 s4, s1;
	[dreg:$0x3] =	wrdreg s0;
	s19 =	simm.s32 $0x38  }
0x15: {  	s0 =	simm.s32 $0x118;
	s4 =	simm.s32 $0x1C0;
	[dreg:$0x7] =	wrdreg s20  }
0x16: {  	[dreg:$0x8] =	wrdreg s5;
	s5 =	sor.u32 $0xE00, s21;
	s25 =	sadd.s32 $0x1900, s1  }
0x17: {  	s20 =	simm.s32 $0x1440;
	s21 =	simm.s32 $0x70;
	s1 =	simm.s32 $0x2D40  }
0x18: {  	s24 =	sshrl.u32 s5, $0x3;
	[dreg:$0xa] =	wrdreg s25;
	s25 =	simm.s32 $0xA8  }
0x19: {  	s5 =	simm.s32 $0x150;
	s26 =	sadd.s32 s24, s6;
	s6 =	simm.s32 $0x3380  }
0x1a: {  	s24 =	simm.s32 $0xD600;
	[dreg:$0x4] =	wrdreg s26;
	s26 =	simm.s32 $0x20C0  }
.LBB2_1:
0x1b: {  	[dreg:$0xb] =	wrdreg s30  }
0x1c: {  	s17 =	rddreg [dreg:$0x5]  }
0x1d: {  	[tilespmem:s2], [sflag:$0x5] =	stream.linear.gather [hbm4b:s17+s2], $0x700, $0x38;
	[tilespmem:$0x19E00] =	vst v63  }
0x1e: {  	_ =	swait.ge [sflag:s10], $0x700  }
0x1f: {  	[sflag:s10] =	ssyncset.done $0x0  }
0x20: {  	s30 =	simm.s32 $0xE00;
	[sflag:s10] =	ssyncadd.s32 $0xFFFFF900  }
0x21: {  	[tilespmem:s30], [sflag:$0x1] =	stream.indirect.gather [hbm4b:s3+s11], $0x20, s2, s11, $0xb8;
	[tilespmem:$0x19E00] =	vst v63  }
0x22: {  	_ = 	snop  }
0x23: {  	[tilespmem:s20], [sflag:$0x1] =	stream.indirect.gather [hbm4b:s3+s11], $0x20, s19, s11, $0xb8;
	[tilespmem:$0x19E00] =	vst v63  }
0x24: {  	_ = 	snop  }
0x25: {  	[tilespmem:s22], [sflag:$0x1] =	stream.indirect.gather [hbm4b:s3+s11], $0x20, s21, s11, $0xb8;
	[tilespmem:$0x19E00] =	vst v63  }
0x26: {  	_ = 	snop  }
0x27: {  	[tilespmem:s26], [sflag:$0x1] =	stream.indirect.gather [hbm4b:s3+s11], $0x20, s25, s11, $0xb8;
	[tilespmem:$0x19E00] =	vst v63  }
0x28: {  	_ = 	snop  }
0x29: {  	[tilespmem:s29], [sflag:$0x1] =	stream.indirect.gather [hbm4b:s3+s11], $0x20, s28, s11, $0xb8;
	[tilespmem:$0x19E00] =	vst v63  }
0x2a: {  	_ = 	snop  }
0x2b: {  	[tilespmem:s1], [sflag:$0x1] =	stream.indirect.gather [hbm4b:s3+s11], $0x20, s0, s11, $0xb8;
	[tilespmem:$0x19E00] =	vst v63  }
0x2c: {  	_ = 	snop  }
0x2d: {  	[tilespmem:s6], [sflag:$0x1] =	stream.indirect.gather [hbm4b:s3+s11], $0x20, s5, s11, $0xb8;
	[tilespmem:$0x19E00] =	vst v63  }
0x2e: {  	_ = 	snop  }
0x2f: {  	[tilespmem:s8], [sflag:$0x1] =	stream.indirect.gather [hbm4b:s3+s11], $0x20, s7, s11, $0xb8;
	[tilespmem:$0x19E00] =	vst v63  }
0x30: {  	_ = 	snop  }
0x31: {  	[tilespmem:s9], [sflag:$0x1] =	stream.indirect.gather [hbm4b:s3+s11], $0x20, s4, s11, $0xb8;
	[tilespmem:$0x19E00] =	vst v63  }
0x32: {  	_ = 	snop  }
0x33: {  	[tilespmem:s31], [sflag:$0x1] =	stream.indirect.gather [hbm4b:s3+s11], $0x20, s12, s11, $0xb8;
	[tilespmem:$0x19E00] =	vst v63  }
0x34: {  	s21 =	simm.s32 $0x4C80  }
0x35: {  	[tilespmem:s21], [sflag:$0x1] =	stream.indirect.gather [hbm4b:s3+s11], $0x20, s18, s11, $0xb8;
	[tilespmem:$0x19E00] =	vst v63  }
0x36: {  	s22 =	simm.s32 $0x268;
	s25 =	simm.s32 $0x52C0  }
0x37: {  	[tilespmem:s25], [sflag:$0x1] =	stream.indirect.gather [hbm4b:s3+s11], $0x20, s22, s11, $0xb8;
	[tilespmem:$0x19E00] =	vst v63  }
0x38: {  	s30 =	simm.s32 $0x5900;
	s26 =	simm.s32 $0x2A0  }
0x39: {  	[tilespmem:s30], [sflag:$0x1] =	stream.indirect.gather [hbm4b:s3+s11], $0x20, s26, s11, $0xb8;
	[tilespmem:$0x19E00] =	vst v63  }
0x3a: {  	s5 =	simm.s32 $0x5F40;
	s4 =	simm.s32 $0x2D8  }
0x3b: {  	[tilespmem:s5], [sflag:$0x1] =	stream.indirect.gather [hbm4b:s3+s11], $0x20, s4, s11, $0xb8;
	[tilespmem:$0x19E00] =	vst v63  }
0x3c: {  	s6 =	simm.s32 $0x310;
	s7 =	simm.s32 $0x6580  }
0x3d: {  	[tilespmem:s7], [sflag:$0x1] =	stream.indirect.gather [hbm4b:s3+s11], $0x20, s6, s11, $0xb8;
	[tilespmem:$0x19E00] =	vst v63  }
0x3e: {  	s8 =	simm.s32 $0x348;
	s9 =	simm.s32 $0x6BC0  }
0x3f: {  	[tilespmem:s9], [sflag:$0x1] =	stream.indirect.gather [hbm4b:s3+s11], $0x20, s8, s11, $0xb8;
	[tilespmem:$0x19E00] =	vst v63  }
0x40: {  	s17 =	simm.s32 $0x7200;
	s12 =	simm.s32 $0x380  }
0x41: {  	[tilespmem:s17], [sflag:$0x1] =	stream.indirect.gather [hbm4b:s3+s11], $0x20, s12, s11, $0xb8;
	[tilespmem:$0x19E00] =	vst v63  }
0x42: {  	s19 =	simm.s32 $0x7840;
	s18 =	simm.s32 $0x3B8  }
0x43: {  	[tilespmem:s19], [sflag:$0x1] =	stream.indirect.gather [hbm4b:s3+s11], $0x20, s18, s11, $0xb8;
	[tilespmem:$0x19E00] =	vst v63  }
0x44: {  	s20 =	simm.s32 $0x3F0;
	s21 =	simm.s32 $0x7E80  }
0x45: {  	[tilespmem:s21], [sflag:$0x1] =	stream.indirect.gather [hbm4b:s3+s11], $0x20, s20, s11, $0xb8;
	[tilespmem:$0x19E00] =	vst v63  }
0x46: {  	s22 =	simm.s32 $0x428;
	s25 =	simm.s32 $0x84C0  }
0x47: {  	[tilespmem:s25], [sflag:$0x1] =	stream.indirect.gather [hbm4b:s3+s11], $0x20, s22, s11, $0xb8;
	[tilespmem:$0x19E00] =	vst v63  }
0x48: {  	s26 =	simm.s32 $0x460;
	s30 =	simm.s32 $0x8B00  }
0x49: {  	[tilespmem:s30], [sflag:$0x1] =	stream.indirect.gather [hbm4b:s3+s11], $0x20, s26, s11, $0xb8;
	[tilespmem:$0x19E00] =	vst v63  }
0x4a: {  	s4 =	simm.s32 $0x498;
	s5 =	simm.s32 $0x9140  }
0x4b: {  	[tilespmem:s5], [sflag:$0x1] =	stream.indirect.gather [hbm4b:s3+s11], $0x20, s4, s11, $0xb8;
	[tilespmem:$0x19E00] =	vst v63  }
0x4c: {  	s6 =	simm.s32 $0x4D0;
	s7 =	simm.s32 $0x9780  }
0x4d: {  	[tilespmem:s7], [sflag:$0x1] =	stream.indirect.gather [hbm4b:s3+s11], $0x20, s6, s11, $0xb8;
	[tilespmem:$0x19E00] =	vst v63  }
0x4e: {  	s8 =	simm.s32 $0x508;
	s9 =	simm.s32 $0x9DC0  }
0x4f: {  	[tilespmem:s9], [sflag:$0x1] =	stream.indirect.gather [hbm4b:s3+s11], $0x20, s8, s11, $0xb8;
	[tilespmem:$0x19E00] =	vst v63  }
0x50: {  	s12 =	simm.s32 $0x540;
	s17 =	simm.s32 $0xA400  }
0x51: {  	[tilespmem:s17], [sflag:$0x1] =	stream.indirect.gather [hbm4b:s3+s11], $0x20, s12, s11, $0xb8;
	[tilespmem:$0x19E00] =	vst v63  }
0x52: {  	s18 =	simm.s32 $0x578;
	s19 =	simm.s32 $0xAA40  }
0x53: {  	[tilespmem:s19], [sflag:$0x1] =	stream.indirect.gather [hbm4b:s3+s11], $0x20, s18, s11, $0xb8;
	[tilespmem:$0x19E00] =	vst v63  }
0x54: {  	s20 =	simm.s32 $0x5B0;
	s21 =	simm.s32 $0xB080  }
0x55: {  	[tilespmem:s21], [sflag:$0x1] =	stream.indirect.gather [hbm4b:s3+s11], $0x20, s20, s11, $0xb8;
	[tilespmem:$0x19E00] =	vst v63  }
0x56: {  	s22 =	simm.s32 $0x5E8;
	s25 =	simm.s32 $0xB6C0  }
0x57: {  	[tilespmem:s25], [sflag:$0x1] =	stream.indirect.gather [hbm4b:s3+s11], $0x20, s22, s11, $0xb8;
	[tilespmem:$0x19E00] =	vst v63  }
0x58: {  	s26 =	simm.s32 $0x620;
	s30 =	simm.s32 $0xBD00  }
0x59: {  	[tilespmem:s30], [sflag:$0x1] =	stream.indirect.gather [hbm4b:s3+s11], $0x20, s26, s11, $0xb8;
	[tilespmem:$0x19E00] =	vst v63  }
0x5a: {  	s4 =	simm.s32 $0x658;
	s5 =	simm.s32 $0xC340  }
0x5b: {  	[tilespmem:s5], [sflag:$0x1] =	stream.indirect.gather [hbm4b:s3+s11], $0x20, s4, s11, $0xb8;
	[tilespmem:$0x19E00] =	vst v63  }
0x5c: {  	s6 =	simm.s32 $0x690;
	s7 =	simm.s32 $0xC980  }
0x5d: {  	[tilespmem:s7], [sflag:$0x1] =	stream.indirect.gather [hbm4b:s3+s11], $0x20, s6, s11, $0xb8;
	[tilespmem:$0x19E00] =	vst v63  }
0x5e: {  	s8 =	simm.s32 $0x6C8;
	s9 =	simm.s32 $0xCFC0  }
0x5f: {  	[tilespmem:s9], [sflag:$0x1] =	stream.indirect.gather [hbm4b:s3+s11], $0x20, s8, s11, $0xb8;
	[tilespmem:$0x19E00] =	vst v63  }
0x60: {  	s12 =	rddreg [dreg:$0x6]  }
0x61: {  	[tilespmem:s23], [sflag:$0x5] =	stream.linear.gather [hbm4b:s12+s2], $0x700, $0x38;
	[tilespmem:$0x19E00] =	vst v63  }
0x62: {  	_ =	swait.ge [sflag:s10], $0x700  }
0x63: {  	[sflag:s10] =	ssyncset.done $0x0  }
0x64: {  	[sflag:s10] =	ssyncadd.s32 $0xFFFFF900  }
0x65: {  	[tilespmem:s24], [sflag:$0x2] =	stream.indirect.gather [hbm4b:s3+s11], $0x20, s23, s11, $0xb8;
	[tilespmem:$0x19E00] =	vst v63  }
0x66: {  	s18 =	simm.s32 $0x738;
	s19 =	simm.s32 $0xDC40  }
0x67: {  	[tilespmem:s19], [sflag:$0x2] =	stream.indirect.gather [hbm4b:s3+s11], $0x20, s18, s11, $0xb8;
	[tilespmem:$0x19E00] =	vst v63  }
0x68: {  	s20 =	simm.s32 $0x770;
	s21 =	simm.s32 $0xE280  }
0x69: {  	[tilespmem:s21], [sflag:$0x2] =	stream.indirect.gather [hbm4b:s3+s11], $0x20, s20, s11, $0xb8;
	[tilespmem:$0x19E00] =	vst v63  }
0x6a: {  	s22 =	simm.s32 $0x7A8;
	s25 =	simm.s32 $0xE8C0  }
0x6b: {  	[tilespmem:s25], [sflag:$0x2] =	stream.indirect.gather [hbm4b:s3+s11], $0x20, s22, s11, $0xb8;
	[tilespmem:$0x19E00] =	vst v63  }
0x6c: {  	s26 =	simm.s32 $0x7E0;
	s30 =	simm.s32 $0xEF00  }
0x6d: {  	[tilespmem:s30], [sflag:$0x2] =	stream.indirect.gather [hbm4b:s3+s11], $0x20, s26, s11, $0xb8;
	[tilespmem:$0x19E00] =	vst v63  }
0x6e: {  	s4 =	simm.s32 $0x818;
	s5 =	simm.s32 $0xF540  }
0x6f: {  	[tilespmem:s5], [sflag:$0x2] =	stream.indirect.gather [hbm4b:s3+s11], $0x20, s4, s11, $0xb8;
	[tilespmem:$0x19E00] =	vst v63  }
0x70: {  	s6 =	simm.s32 $0x850;
	s7 =	simm.s32 $0xFB80  }
0x71: {  	[tilespmem:s7], [sflag:$0x2] =	stream.indirect.gather [hbm4b:s3+s11], $0x20, s6, s11, $0xb8;
	[tilespmem:$0x19E00] =	vst v63  }
0x72: {  	s8 =	simm.s32 $0x888;
	s9 =	simm.s32 $0x101C0  }
0x73: {  	[tilespmem:s9], [sflag:$0x2] =	stream.indirect.gather [hbm4b:s3+s11], $0x20, s8, s11, $0xb8;
	[tilespmem:$0x19E00] =	vst v63  }
0x74: {  	s17 =	simm.s32 $0x10800;
	s12 =	simm.s32 $0x8C0  }
0x75: {  	[tilespmem:s17], [sflag:$0x2] =	stream.indirect.gather [hbm4b:s3+s11], $0x20, s12, s11, $0xb8;
	[tilespmem:$0x19E00] =	vst v63  }
0x76: {  	s18 =	simm.s32 $0x8F8;
	s19 =	simm.s32 $0x10E40  }
0x77: {  	[tilespmem:s19], [sflag:$0x2] =	stream.indirect.gather [hbm4b:s3+s11], $0x20, s18, s11, $0xb8;
	[tilespmem:$0x19E00] =	vst v63  }
0x78: {  	s20 =	simm.s32 $0x930;
	s21 =	simm.s32 $0x11480  }
0x79: {  	[tilespmem:s21], [sflag:$0x2] =	stream.indirect.gather [hbm4b:s3+s11], $0x20, s20, s11, $0xb8;
	[tilespmem:$0x19E00] =	vst v63  }
0x7a: {  	s22 =	simm.s32 $0x968;
	s25 =	simm.s32 $0x11AC0  }
0x7b: {  	[tilespmem:s25], [sflag:$0x2] =	stream.indirect.gather [hbm4b:s3+s11], $0x20, s22, s11, $0xb8;
	[tilespmem:$0x19E00] =	vst v63  }
0x7c: {  	s26 =	simm.s32 $0x9A0;
	s30 =	simm.s32 $0x12100  }
0x7d: {  	[tilespmem:s30], [sflag:$0x2] =	stream.indirect.gather [hbm4b:s3+s11], $0x20, s26, s11, $0xb8;
	[tilespmem:$0x19E00] =	vst v63  }
0x7e: {  	s4 =	simm.s32 $0x9D8;
	s5 =	simm.s32 $0x12740  }
0x7f: {  	[tilespmem:s5], [sflag:$0x2] =	stream.indirect.gather [hbm4b:s3+s11], $0x20, s4, s11, $0xb8;
	[tilespmem:$0x19E00] =	vst v63  }
0x80: {  	s6 =	simm.s32 $0xA10;
	s7 =	simm.s32 $0x12D80  }
0x81: {  	[tilespmem:s7], [sflag:$0x2] =	stream.indirect.gather [hbm4b:s3+s11], $0x20, s6, s11, $0xb8;
	[tilespmem:$0x19E00] =	vst v63  }
0x82: {  	s8 =	simm.s32 $0xA48;
	s9 =	simm.s32 $0x133C0  }
0x83: {  	[tilespmem:s9], [sflag:$0x2] =	stream.indirect.gather [hbm4b:s3+s11], $0x20, s8, s11, $0xb8;
	[tilespmem:$0x19E00] =	vst v63  }
0x84: {  	s12 =	simm.s32 $0xA80;
	s17 =	simm.s32 $0x13A00  }
0x85: {  	[tilespmem:s17], [sflag:$0x2] =	stream.indirect.gather [hbm4b:s3+s11], $0x20, s12, s11, $0xb8;
	[tilespmem:$0x19E00] =	vst v63  }
0x86: {  	s18 =	simm.s32 $0xAB8;
	s19 =	simm.s32 $0x14040  }
0x87: {  	[tilespmem:s19], [sflag:$0x2] =	stream.indirect.gather [hbm4b:s3+s11], $0x20, s18, s11, $0xb8;
	[tilespmem:$0x19E00] =	vst v63  }
0x88: {  	s20 =	simm.s32 $0xAF0;
	s21 =	simm.s32 $0x14680  }
0x89: {  	[tilespmem:s21], [sflag:$0x2] =	stream.indirect.gather [hbm4b:s3+s11], $0x20, s20, s11, $0xb8;
	[tilespmem:$0x19E00] =	vst v63  }
0x8a: {  	s22 =	simm.s32 $0xB28;
	s25 =	simm.s32 $0x14CC0  }
0x8b: {  	[tilespmem:s25], [sflag:$0x2] =	stream.indirect.gather [hbm4b:s3+s11], $0x20, s22, s11, $0xb8;
	[tilespmem:$0x19E00] =	vst v63  }
0x8c: {  	s26 =	simm.s32 $0xB60;
	s30 =	simm.s32 $0x15300  }
0x8d: {  	[tilespmem:s30], [sflag:$0x2] =	stream.indirect.gather [hbm4b:s3+s11], $0x20, s26, s11, $0xb8;
	[tilespmem:$0x19E00] =	vst v63  }
0x8e: {  	s4 =	simm.s32 $0xB98;
	s5 =	simm.s32 $0x15940  }
0x8f: {  	[tilespmem:s5], [sflag:$0x2] =	stream.indirect.gather [hbm4b:s3+s11], $0x20, s4, s11, $0xb8;
	[tilespmem:$0x19E00] =	vst v63  }
0x90: {  	s6 =	simm.s32 $0xBD0;
	s7 =	simm.s32 $0x15F80  }
0x91: {  	[tilespmem:s7], [sflag:$0x2] =	stream.indirect.gather [hbm4b:s3+s11], $0x20, s6, s11, $0xb8;
	[tilespmem:$0x19E00] =	vst v63  }
0x92: {  	s8 =	simm.s32 $0xC08;
	s9 =	simm.s32 $0x165C0  }
0x93: {  	[tilespmem:s9], [sflag:$0x2] =	stream.indirect.gather [hbm4b:s3+s11], $0x20, s8, s11, $0xb8;
	[tilespmem:$0x19E00] =	vst v63  }
0x94: {  	s12 =	simm.s32 $0xC40;
	s17 =	simm.s32 $0x16C00  }
0x95: {  	[tilespmem:s17], [sflag:$0x2] =	stream.indirect.gather [hbm4b:s3+s11], $0x20, s12, s11, $0xb8;
	[tilespmem:$0x19E00] =	vst v63  }
0x96: {  	s18 =	simm.s32 $0xC78;
	s19 =	simm.s32 $0x17240  }
0x97: {  	[tilespmem:s19], [sflag:$0x2] =	stream.indirect.gather [hbm4b:s3+s11], $0x20, s18, s11, $0xb8;
	[tilespmem:$0x19E00] =	vst v63  }
0x98: {  	s20 =	simm.s32 $0xCB0;
	s21 =	simm.s32 $0x17880  }
0x99: {  	[tilespmem:s21], [sflag:$0x2] =	stream.indirect.gather [hbm4b:s3+s11], $0x20, s20, s11, $0xb8;
	[tilespmem:$0x19E00] =	vst v63  }
0x9a: {  	s22 =	simm.s32 $0xCE8;
	s25 =	simm.s32 $0x17EC0  }
0x9b: {  	[tilespmem:s25], [sflag:$0x2] =	stream.indirect.gather [hbm4b:s3+s11], $0x20, s22, s11, $0xb8;
	[tilespmem:$0x19E00] =	vst v63  }
0x9c: {  	s26 =	simm.s32 $0xD20;
	s30 =	simm.s32 $0x18500  }
0x9d: {  	[tilespmem:s30], [sflag:$0x2] =	stream.indirect.gather [hbm4b:s3+s11], $0x20, s26, s11, $0xb8;
	[tilespmem:$0x19E00] =	vst v63  }
0x9e: {  	s1 =	simm.s32 $0xD58;
	s4 =	simm.s32 $0x18B40  }
0x9f: {  	[tilespmem:s4], [sflag:$0x2] =	stream.indirect.gather [hbm4b:s3+s11], $0x20, s1, s11, $0xb8;
	[tilespmem:$0x19E00] =	vst v63  }
0xa0: {  	s5 =	simm.s32 $0xD90;
	s6 =	simm.s32 $0x19180  }
0xa1: {  	[tilespmem:s6], [sflag:$0x2] =	stream.indirect.gather [hbm4b:s3+s11], $0x20, s5, s11, $0xb8;
	[tilespmem:$0x19E00] =	vst v63  }
0xa2: {  	s7 =	simm.s32 $0xDC8;
	s8 =	simm.s32 $0x197C0  }
0xa3: {  	[tilespmem:s8], [sflag:$0x2] =	stream.indirect.gather [hbm4b:s3+s11], $0x20, s7, s11, $0xb8;
	[tilespmem:$0x19E00] =	vst v63  }
0xa4: {  	_ =	swait.ge [sflag:s13], $0xC800  }
0xa5: {  	[sflag:s13] =	ssyncset.done $0x0;
	s18 =	rddreg [dreg:$0xa]  }
0xa6: {  	s0 =	simm.s32 $0xE00;
	[sflag:s13] =	ssyncadd.s32 $0xFFFF3800;
	s17 =	sadd.s32 $0xFFFFE700, s18  }
0xa7: {  	[hbm4b:s17+s2] =	stream.linear.scatter [tilespmem:s0], [sflag:$0x3], $0xC800, $0x38;
	[tilespmem:$0x19E00] =	vst v63  }
0xa8: {  	_ =	swait.ge [sflag:s14], $0xC800  }
0xa9: {  	s17 =	rddreg [dreg:$0x4];
	[sflag:s14] =	ssyncset.done $0x0  }
0xaa: {  	[sflag:s14] =	ssyncadd.s32 $0xFFFF3800;
	s17 =	sadd.s32 $0x0, s17  }
0xab: {  	[tilespmem:s2], [sflag:$0x5] =	stream.linear.gather [hbm4b:s17+s2], $0x700, $0x38;
	[tilespmem:$0x19E00] =	vst v63  }
0xac: {  	_ =	swait.ge [sflag:s10], $0x700  }
0xad: {  	[sflag:s10] =	ssyncset.done $0x0  }
0xae: {  	[sflag:s10] =	ssyncadd.s32 $0xFFFFF900  }
0xaf: {  	[tilespmem:s0], [sflag:$0x1] =	stream.indirect.gather [hbm4b:s3+s11], $0x20, s2, s11, $0xb8;
	[tilespmem:$0x19E00] =	vst v63  }
0xb0: {  	s21 =	simm.s32 $0x1440;
	s20 =	simm.s32 $0x38  }
0xb1: {  	[tilespmem:s21], [sflag:$0x1] =	stream.indirect.gather [hbm4b:s3+s11], $0x20, s20, s11, $0xb8;
	[tilespmem:$0x19E00] =	vst v63  }
0xb2: {  	s25 =	simm.s32 $0x1A80;
	s22 =	simm.s32 $0x70  }
0xb3: {  	[tilespmem:s25], [sflag:$0x1] =	stream.indirect.gather [hbm4b:s3+s11], $0x20, s22, s11, $0xb8;
	[tilespmem:$0x19E00] =	vst v63  }
0xb4: {  	s28 =	simm.s32 $0xA8;
	s1 =	simm.s32 $0x20C0  }
0xb5: {  	[tilespmem:s1], [sflag:$0x1] =	stream.indirect.gather [hbm4b:s3+s11], $0x20, s28, s11, $0xb8;
	[tilespmem:$0x19E00] =	vst v63  }
0xb6: {  	s26 =	simm.s32 $0xE0;
	s5 =	simm.s32 $0x2700  }
0xb7: {  	[tilespmem:s5], [sflag:$0x1] =	stream.indirect.gather [hbm4b:s3+s11], $0x20, s26, s11, $0xb8;
	[tilespmem:$0x19E00] =	vst v63  }
0xb8: {  	s29 =	simm.s32 $0x118;
	s7 =	simm.s32 $0x2D40  }
0xb9: {  	[tilespmem:s7], [sflag:$0x1] =	stream.indirect.gather [hbm4b:s3+s11], $0x20, s29, s11, $0xb8;
	[tilespmem:$0x19E00] =	vst v63  }
0xba: {  	s4 =	simm.s32 $0x3380;
	s6 =	simm.s32 $0x150  }
0xbb: {  	[tilespmem:s4], [sflag:$0x1] =	stream.indirect.gather [hbm4b:s3+s11], $0x20, s6, s11, $0xb8;
	[tilespmem:$0x19E00] =	vst v63  }
0xbc: {  	s12 =	simm.s32 $0x39C0;
	s8 =	simm.s32 $0x188  }
0xbd: {  	[tilespmem:s12], [sflag:$0x1] =	stream.indirect.gather [hbm4b:s3+s11], $0x20, s8, s11, $0xb8;
	[tilespmem:$0x19E00] =	vst v63  }
0xbe: {  	s31 =	simm.s32 $0x4000;
	s9 =	simm.s32 $0x1C0  }
0xbf: {  	[tilespmem:s31], [sflag:$0x1] =	stream.indirect.gather [hbm4b:s3+s11], $0x20, s9, s11, $0xb8;
	[tilespmem:$0x19E00] =	vst v63  }
0xc0: {  	s19 =	simm.s32 $0x4640;
	s30 =	simm.s32 $0x1F8  }
0xc1: {  	[tilespmem:s19], [sflag:$0x1] =	stream.indirect.gather [hbm4b:s3+s11], $0x20, s30, s11, $0xb8;
	[tilespmem:$0x19E00] =	vst v63  }
0xc2: {  	s12 =	simm.s32 $0x230;
	s9 =	simm.s32 $0x4C80  }
0xc3: {  	[tilespmem:s9], [sflag:$0x1] =	stream.indirect.gather [hbm4b:s3+s11], $0x20, s12, s11, $0xb8;
	[tilespmem:$0x19E00] =	vst v63  }
0xc4: {  	s17 =	simm.s32 $0x268;
	s19 =	simm.s32 $0x52C0  }
0xc5: {  	[tilespmem:s19], [sflag:$0x1] =	stream.indirect.gather [hbm4b:s3+s11], $0x20, s17, s11, $0xb8;
	[tilespmem:$0x19E00] =	vst v63  }
0xc6: {  	s20 =	simm.s32 $0x2A0;
	s21 =	simm.s32 $0x5900  }
0xc7: {  	[tilespmem:s21], [sflag:$0x1] =	stream.indirect.gather [hbm4b:s3+s11], $0x20, s20, s11, $0xb8;
	[tilespmem:$0x19E00] =	vst v63  }
0xc8: {  	s22 =	simm.s32 $0x2D8;
	s25 =	simm.s32 $0x5F40  }
0xc9: {  	[tilespmem:s25], [sflag:$0x1] =	stream.indirect.gather [hbm4b:s3+s11], $0x20, s22, s11, $0xb8;
	[tilespmem:$0x19E00] =	vst v63  }
0xca: {  	s26 =	simm.s32 $0x310;
	s30 =	simm.s32 $0x6580  }
0xcb: {  	[tilespmem:s30], [sflag:$0x1] =	stream.indirect.gather [hbm4b:s3+s11], $0x20, s26, s11, $0xb8;
	[tilespmem:$0x19E00] =	vst v63  }
0xcc: {  	s1 =	simm.s32 $0x348;
	s4 =	simm.s32 $0x6BC0  }
0xcd: {  	[tilespmem:s4], [sflag:$0x1] =	stream.indirect.gather [hbm4b:s3+s11], $0x20, s1, s11, $0xb8;
	[tilespmem:$0x19E00] =	vst v63  }
0xce: {  	s5 =	simm.s32 $0x380;
	s6 =	simm.s32 $0x7200  }
0xcf: {  	[tilespmem:s6], [sflag:$0x1] =	stream.indirect.gather [hbm4b:s3+s11], $0x20, s5, s11, $0xb8;
	[tilespmem:$0x19E00] =	vst v63  }
0xd0: {  	s7 =	simm.s32 $0x3B8;
	s8 =	simm.s32 $0x7840  }
0xd1: {  	[tilespmem:s8], [sflag:$0x1] =	stream.indirect.gather [hbm4b:s3+s11], $0x20, s7, s11, $0xb8;
	[tilespmem:$0x19E00] =	vst v63  }
0xd2: {  	s9 =	simm.s32 $0x3F0;
	s12 =	simm.s32 $0x7E80  }
0xd3: {  	[tilespmem:s12], [sflag:$0x1] =	stream.indirect.gather [hbm4b:s3+s11], $0x20, s9, s11, $0xb8;
	[tilespmem:$0x19E00] =	vst v63  }
0xd4: {  	s17 =	simm.s32 $0x428;
	s19 =	simm.s32 $0x84C0  }
0xd5: {  	[tilespmem:s19], [sflag:$0x1] =	stream.indirect.gather [hbm4b:s3+s11], $0x20, s17, s11, $0xb8;
	[tilespmem:$0x19E00] =	vst v63  }
0xd6: {  	s20 =	simm.s32 $0x460;
	s21 =	simm.s32 $0x8B00  }
0xd7: {  	[tilespmem:s21], [sflag:$0x1] =	stream.indirect.gather [hbm4b:s3+s11], $0x20, s20, s11, $0xb8;
	[tilespmem:$0x19E00] =	vst v63  }
0xd8: {  	s22 =	simm.s32 $0x498;
	s25 =	simm.s32 $0x9140  }
0xd9: {  	[tilespmem:s25], [sflag:$0x1] =	stream.indirect.gather [hbm4b:s3+s11], $0x20, s22, s11, $0xb8;
	[tilespmem:$0x19E00] =	vst v63  }
0xda: {  	s26 =	simm.s32 $0x4D0;
	s30 =	simm.s32 $0x9780  }
0xdb: {  	[tilespmem:s30], [sflag:$0x1] =	stream.indirect.gather [hbm4b:s3+s11], $0x20, s26, s11, $0xb8;
	[tilespmem:$0x19E00] =	vst v63  }
0xdc: {  	s1 =	simm.s32 $0x508;
	s4 =	simm.s32 $0x9DC0  }
0xdd: {  	[tilespmem:s4], [sflag:$0x1] =	stream.indirect.gather [hbm4b:s3+s11], $0x20, s1, s11, $0xb8;
	[tilespmem:$0x19E00] =	vst v63  }
0xde: {  	s5 =	simm.s32 $0x540;
	s6 =	simm.s32 $0xA400  }
0xdf: {  	[tilespmem:s6], [sflag:$0x1] =	stream.indirect.gather [hbm4b:s3+s11], $0x20, s5, s11, $0xb8;
	[tilespmem:$0x19E00] =	vst v63  }
0xe0: {  	s7 =	simm.s32 $0x578;
	s8 =	simm.s32 $0xAA40  }
0xe1: {  	[tilespmem:s8], [sflag:$0x1] =	stream.indirect.gather [hbm4b:s3+s11], $0x20, s7, s11, $0xb8;
	[tilespmem:$0x19E00] =	vst v63  }
0xe2: {  	s9 =	simm.s32 $0x5B0;
	s12 =	simm.s32 $0xB080  }
0xe3: {  	[tilespmem:s12], [sflag:$0x1] =	stream.indirect.gather [hbm4b:s3+s11], $0x20, s9, s11, $0xb8;
	[tilespmem:$0x19E00] =	vst v63  }
0xe4: {  	s17 =	simm.s32 $0x5E8;
	s19 =	simm.s32 $0xB6C0  }
0xe5: {  	[tilespmem:s19], [sflag:$0x1] =	stream.indirect.gather [hbm4b:s3+s11], $0x20, s17, s11, $0xb8;
	[tilespmem:$0x19E00] =	vst v63  }
0xe6: {  	s20 =	simm.s32 $0x620;
	s21 =	simm.s32 $0xBD00  }
0xe7: {  	[tilespmem:s21], [sflag:$0x1] =	stream.indirect.gather [hbm4b:s3+s11], $0x20, s20, s11, $0xb8;
	[tilespmem:$0x19E00] =	vst v63  }
0xe8: {  	s22 =	simm.s32 $0x658;
	s25 =	simm.s32 $0xC340  }
0xe9: {  	[tilespmem:s25], [sflag:$0x1] =	stream.indirect.gather [hbm4b:s3+s11], $0x20, s22, s11, $0xb8;
	[tilespmem:$0x19E00] =	vst v63  }
0xea: {  	s26 =	simm.s32 $0x690;
	s30 =	simm.s32 $0xC980  }
0xeb: {  	[tilespmem:s30], [sflag:$0x1] =	stream.indirect.gather [hbm4b:s3+s11], $0x20, s26, s11, $0xb8;
	[tilespmem:$0x19E00] =	vst v63  }
0xec: {  	s4 =	simm.s32 $0x6C8;
	s5 =	simm.s32 $0xCFC0  }
0xed: {  	[tilespmem:s5], [sflag:$0x1] =	stream.indirect.gather [hbm4b:s3+s11], $0x20, s4, s11, $0xb8;
	[tilespmem:$0x19E00] =	vst v63  }
0xee: {  	_ =	swait.ge [sflag:s15], $0xC800  }
0xef: {  	[sflag:s15] =	ssyncset.done $0x0  }
0xf0: {  	[sflag:s15] =	ssyncadd.s32 $0xFFFF3800  }
0xf1: {  	[hbm4b:s18+s2] =	stream.linear.scatter [tilespmem:s24], [sflag:$0x4], $0xC800, $0x38;
	[tilespmem:$0x19E00] =	vst v63  }
0xf2: {  	_ =	swait.ge [sflag:s16], $0xC800  }
0xf3: {  	s6 =	rddreg [dreg:$0x3];
	[sflag:s16] =	ssyncset.done $0x0  }
0xf4: {  	[sflag:s16] =	ssyncadd.s32 $0xFFFF3800;
	s17 =	sadd.s32 $0x0, s6  }
0xf5: {  	[tilespmem:s23], [sflag:$0x5] =	stream.linear.gather [hbm4b:s17+s2], $0x700, $0x38;
	[tilespmem:$0x19E00] =	vst v63  }
0xf6: {  	_ =	swait.ge [sflag:s10], $0x700  }
0xf7: {  	[sflag:s10] =	ssyncset.done $0x0  }
0xf8: {  	[sflag:s10] =	ssyncadd.s32 $0xFFFFF900  }
0xf9: {  	[tilespmem:s24], [sflag:$0x2] =	stream.indirect.gather [hbm4b:s3+s11], $0x20, s23, s11, $0xb8;
	[tilespmem:$0x19E00] =	vst v63  }
0xfa: {  	s7 =	simm.s32 $0xDC40;
	s8 =	simm.s32 $0x738  }
0xfb: {  	[tilespmem:s7], [sflag:$0x2] =	stream.indirect.gather [hbm4b:s3+s11], $0x20, s8, s11, $0xb8;
	[tilespmem:$0x19E00] =	vst v63  }
0xfc: {  	s9 =	simm.s32 $0xE280;
	s12 =	simm.s32 $0x770  }
0xfd: {  	[tilespmem:s9], [sflag:$0x2] =	stream.indirect.gather [hbm4b:s3+s11], $0x20, s12, s11, $0xb8;
	[tilespmem:$0x19E00] =	vst v63  }
0xfe: {  	s19 =	simm.s32 $0x7A8;
	s17 =	simm.s32 $0xE8C0  }
0xff: {  	[tilespmem:s17], [sflag:$0x2] =	stream.indirect.gather [hbm4b:s3+s11], $0x20, s19, s11, $0xb8;
	[tilespmem:$0x19E00] =	vst v63  }
0x100: {  	s20 =	simm.s32 $0xEF00;
	s21 =	simm.s32 $0x7E0  }
0x101: {  	[tilespmem:s20], [sflag:$0x2] =	stream.indirect.gather [hbm4b:s3+s11], $0x20, s21, s11, $0xb8;
	[tilespmem:$0x19E00] =	vst v63  }
0x102: {  	s22 =	simm.s32 $0xF540;
	s25 =	simm.s32 $0x818  }
0x103: {  	[tilespmem:s22], [sflag:$0x2] =	stream.indirect.gather [hbm4b:s3+s11], $0x20, s25, s11, $0xb8;
	[tilespmem:$0x19E00] =	vst v63  }
0x104: {  	s26 =	simm.s32 $0xFB80;
	s30 =	simm.s32 $0x850  }
0x105: {  	[tilespmem:s26], [sflag:$0x2] =	stream.indirect.gather [hbm4b:s3+s11], $0x20, s30, s11, $0xb8;
	[tilespmem:$0x19E00] =	vst v63  }
0x106: {  	s1 =	simm.s32 $0x101C0;
	s4 =	simm.s32 $0x888  }
0x107: {  	[tilespmem:s1], [sflag:$0x2] =	stream.indirect.gather [hbm4b:s3+s11], $0x20, s4, s11, $0xb8;
	[tilespmem:$0x19E00] =	vst v63  }
0x108: {  	s5 =	simm.s32 $0x10800;
	s6 =	simm.s32 $0x8C0  }
0x109: {  	[tilespmem:s5], [sflag:$0x2] =	stream.indirect.gather [hbm4b:s3+s11], $0x20, s6, s11, $0xb8;
	[tilespmem:$0x19E00] =	vst v63  }
0x10a: {  	s7 =	simm.s32 $0x10E40;
	s8 =	simm.s32 $0x8F8  }
0x10b: {  	[tilespmem:s7], [sflag:$0x2] =	stream.indirect.gather [hbm4b:s3+s11], $0x20, s8, s11, $0xb8;
	[tilespmem:$0x19E00] =	vst v63  }
0x10c: {  	s9 =	simm.s32 $0x11480;
	s12 =	simm.s32 $0x930  }
0x10d: {  	[tilespmem:s9], [sflag:$0x2] =	stream.indirect.gather [hbm4b:s3+s11], $0x20, s12, s11, $0xb8;
	[tilespmem:$0x19E00] =	vst v63  }
0x10e: {  	s17 =	simm.s32 $0x11AC0;
	s19 =	simm.s32 $0x968  }
0x10f: {  	[tilespmem:s17], [sflag:$0x2] =	stream.indirect.gather [hbm4b:s3+s11], $0x20, s19, s11, $0xb8;
	[tilespmem:$0x19E00] =	vst v63  }
0x110: {  	s20 =	simm.s32 $0x12100;
	s21 =	simm.s32 $0x9A0  }
0x111: {  	[tilespmem:s20], [sflag:$0x2] =	stream.indirect.gather [hbm4b:s3+s11], $0x20, s21, s11, $0xb8;
	[tilespmem:$0x19E00] =	vst v63  }
0x112: {  	s22 =	simm.s32 $0x12740;
	s25 =	simm.s32 $0x9D8  }
0x113: {  	[tilespmem:s22], [sflag:$0x2] =	stream.indirect.gather [hbm4b:s3+s11], $0x20, s25, s11, $0xb8;
	[tilespmem:$0x19E00] =	vst v63  }
0x114: {  	s26 =	simm.s32 $0x12D80;
	s30 =	simm.s32 $0xA10  }
0x115: {  	[tilespmem:s26], [sflag:$0x2] =	stream.indirect.gather [hbm4b:s3+s11], $0x20, s30, s11, $0xb8;
	[tilespmem:$0x19E00] =	vst v63  }
0x116: {  	s1 =	simm.s32 $0x133C0;
	s4 =	simm.s32 $0xA48  }
0x117: {  	[tilespmem:s1], [sflag:$0x2] =	stream.indirect.gather [hbm4b:s3+s11], $0x20, s4, s11, $0xb8;
	[tilespmem:$0x19E00] =	vst v63  }
0x118: {  	s5 =	simm.s32 $0x13A00;
	s6 =	simm.s32 $0xA80  }
0x119: {  	[tilespmem:s5], [sflag:$0x2] =	stream.indirect.gather [hbm4b:s3+s11], $0x20, s6, s11, $0xb8;
	[tilespmem:$0x19E00] =	vst v63  }
0x11a: {  	s0 =	simm.s32 $0x4640;
	s7 =	simm.s32 $0x14040;
	s8 =	simm.s32 $0xAB8  }
0x11b: {  	[tilespmem:s7], [sflag:$0x2] =	stream.indirect.gather [hbm4b:s3+s11], $0x20, s8, s11, $0xb8;
	[tilespmem:$0x19E00] =	vst v63  }
0x11c: {  	s28 =	simm.s32 $0xA8;
	s9 =	simm.s32 $0x14680;
	s12 =	simm.s32 $0xAF0  }
0x11d: {  	[tilespmem:s9], [sflag:$0x2] =	stream.indirect.gather [hbm4b:s3+s11], $0x20, s12, s11, $0xb8;
	[tilespmem:$0x19E00] =	vst v63  }
0x11e: {  	s29 =	simm.s32 $0x20C0;
	s17 =	simm.s32 $0x14CC0;
	s19 =	simm.s32 $0xB28  }
0x11f: {  	[tilespmem:s17], [sflag:$0x2] =	stream.indirect.gather [hbm4b:s3+s11], $0x20, s19, s11, $0xb8;
	[tilespmem:$0x19E00] =	vst v63  }
0x120: {  	s31 =	simm.s32 $0x2700;
	s20 =	simm.s32 $0x15300;
	s21 =	simm.s32 $0xB60  }
0x121: {  	[tilespmem:s20], [sflag:$0x2] =	stream.indirect.gather [hbm4b:s3+s11], $0x20, s21, s11, $0xb8;
	[tilespmem:$0x19E00] =	vst v63  }
0x122: {  	s18 =	sadd.s32 $0x3200, s18;
	s22 =	simm.s32 $0x15940;
	s25 =	simm.s32 $0xB98  }
0x123: {  	[tilespmem:s22], [sflag:$0x2] =	stream.indirect.gather [hbm4b:s3+s11], $0x20, s25, s11, $0xb8;
	[tilespmem:$0x19E00] =	vst v63  }
0x124: {  	s26 =	simm.s32 $0x15F80;
	s30 =	simm.s32 $0xBD0;
	s1 =	simm.s32 $0x165C0  }
0x125: {  	[tilespmem:s26], [sflag:$0x2] =	stream.indirect.gather [hbm4b:s3+s11], $0x20, s30, s11, $0xb8;
	[tilespmem:$0x19E00] =	vst v63  }
0x126: {  	s4 =	simm.s32 $0xC08;
	s5 =	simm.s32 $0x16C00;
	s6 =	simm.s32 $0xC40  }
0x127: {  	[tilespmem:s1], [sflag:$0x2] =	stream.indirect.gather [hbm4b:s3+s11], $0x20, s4, s11, $0xb8;
	[tilespmem:$0x19E00] =	vst v63  }
0x128: {  	s7 =	simm.s32 $0x17240;
	s8 =	simm.s32 $0xC78;
	s9 =	simm.s32 $0x17880  }
0x129: {  	[tilespmem:s5], [sflag:$0x2] =	stream.indirect.gather [hbm4b:s3+s11], $0x20, s6, s11, $0xb8;
	[tilespmem:$0x19E00] =	vst v63  }
0x12a: {  	s12 =	simm.s32 $0xCB0;
	s17 =	simm.s32 $0x17EC0;
	s19 =	simm.s32 $0xCE8  }
0x12b: {  	[tilespmem:s7], [sflag:$0x2] =	stream.indirect.gather [hbm4b:s3+s11], $0x20, s8, s11, $0xb8;
	[tilespmem:$0x19E00] =	vst v63  }
0x12c: {  	s20 =	simm.s32 $0x18500;
	s21 =	simm.s32 $0xD20;
	s22 =	simm.s32 $0x18B40  }
0x12d: {  	[tilespmem:s9], [sflag:$0x2] =	stream.indirect.gather [hbm4b:s3+s11], $0x20, s12, s11, $0xb8;
	[tilespmem:$0x19E00] =	vst v63  }
0x12e: {  	s25 =	simm.s32 $0xD58;
	s26 =	simm.s32 $0x19180;
	s30 =	simm.s32 $0xD90  }
0x12f: {  	[tilespmem:s17], [sflag:$0x2] =	stream.indirect.gather [hbm4b:s3+s11], $0x20, s19, s11, $0xb8;
	[tilespmem:$0x19E00] =	vst v63  }
0x130: {  	s1 =	simm.s32 $0x2D40;
	s4 =	simm.s32 $0x1C0;
	s5 =	simm.s32 $0x150  }
0x131: {  	[tilespmem:s20], [sflag:$0x2] =	stream.indirect.gather [hbm4b:s3+s11], $0x20, s21, s11, $0xb8;
	[tilespmem:$0x19E00] =	vst v63  }
0x132: {  	s6 =	simm.s32 $0x3380;
	s7 =	simm.s32 $0x188;
	s8 =	simm.s32 $0x39C0  }
0x133: {  	[tilespmem:s22], [sflag:$0x2] =	stream.indirect.gather [hbm4b:s3+s11], $0x20, s25, s11, $0xb8;
	[tilespmem:$0x19E00] =	vst v63  }
0x134: {  	s9 =	simm.s32 $0x4000;
	s12 =	simm.s32 $0x1F8;
	s17 =	simm.s32 $0x1C0  }
0x135: {  	[tilespmem:s26], [sflag:$0x2] =	stream.indirect.gather [hbm4b:s3+s11], $0x20, s30, s11, $0xb8;
	[tilespmem:$0x19E00] =	vst v63  }
0x136: {  	s21 =	simm.s32 $0x38;
	s22 =	simm.s32 $0x1440;
	s26 =	simm.s32 $0x1A80  }
.LBB2_2:
0x137: {  	s19 =	simm.s32 $0xDC8;
	s20 =	simm.s32 $0x197C0  }
0x138: {  	[tilespmem:s20], [sflag:$0x2] =	stream.indirect.gather [hbm4b:s3+s11], $0x20, s19, s11, $0xb8;
	[tilespmem:$0x19E00] =	vst v63  }
0x139: {  	_ =	swait.ge [sflag:s13], $0xC800  }
0x13a: {  	[sflag:s13] =	ssyncset.done $0x0  }
0x13b: {  	s25 =	sadd.s32 $0xFFFFE700, s18;
	s30 =	simm.s32 $0xE00;
	[sflag:s13] =	ssyncadd.s32 $0xFFFF3800  }
0x13c: {  	[hbm4b:s25+s2] =	stream.linear.scatter [tilespmem:s30], [sflag:$0x3], $0xC800, $0x38;
	[tilespmem:$0x19E00] =	vst v63  }
0x13d: {  	_ =	swait.ge [sflag:s14], $0xC800  }
0x13e: {  	s19 =	smov.u32 s17;
	s25 =	rddreg [dreg:$0x4];
	[sflag:s14] =	ssyncset.done $0x0  }
0x13f: {  	[sflag:s14] =	ssyncadd.s32 $0xFFFF3800;
	s20 =	sadd.s32 s19, s25  }
0x140: {  	[tilespmem:s2], [sflag:$0x5] =	stream.linear.gather [hbm4b:s20+s2], $0x700, $0x38;
	[tilespmem:$0x19E00] =	vst v63  }
0x141: {  	_ =	swait.ge [sflag:s10], $0x700  }
0x142: {  	[sflag:s10] =	ssyncset.done $0x0  }
0x143: {  	[sflag:s10] =	ssyncadd.s32 $0xFFFFF900  }
0x144: {  	[tilespmem:s30], [sflag:$0x1] =	stream.indirect.gather [hbm4b:s3+s11], $0x20, s2, s11, $0xb8;
	[tilespmem:$0x19E00] =	vst v63  }
0x145: {  	_ = 	snop  }
0x146: {  	[tilespmem:s22], [sflag:$0x1] =	stream.indirect.gather [hbm4b:s3+s11], $0x20, s21, s11, $0xb8;
	[tilespmem:$0x19E00] =	vst v63  }
0x147: {  	s30 =	simm.s32 $0x70  }
0x148: {  	[tilespmem:s26], [sflag:$0x1] =	stream.indirect.gather [hbm4b:s3+s11], $0x20, s30, s11, $0xb8;
	[tilespmem:$0x19E00] =	vst v63  }
0x149: {  	_ = 	snop  }
0x14a: {  	[tilespmem:s29], [sflag:$0x1] =	stream.indirect.gather [hbm4b:s3+s11], $0x20, s28, s11, $0xb8;
	[tilespmem:$0x19E00] =	vst v63  }
0x14b: {  	s30 =	simm.s32 $0xE0  }
0x14c: {  	[tilespmem:s31], [sflag:$0x1] =	stream.indirect.gather [hbm4b:s3+s11], $0x20, s30, s11, $0xb8;
	[tilespmem:$0x19E00] =	vst v63  }
0x14d: {  	s30 =	simm.s32 $0x118  }
0x14e: {  	[tilespmem:s1], [sflag:$0x1] =	stream.indirect.gather [hbm4b:s3+s11], $0x20, s30, s11, $0xb8;
	[tilespmem:$0x19E00] =	vst v63  }
0x14f: {  	_ = 	snop  }
0x150: {  	[tilespmem:s6], [sflag:$0x1] =	stream.indirect.gather [hbm4b:s3+s11], $0x20, s5, s11, $0xb8;
	[tilespmem:$0x19E00] =	vst v63  }
0x151: {  	_ = 	snop  }
0x152: {  	[tilespmem:s8], [sflag:$0x1] =	stream.indirect.gather [hbm4b:s3+s11], $0x20, s7, s11, $0xb8;
	[tilespmem:$0x19E00] =	vst v63  }
0x153: {  	_ = 	snop  }
0x154: {  	[tilespmem:s9], [sflag:$0x1] =	stream.indirect.gather [hbm4b:s3+s11], $0x20, s4, s11, $0xb8;
	[tilespmem:$0x19E00] =	vst v63  }
0x155: {  	_ = 	snop  }
0x156: {  	[tilespmem:s0], [sflag:$0x1] =	stream.indirect.gather [hbm4b:s3+s11], $0x20, s12, s11, $0xb8;
	[tilespmem:$0x19E00] =	vst v63  }
0x157: {  	s20 =	simm.s32 $0x4C80;
	s30 =	simm.s32 $0x230  }
0x158: {  	[tilespmem:s20], [sflag:$0x1] =	stream.indirect.gather [hbm4b:s3+s11], $0x20, s30, s11, $0xb8;
	[tilespmem:$0x19E00] =	vst v63  }
0x159: {  	s20 =	simm.s32 $0x268;
	s30 =	simm.s32 $0x52C0  }
0x15a: {  	[tilespmem:s30], [sflag:$0x1] =	stream.indirect.gather [hbm4b:s3+s11], $0x20, s20, s11, $0xb8;
	[tilespmem:$0x19E00] =	vst v63  }
0x15b: {  	s20 =	simm.s32 $0x2A0;
	s30 =	simm.s32 $0x5900  }
0x15c: {  	[tilespmem:s30], [sflag:$0x1] =	stream.indirect.gather [hbm4b:s3+s11], $0x20, s20, s11, $0xb8;
	[tilespmem:$0x19E00] =	vst v63  }
0x15d: {  	s20 =	simm.s32 $0x2D8;
	s30 =	simm.s32 $0x5F40  }
0x15e: {  	[tilespmem:s30], [sflag:$0x1] =	stream.indirect.gather [hbm4b:s3+s11], $0x20, s20, s11, $0xb8;
	[tilespmem:$0x19E00] =	vst v63  }
0x15f: {  	s20 =	simm.s32 $0x310;
	s30 =	simm.s32 $0x6580  }
0x160: {  	[tilespmem:s30], [sflag:$0x1] =	stream.indirect.gather [hbm4b:s3+s11], $0x20, s20, s11, $0xb8;
	[tilespmem:$0x19E00] =	vst v63  }
0x161: {  	s20 =	simm.s32 $0x348;
	s30 =	simm.s32 $0x6BC0  }
0x162: {  	[tilespmem:s30], [sflag:$0x1] =	stream.indirect.gather [hbm4b:s3+s11], $0x20, s20, s11, $0xb8;
	[tilespmem:$0x19E00] =	vst v63  }
0x163: {  	s20 =	simm.s32 $0x380;
	s30 =	simm.s32 $0x7200  }
0x164: {  	[tilespmem:s30], [sflag:$0x1] =	stream.indirect.gather [hbm4b:s3+s11], $0x20, s20, s11, $0xb8;
	[tilespmem:$0x19E00] =	vst v63  }
0x165: {  	s20 =	simm.s32 $0x3B8;
	s30 =	simm.s32 $0x7840  }
0x166: {  	[tilespmem:s30], [sflag:$0x1] =	stream.indirect.gather [hbm4b:s3+s11], $0x20, s20, s11, $0xb8;
	[tilespmem:$0x19E00] =	vst v63  }
0x167: {  	s20 =	simm.s32 $0x3F0;
	s30 =	simm.s32 $0x7E80  }
0x168: {  	[tilespmem:s30], [sflag:$0x1] =	stream.indirect.gather [hbm4b:s3+s11], $0x20, s20, s11, $0xb8;
	[tilespmem:$0x19E00] =	vst v63  }
0x169: {  	s20 =	simm.s32 $0x428;
	s30 =	simm.s32 $0x84C0  }
0x16a: {  	[tilespmem:s30], [sflag:$0x1] =	stream.indirect.gather [hbm4b:s3+s11], $0x20, s20, s11, $0xb8;
	[tilespmem:$0x19E00] =	vst v63  }
0x16b: {  	s20 =	simm.s32 $0x460;
	s30 =	simm.s32 $0x8B00  }
0x16c: {  	[tilespmem:s30], [sflag:$0x1] =	stream.indirect.gather [hbm4b:s3+s11], $0x20, s20, s11, $0xb8;
	[tilespmem:$0x19E00] =	vst v63  }
0x16d: {  	s20 =	simm.s32 $0x498;
	s30 =	simm.s32 $0x9140  }
0x16e: {  	[tilespmem:s30], [sflag:$0x1] =	stream.indirect.gather [hbm4b:s3+s11], $0x20, s20, s11, $0xb8;
	[tilespmem:$0x19E00] =	vst v63  }
0x16f: {  	s20 =	simm.s32 $0x4D0;
	s30 =	simm.s32 $0x9780  }
0x170: {  	[tilespmem:s30], [sflag:$0x1] =	stream.indirect.gather [hbm4b:s3+s11], $0x20, s20, s11, $0xb8;
	[tilespmem:$0x19E00] =	vst v63  }
0x171: {  	s20 =	simm.s32 $0x508;
	s30 =	simm.s32 $0x9DC0  }
0x172: {  	[tilespmem:s30], [sflag:$0x1] =	stream.indirect.gather [hbm4b:s3+s11], $0x20, s20, s11, $0xb8;
	[tilespmem:$0x19E00] =	vst v63  }
0x173: {  	s20 =	simm.s32 $0x540;
	s30 =	simm.s32 $0xA400  }
0x174: {  	[tilespmem:s30], [sflag:$0x1] =	stream.indirect.gather [hbm4b:s3+s11], $0x20, s20, s11, $0xb8;
	[tilespmem:$0x19E00] =	vst v63  }
0x175: {  	s20 =	simm.s32 $0x578;
	s30 =	simm.s32 $0xAA40  }
0x176: {  	[tilespmem:s30], [sflag:$0x1] =	stream.indirect.gather [hbm4b:s3+s11], $0x20, s20, s11, $0xb8;
	[tilespmem:$0x19E00] =	vst v63  }
0x177: {  	s20 =	simm.s32 $0x5B0;
	s30 =	simm.s32 $0xB080  }
0x178: {  	[tilespmem:s30], [sflag:$0x1] =	stream.indirect.gather [hbm4b:s3+s11], $0x20, s20, s11, $0xb8;
	[tilespmem:$0x19E00] =	vst v63  }
0x179: {  	s20 =	simm.s32 $0x5E8;
	s30 =	simm.s32 $0xB6C0  }
0x17a: {  	[tilespmem:s30], [sflag:$0x1] =	stream.indirect.gather [hbm4b:s3+s11], $0x20, s20, s11, $0xb8;
	[tilespmem:$0x19E00] =	vst v63  }
0x17b: {  	s20 =	simm.s32 $0x620;
	s30 =	simm.s32 $0xBD00  }
0x17c: {  	[tilespmem:s30], [sflag:$0x1] =	stream.indirect.gather [hbm4b:s3+s11], $0x20, s20, s11, $0xb8;
	[tilespmem:$0x19E00] =	vst v63  }
0x17d: {  	s20 =	simm.s32 $0x658;
	s30 =	simm.s32 $0xC340  }
0x17e: {  	[tilespmem:s30], [sflag:$0x1] =	stream.indirect.gather [hbm4b:s3+s11], $0x20, s20, s11, $0xb8;
	[tilespmem:$0x19E00] =	vst v63  }
0x17f: {  	s20 =	simm.s32 $0x690;
	s30 =	simm.s32 $0xC980  }
0x180: {  	[tilespmem:s30], [sflag:$0x1] =	stream.indirect.gather [hbm4b:s3+s11], $0x20, s20, s11, $0xb8;
	[tilespmem:$0x19E00] =	vst v63  }
0x181: {  	s20 =	simm.s32 $0x6C8;
	s30 =	simm.s32 $0xCFC0  }
0x182: {  	[tilespmem:s30], [sflag:$0x1] =	stream.indirect.gather [hbm4b:s3+s11], $0x20, s20, s11, $0xb8;
	[tilespmem:$0x19E00] =	vst v63  }
0x183: {  	_ =	swait.ge [sflag:s15], $0xC800  }
0x184: {  	[sflag:s15] =	ssyncset.done $0x0  }
0x185: {  	[sflag:s15] =	ssyncadd.s32 $0xFFFF3800  }
0x186: {  	[hbm4b:s18+s2] =	stream.linear.scatter [tilespmem:s24], [sflag:$0x4], $0xC800, $0x38;
	[tilespmem:$0x19E00] =	vst v63  }
0x187: {  	_ =	swait.ge [sflag:s16], $0xC800  }
0x188: {  	s30 =	rddreg [dreg:$0x3];
	[sflag:s16] =	ssyncset.done $0x0  }
0x189: {  	[sflag:s16] =	ssyncadd.s32 $0xFFFF3800;
	s19 =	sadd.s32 s19, s30  }
0x18a: {  	[tilespmem:s23], [sflag:$0x5] =	stream.linear.gather [hbm4b:s19+s2], $0x700, $0x38;
	[tilespmem:$0x19E00] =	vst v63  }
0x18b: {  	_ =	swait.ge [sflag:s10], $0x700  }
0x18c: {  	[sflag:s10] =	ssyncset.done $0x0  }
0x18d: {  	[sflag:s10] =	ssyncadd.s32 $0xFFFFF900  }
0x18e: {  	[tilespmem:s24], [sflag:$0x2] =	stream.indirect.gather [hbm4b:s3+s11], $0x20, s23, s11, $0xb8;
	[tilespmem:$0x19E00] =	vst v63  }
0x18f: {  	s20 =	simm.s32 $0x738;
	s30 =	simm.s32 $0xDC40  }
0x190: {  	[tilespmem:s30], [sflag:$0x2] =	stream.indirect.gather [hbm4b:s3+s11], $0x20, s20, s11, $0xb8;
	[tilespmem:$0x19E00] =	vst v63  }
0x191: {  	s20 =	simm.s32 $0x770;
	s30 =	simm.s32 $0xE280  }
0x192: {  	[tilespmem:s30], [sflag:$0x2] =	stream.indirect.gather [hbm4b:s3+s11], $0x20, s20, s11, $0xb8;
	[tilespmem:$0x19E00] =	vst v63  }
0x193: {  	s20 =	simm.s32 $0x7A8;
	s30 =	simm.s32 $0xE8C0  }
0x194: {  	[tilespmem:s30], [sflag:$0x2] =	stream.indirect.gather [hbm4b:s3+s11], $0x20, s20, s11, $0xb8;
	[tilespmem:$0x19E00] =	vst v63  }
0x195: {  	s20 =	simm.s32 $0x7E0;
	s30 =	simm.s32 $0xEF00  }
0x196: {  	[tilespmem:s30], [sflag:$0x2] =	stream.indirect.gather [hbm4b:s3+s11], $0x20, s20, s11, $0xb8;
	[tilespmem:$0x19E00] =	vst v63  }
0x197: {  	s20 =	simm.s32 $0x818;
	s30 =	simm.s32 $0xF540  }
0x198: {  	[tilespmem:s30], [sflag:$0x2] =	stream.indirect.gather [hbm4b:s3+s11], $0x20, s20, s11, $0xb8;
	[tilespmem:$0x19E00] =	vst v63  }
0x199: {  	s20 =	simm.s32 $0x850;
	s30 =	simm.s32 $0xFB80  }
0x19a: {  	[tilespmem:s30], [sflag:$0x2] =	stream.indirect.gather [hbm4b:s3+s11], $0x20, s20, s11, $0xb8;
	[tilespmem:$0x19E00] =	vst v63  }
0x19b: {  	s20 =	simm.s32 $0x888;
	s30 =	simm.s32 $0x101C0  }
0x19c: {  	[tilespmem:s30], [sflag:$0x2] =	stream.indirect.gather [hbm4b:s3+s11], $0x20, s20, s11, $0xb8;
	[tilespmem:$0x19E00] =	vst v63  }
0x19d: {  	s20 =	simm.s32 $0x8C0;
	s30 =	simm.s32 $0x10800  }
0x19e: {  	[tilespmem:s30], [sflag:$0x2] =	stream.indirect.gather [hbm4b:s3+s11], $0x20, s20, s11, $0xb8;
	[tilespmem:$0x19E00] =	vst v63  }
0x19f: {  	s20 =	simm.s32 $0x8F8;
	s30 =	simm.s32 $0x10E40  }
0x1a0: {  	[tilespmem:s30], [sflag:$0x2] =	stream.indirect.gather [hbm4b:s3+s11], $0x20, s20, s11, $0xb8;
	[tilespmem:$0x19E00] =	vst v63  }
0x1a1: {  	s20 =	simm.s32 $0x930;
	s30 =	simm.s32 $0x11480  }
0x1a2: {  	[tilespmem:s30], [sflag:$0x2] =	stream.indirect.gather [hbm4b:s3+s11], $0x20, s20, s11, $0xb8;
	[tilespmem:$0x19E00] =	vst v63  }
0x1a3: {  	s20 =	simm.s32 $0x968;
	s30 =	simm.s32 $0x11AC0  }
0x1a4: {  	[tilespmem:s30], [sflag:$0x2] =	stream.indirect.gather [hbm4b:s3+s11], $0x20, s20, s11, $0xb8;
	[tilespmem:$0x19E00] =	vst v63  }
0x1a5: {  	s20 =	simm.s32 $0x9A0;
	s30 =	simm.s32 $0x12100  }
0x1a6: {  	[tilespmem:s30], [sflag:$0x2] =	stream.indirect.gather [hbm4b:s3+s11], $0x20, s20, s11, $0xb8;
	[tilespmem:$0x19E00] =	vst v63  }
0x1a7: {  	s20 =	simm.s32 $0x9D8;
	s30 =	simm.s32 $0x12740  }
0x1a8: {  	[tilespmem:s30], [sflag:$0x2] =	stream.indirect.gather [hbm4b:s3+s11], $0x20, s20, s11, $0xb8;
	[tilespmem:$0x19E00] =	vst v63  }
0x1a9: {  	s20 =	simm.s32 $0xA10;
	s30 =	simm.s32 $0x12D80  }
0x1aa: {  	[tilespmem:s30], [sflag:$0x2] =	stream.indirect.gather [hbm4b:s3+s11], $0x20, s20, s11, $0xb8;
	[tilespmem:$0x19E00] =	vst v63  }
0x1ab: {  	s20 =	simm.s32 $0xA48;
	s30 =	simm.s32 $0x133C0  }
0x1ac: {  	[tilespmem:s30], [sflag:$0x2] =	stream.indirect.gather [hbm4b:s3+s11], $0x20, s20, s11, $0xb8;
	[tilespmem:$0x19E00] =	vst v63  }
0x1ad: {  	s20 =	simm.s32 $0xA80;
	s30 =	simm.s32 $0x13A00  }
0x1ae: {  	[tilespmem:s30], [sflag:$0x2] =	stream.indirect.gather [hbm4b:s3+s11], $0x20, s20, s11, $0xb8;
	[tilespmem:$0x19E00] =	vst v63  }
0x1af: {  	s20 =	simm.s32 $0xAB8;
	s30 =	simm.s32 $0x14040  }
0x1b0: {  	[tilespmem:s30], [sflag:$0x2] =	stream.indirect.gather [hbm4b:s3+s11], $0x20, s20, s11, $0xb8;
	[tilespmem:$0x19E00] =	vst v63  }
0x1b1: {  	s20 =	simm.s32 $0xAF0;
	s30 =	simm.s32 $0x14680  }
0x1b2: {  	[tilespmem:s30], [sflag:$0x2] =	stream.indirect.gather [hbm4b:s3+s11], $0x20, s20, s11, $0xb8;
	[tilespmem:$0x19E00] =	vst v63  }
0x1b3: {  	s20 =	simm.s32 $0xB28;
	s30 =	simm.s32 $0x14CC0  }
0x1b4: {  	[tilespmem:s30], [sflag:$0x2] =	stream.indirect.gather [hbm4b:s3+s11], $0x20, s20, s11, $0xb8;
	[tilespmem:$0x19E00] =	vst v63  }
0x1b5: {  	s20 =	simm.s32 $0xB60;
	s30 =	simm.s32 $0x15300  }
0x1b6: {  	[tilespmem:s30], [sflag:$0x2] =	stream.indirect.gather [hbm4b:s3+s11], $0x20, s20, s11, $0xb8;
	[tilespmem:$0x19E00] =	vst v63  }
0x1b7: {  	s20 =	simm.s32 $0xB98;
	s30 =	simm.s32 $0x15940  }
0x1b8: {  	[tilespmem:s30], [sflag:$0x2] =	stream.indirect.gather [hbm4b:s3+s11], $0x20, s20, s11, $0xb8;
	[tilespmem:$0x19E00] =	vst v63  }
0x1b9: {  	s20 =	simm.s32 $0xBD0;
	s30 =	simm.s32 $0x15F80  }
0x1ba: {  	[tilespmem:s30], [sflag:$0x2] =	stream.indirect.gather [hbm4b:s3+s11], $0x20, s20, s11, $0xb8;
	[tilespmem:$0x19E00] =	vst v63  }
0x1bb: {  	s20 =	simm.s32 $0xC08;
	s30 =	simm.s32 $0x165C0  }
0x1bc: {  	[tilespmem:s30], [sflag:$0x2] =	stream.indirect.gather [hbm4b:s3+s11], $0x20, s20, s11, $0xb8;
	[tilespmem:$0x19E00] =	vst v63  }
0x1bd: {  	s20 =	simm.s32 $0xC40;
	s30 =	simm.s32 $0x16C00  }
0x1be: {  	[tilespmem:s30], [sflag:$0x2] =	stream.indirect.gather [hbm4b:s3+s11], $0x20, s20, s11, $0xb8;
	[tilespmem:$0x19E00] =	vst v63  }
0x1bf: {  	s20 =	simm.s32 $0xC78;
	s30 =	simm.s32 $0x17240  }
0x1c0: {  	[tilespmem:s30], [sflag:$0x2] =	stream.indirect.gather [hbm4b:s3+s11], $0x20, s20, s11, $0xb8;
	[tilespmem:$0x19E00] =	vst v63  }
0x1c1: {  	s20 =	simm.s32 $0xCB0;
	s30 =	simm.s32 $0x17880  }
0x1c2: {  	[tilespmem:s30], [sflag:$0x2] =	stream.indirect.gather [hbm4b:s3+s11], $0x20, s20, s11, $0xb8;
	[tilespmem:$0x19E00] =	vst v63  }
0x1c3: {  	s20 =	simm.s32 $0xCE8;
	s30 =	simm.s32 $0x17EC0  }
0x1c4: {  	[tilespmem:s30], [sflag:$0x2] =	stream.indirect.gather [hbm4b:s3+s11], $0x20, s20, s11, $0xb8;
	[tilespmem:$0x19E00] =	vst v63  }
0x1c5: {  	p0 =	sne.s32 s17, $0xA80;
	s20 =	simm.s32 $0xD20;
	s30 =	simm.s32 $0x18500  }
0x1c6: {  	[tilespmem:s30], [sflag:$0x2] =	stream.indirect.gather [hbm4b:s3+s11], $0x20, s20, s11, $0xb8;
	[tilespmem:$0x19E00] =	vst v63  }
.Ltmp0:
0x1c7: {  	s17 =	sadd.s32 $0x1C0, s17;
	(pc) =	sbr.rel @p0 .LBB2_2-.Ltmp0, $4  }
0x1c8: {  	s25 =	simm.s32 $0xE00;
	s20 =	simm.s32 $0xD58;
	s30 =	simm.s32 $0x18B40  }
0x1c9: {  	[tilespmem:s30], [sflag:$0x2] =	stream.indirect.gather [hbm4b:s3+s11], $0x20, s20, s11, $0xb8;
	[tilespmem:$0x19E00] =	vst v63  }
0x1ca: {  	s18 =	sadd.s32 $0x3200, s18;
	s20 =	simm.s32 $0xD90;
	s30 =	simm.s32 $0x19180  }
0x1cb: {  	[tilespmem:s30], [sflag:$0x2] =	stream.indirect.gather [hbm4b:s3+s11], $0x20, s20, s11, $0xb8;
	[tilespmem:$0x19E00] =	vst v63  }
0x1cc: {  	s0 =	simm.s32 $0xDC8;
	s1 =	simm.s32 $0x197C0  }
0x1cd: {  	[tilespmem:s1], [sflag:$0x2] =	stream.indirect.gather [hbm4b:s3+s11], $0x20, s0, s11, $0xb8;
	[tilespmem:$0x19E00] =	vst v63  }
0x1ce: {  	_ =	swait.ge [sflag:s13], $0xC800  }
0x1cf: {  	[sflag:s13] =	ssyncset.done $0x0  }
0x1d0: {  	s17 =	rddreg [dreg:$0x7];
	[sflag:s13] =	ssyncadd.s32 $0xFFFF3800  }
0x1d1: {  	[hbm4b:s17+s2] =	stream.linear.scatter [tilespmem:s25], [sflag:$0x3], $0xC800, $0x38;
	[tilespmem:$0x19E00] =	vst v63  }
0x1d2: {  	_ =	swait.ge [sflag:s14], $0xC800  }
0x1d3: {  	[sflag:s14] =	ssyncset.done $0x0  }
0x1d4: {  	[sflag:s14] =	ssyncadd.s32 $0xFFFF3800  }
0x1d5: {  	_ =	swait.ge [sflag:s15], $0xC800  }
0x1d6: {  	[sflag:s15] =	ssyncset.done $0x0  }
0x1d7: {  	s25 =	rddreg [dreg:$0x8];
	[sflag:s15] =	ssyncadd.s32 $0xFFFF3800  }
0x1d8: {  	[hbm4b:s25+s2] =	stream.linear.scatter [tilespmem:s24], [sflag:$0x4], $0xC800, $0x38;
	[tilespmem:$0x19E00] =	vst v63  }
0x1d9: {  	s19 =	simm.s32 $0x38;
	s20 =	simm.s32 $0x1440;
	_ =	swait.ge [sflag:s16], $0xC800  }
0x1da: {  	s21 =	simm.s32 $0x70;
	s22 =	simm.s32 $0x1A80;
	s30 =	rddreg [dreg:$0xb]  }
0x1db: {  	s28 =	simm.s32 $0xE0;
	s26 =	rddreg [dreg:$0x9];
	s30 =	sadd.s32 $0x1, s30  }
0x1dc: {  	s29 =	simm.s32 $0x2700;
	s5 =	simm.s32 $0x150;
	p0 =	sne.s32 s30, s26  }
.Ltmp1:
0x1dd: {  	s6 =	simm.s32 $0x3380;
	s7 =	simm.s32 $0x188;
	(pc) =	sbr.rel @p0 .LBB2_1-.Ltmp1, $4  }
0x1de: {  	s8 =	simm.s32 $0x39C0;
	s4 =	simm.s32 $0x1C0;
	s9 =	simm.s32 $0x4000  }
0x1df: {  	s12 =	simm.s32 $0x1F8;
	s31 =	simm.s32 $0x4640;
	s18 =	simm.s32 $0x230  }
0x1e0: {  	s0 =	simm.s32 $0x118;
	s1 =	simm.s32 $0x2D40;
	[sflag:s16] =	ssyncset.done $0x0  }
0x1e1: {  	s25 =	simm.s32 $0xA8;
	[sflag:s16] =	ssyncadd.s32 $0xFFFF3800;
	s26 =	simm.s32 $0x20C0  }
0x1e2: {  	_ =	sfence.sel $0x180000  }
0x1e3: {  	[bflag:$0x0] =	sbarrier.arrive $0xFFFF  }
0x1e4: {  	_ =	strace $0x90000047  }
0x1e5: {  	s0 =	stileid.u32;
	[bflag:$0x2] =	sbarrier.arrive $0xFFFF  }
0x1e6: {  	p0 =	sne.s32 s0, $0x0;
	s0 =	rddreg [dreg:$0x2]  }
0x1e7: {  	s0 =	sadd.s32 @!p0 $0x100000, s0  }
0x1e8: {  	[sflag:s0] =	ssyncadd.tile.s32 @!p0 $0x1;
	_ =	shalt  }
.Lfunc_end2:
_tile_overlayer_lowered:
.L_overlay_start_2:
0x1e9: {  	(tag) =	ssettag $0x2  }
0x1ea: {  	s0 =	rddreg [dreg:$0x0];
	s2 =	stileid.u32  }
0x1eb: {  	s1 =	rddreg [dreg:$0x1];
	p0 =	sne.s32 s2, $0x0  }
0x1ec: {  	s3 =	rddreg [dreg:$0x2];
	[bflag:$0x3] =	sbarrier.arrive $0xFFFF;
	s2 =	simm.s32 @!p0 $0x1C05  }
0x1ed: {  	[timem:s3], [sflag:s2] =	dma.local @!p0 [hbm:s0], s1  }
0x1ee: {  	s0 =	simm.s32 @!p0 $0x5  }
0x1ef: {  	_ =	swait.ge @!p0 [sflag:s0], s1  }
0x1f0: {  	s1 =	ssub.s32 @!p0 $0x0, s1;
	[sflag:s0] =	ssyncset.done @!p0 $0x0  }
0x1f1: {  	[sflag:s0] =	ssyncadd.s32 @!p0 s1  }
0x1f2: {  	[bflag:$0x3] =	sbarrier.arrive $0xFFFF  }
0x1f3: {  	_ =	shalt  }

// kernel: sparse-core-data-format-call.cloned.1.call-start
scs
called_computation_lowered:
.L_overlay_start_0:
0x0: {  	s2 =	sld [smem:$0x3FD9]  }
0x1: {  	s3 =	sld [smem:$0x3FFE];
	_ =	sdelay $0x1  }
0x2: {  	s1 =	srdreg.scid  }
0x3: {  	s0 =	sand.u32 $0x1, s1  }
0x4: {  	s18 =	sshll.u32 s0, $0xA;
	s2 =	sadd.s32 s3, s2  }
0x5: {  	s2 =	sadd.s32 s2, s18  }
0x6: {  	[smem:$0x3FC6] =	sst s2  }
0x7: {  	_ = 	snop  }
0x8: {  	s2 =	sld [smem:$0x3FD0];
	(tm) =	ssettm $0x1  }
0x9: {  	s19 =	sld [smem:$0x3FFB];
	_ =	sdelay $0x3  }
0xa: {  	_ =	strace s19  }
0xb: {  	s3 =	sld [smem:$0x3FFC];
	_ =	sdelay $0x3  }
0xc: {  	_ =	strace s3  }
0xd: {  	s3 =	sld [smem:$0x3FFD];
	_ =	sdelay $0x3  }
0xe: {  	_ =	strace s3  }
0xf: {  	_ =	strace $0x8FFFFFFF  }
0x10: {  	s20 =	sld [smem:$0x3FDB];
	_ =	sdelay $0x1  }
0x11: {  	s4 =	simm.s32 $_scs_section_size  }
0x12: {  	s5 =	simm.s32 $_size__tile_overlayer_lowered;
	s6 =	simm.s32 $_tile_overlayer_lowered  }
0x13: {  	s23 =	simm.s32 $0x1BFF;
	s22 =	sshll.u32 s6, $0x1;
	s3 =	sadd.s32 s4, s20  }
0x14: {  	s7 =	simm.s32 $0x0;
	s21 =	sshll.u32 s5, $0x1;
	s5 =	sadd.s32 s22, s3  }
0x15: {  	[timem:s7], [sflag:s23] =	dma.local [hbm:s5], s21  }
0x16: {  	_ =	swait.ge [sflag:s23], s21  }
0x17: {  	s4 =	ssub.s32 $0x0, s21;
	[sflag:s23] =	ssyncset.done $0x0  }
0x18: {  	[sflag:s23] =	ssyncadd.s32 s4;
	_ =	sdelay $0x1  }
0x19: {  	s24 =	simm.s32 $0x1B8B  }
0x1a: {  	_ =	swait.ge [sflag:s24], $0x1  }
0x1b: {  	[sflag:s24] =	ssyncset.done $0x0  }
0x1c: {  	s26 =	simm.s32 $0x1B8E;
	s25 =	sld [smem:$0x3FFE];
	[sflag:s24] =	ssyncadd.s32 $0xFFFFFFFF  }
0x1d: {  	s27 =	simm.s32 $execute0_lowered;
	[smem:$0x3FD2] =	sst s26  }
0x1e: {  	s5 =	sshll.u32 s27, $0x1;
	_ =	strace $0x80000049;
	[dreg:$0x1] =	wrdreg $0xFFFFFFFF  }
0x1f: {  	s28 =	simm.s32 $_size_execute0_lowered;
	s3 =	sadd.s32 s3, s5;
	[dreg:$0x0] =	wrdreg $0x0  }
0x20: {  	s5 =	sshll.u32 s28, $0x1;
	[dreg:$0x2] =	wrdreg s3  }
0x21: {  	[dreg:$0x3] =	wrdreg s5  }
0x22: {  	[dreg:$0x4] =	wrdreg $0xC0  }
0x23: {  	_ =	task [dreg:s7], $0x5FFFF  }
0x24: {  	[dreg:$0x1] =	wrdreg $0xFFFFFFFF  }
0x25: {  	[dreg:$0x0] =	wrdreg $0x60  }
0x26: {  	[dreg:$0x2] =	wrdreg s25  }
0x27: {  	[dreg:$0x3] =	wrdreg s2  }
0x28: {  	[dreg:$0x4] =	wrdreg $0x9  }
0x29: {  	_ =	task.clear_ibuf [dreg:s7], $0x5FFFF;
	_ =	strace $0x90000049  }
0x2a: {  	s29 =	simm.s32 $0x9;
	_ =	strace $0x8000004B  }
0x2b: {  	_ =	swait.ge [sflag:s29], $0x1  }
0x2c: {  	[sflag:s29] =	ssyncadd.s32 $0xFFFFFFFF  }
0x2d: {  	_ =	strace $0x9000004B  }
0x2e: {  	_ =	sfence  }
0x2f: {  	s30 =	sld [smem:$0x0];
	_ =	sdelay $0x2  }
0x30: {  	s31 =	sshll.u32 s1, $0xD;
	s1 =	sshrl.u32 s1, $0x2  }
0x31: {  	s3 =	sand.u32 $0x4000, s31;
	s1 =	sadd.s32 s1, s30  }
0x32: {  	s0 =	sor.u32 s3, s0;
	s1 =	sshll.u32 s1, $0x11  }
0x33: {  	s0 =	sor.u32 s1, s0  }
0x34: {  	s0 =	sadd.s32 $0x8F2B, s0  }
0x35: {  	[sflag:s0] =	ssyncadd.remote.s32 $0x1  }
0x36: {  	_ =	sfence.sel $0xFFFF  }
0x37: {  	[dreg:$0x0] =	wrdreg $0xFFFFFFFF;
	(pc) =	sbr.abs _section_cstart, $3  }
0x38: {  	[dreg:$0x1] =	wrdreg $0xFFFFFFFF  }
0x39: {  	_ =	task.clear_ibuf [dreg:s7], $0x2FFFF;
	_ =	strace $0x9FFFFFFF  }
0x3a: {  	(tm) =	ssettm $0x7FFFFFFF  }
0x3b: {  	_ =	shalt  }
tec
execute0_lowered:
.L_overlay_start_1:
0x0: {  	(tag) =	ssettag $0x1  }
0x1: {  	s0 =	srdreg.scid  }
0x2: {  	s1 =	sshll.u32 s0, $0x4  }
0x3: {  	s0 =	stileid.u32;
	s1 =	sand.u32 $0x10, s1  }
0x4: {  	s1 =	sor.u32 s0, s1  }
0x5: {  	s6 =	rddreg [dreg:$0x0];
	s4 =	simm.s32 $0x1;
	s2 =	sshll.u32 s1, $0x7  }
0x6: {  	s7 =	simm.s32 $0x2;
	s12 =	simm.s32 $0x0;
	s1 =	ssub.s32 $0x4000, s2  }
0x7: {  	s8 =	simm.s32 $0x20000;
	s13 =	simm.s32 $0x0;
	s3 =	sand.u32 $0xF80, s1  }
0x8: {  	s9 =	simm.s32 $0x0;
	s5 =	sshrl.u32 s1, $0xC;
	p0 =	sne.s32 s3, $0x0  }
.Ltmp0:
0x9: {  	s1 =	rddreg [dreg:$0x2];
	s4 =	simm.s32 @!p0 $0x0;
	(pc) =	sbr.rel .LBB1_1-.Ltmp0, $4  }
0xa: {  	s11 =	simm.s32 $0x0;
	s3 =	rddreg [dreg:$0x1];
	s5 =	sadd.s32 s4, s5  }
0xb: {  	_ =	strace $0x8000004A;
	s4 =	simm.s32 $0x1;
	s5 =	smul.u32 $0x32, s5  }
0xc: {  	s6 =	sadd.s32 $0xA00, s6;
	s10 =	smov.u32 s2;
	[sflag:s4] =	ssyncpa.u1 $0x0  }
0xd: {  	p0 =	por $0x0, $0x0;
	[sflag:s7] =	ssyncpa.u1 $0x0;
	s7 =	sor.u32 $0x1, s5  }
.LBB1_4:
0xe: {  	s16 =	sshll.u32 s13, $0x3;
	s17 =	sand.u32 $0x78, s13  }
0xf: {  	s30 =	sand.u32 $0xF800, s13;
	s12 =	sshll.u32 s12, $0x10;
	s16 =	sand.u32 $0x3C00, s16  }
0x10: {  	s31 =	sand.u32 $0x7, s13;
	s16 =	sor.u32 s17, s16;
	s17 =	sadd.s32 s3, s30  }
0x11: {  	s13 =	sshll.u32 s31, $0x12;
	s16 =	sshrl.u32 s16, $0x3;
	s12 =	sadd.s32 s12, s17  }
0x12: {  	[tilespmem:s15+$0x0 ss:$0x81] =	vst.msk $0xffff, v0;
	s13 =	sor.u32 $0x400, s13;
	s12 =	sadd.s32 s16, s12  }
0x13: {  	[hbm4b:s12+s13] =	stream.strided.scatter [tilespmem:s14], [sflag:$0x2], $0x1000, s8, s13, $0x20;
	[tilespmem:$0x4040] =	vst v63  }
.LBB1_5:
0x14: {  	s14 =	sadd.s32 $0x1, s9  }
0x15: {  	s12 =	sadd.s32 $0x1000, s10;
	s16 =	smov.u32 s10;
	p2 =	sgt.s32 s14, $0x31  }
0x16: {  	s16 =	smov.u32 @p2 s12  }
0x17: {  	s14 =	simm.s32 @p2 $0x0;
	p2 =	sgt.s32 s16, $0x3FFF  }
0x18: {  	s16 =	smov.u32 @p2 s2;
	p2 =	sne.s32 s11, s7  }
.Ltmp1:
0x19: {  	p1 =	slt.u32 s11, $0x2;
	(pc) =	sbr.rel @!p2 .LBB1_6-.Ltmp1, $4  }
0x1a: {  	s15 =	simm.s32 @!p1 $0x2  }
0x1b: {  	s13 =	smov.u32 s10;
	p0 =	por !p0, !p0;
	_ =	swait.ge @!p1 [sflag:s15], $0x1000  }
0x1c: {  	s12 =	smov.u32 s9;
	[sflag:s15] =	ssyncset.done @!p1 $0x0;
	s9 =	smov.u32 s14  }
0x1d: {  	s11 =	sadd.s32 $0x1, s11;
	[sflag:s15] =	ssyncadd.s32 @!p1 $0xFFFFF000;
	s10 =	smov.u32 s16  }
.LBB1_1:
0x1e: {  	p1 =	sge.u32 s11, s5  }
0x1f: {  	s14 =	sand.u32 @!p1 $0x1FFFFFF, s9  }
0x20: {  	s15 =	smulhi.u32 @!p1 $0x4924925, s14;
	_ =	sdelay $0x1  }
0x21: {  	s15 =	smul.u32 @!p1 $0x38, s15  }
0x22: {  	s16 =	sxor.u32 @!p1 $0xFFFFFFFF, s11;
	s17 =	smul.u32 @!p1 $0x380, s10  }
0x23: {  	s31 =	sadd.s32 $0xFFFFFFFF, s11;
	s16 =	sshll.u32 @!p1 s16, $0xC;
	s14 =	ssub.s32 @!p1 s14, s15  }
0x24: {  	s15 =	sand.u32 @!p1 $0x1000, s16;
	s16 =	sadd.s32 @!p1 s6, s17;
	s14 =	sshll.u32 @!p1 s14, $0x4  }
0x25: {  	s17 =	simm.s32 @!p1 $0x1C00;
	s14 =	sadd.s32 @!p1 s14, s16;
	s16 =	simm.s32 @!p1 $0x20  }
0x26: {  	[tilespmem:s15], [sflag:$0x1] =	stream.strided.gather @!p1 [hbm4b:s14+s16], $0x1000, s17, s16, $0x38;
	[tilespmem:$0x4040] =	vst v63  }
0x27: {  	p1 =	sge.u32 s31, s5  }
.Ltmp2:
0x28: {  	_ = 	snop;
	(pc) =	sbr.rel @p1 .LBB1_5-.Ltmp2, $1  }
0x29: {  	_ =	sdelay $0x3  }
0x2a: {  	s14 =	simm.s32 $0x1  }
0x2b: {  	_ =	swait.ge [sflag:s4], $0x1000;
	s14 =	simm.s32 @!p0 $0x0  }
0x2c: {  	[sflag:s4] =	ssyncset.done $0x0;
	s15 =	sshll.u32 s14, $0xC  }
0x2d: {  	[sflag:s4] =	ssyncadd.s32 $0xFFFFF000;
	s18 =	sor.u32 $0x10, s15  }
0x2e: {  	s14 =	smul.u32 $0x4080, s14;
	v1 =	vld [tilespmem:s18+$0x0]  }
0x2f: {  	s30 =	sand.u32 $0x1, s11;
	v0 =	vld [tilespmem:s18+$0xFFFFFFF0]  }
0x30: {  	s15 =	smul.u32 $0x4080, s30;
	s14 =	sshrl.u32 s14, $0x2  }
0x31: {  	s16 =	sor.u32 $0x2000, s14  }
0x32: {  	s31 =	sshrl.u32 s15, $0x2;
	s15 =	sadd.s32 $0x0, s16  }
0x33: {  	s17 =	simm.s32 $0x4;
	s18 =	sadd.s32 $0x20, s18;
	s14 =	sor.u32 $0x2000, s31;
	[tilespmem:s15+$0x810 ss:$0x81] =	vst.msk $0xffff, v1  }
.LBB1_3:
0x34: {  	v1 =	vld [tilespmem:s18+$0x0];
	p1 =	sne.s32 s17, $0x1FC;
	[tilespmem:s15+$0x0 ss:$0x81] =	vst.msk $0xffff, v0;
	s15 =	smov.u32 s17;
	s17 =	sadd.s32 $0x4, s17  }
.Ltmp3:
0x35: {  	v0 =	vld [tilespmem:s18+$0xFFFFFFF0];
	(pc) =	sbr.rel @p1 .LBB1_3-.Ltmp3, $4  }
0x36: {  	_ = 	snop  }
0x37: {  	s15 =	sshra.s32 s15, $0x2  }
0x38: {  	s15 =	sadd.s32 s15, s16  }
0x39: {  	s18 =	sadd.s32 $0x20, s18;
	[tilespmem:s15+$0x810 ss:$0x81] =	vst.msk $0xffff, v1  }
.Ltmp4:
0x3a: {  	_ = 	snop;
	(pc) =	sbr.rel .LBB1_4-.Ltmp4, $1  }
0x3b: {  	_ =	sdelay $0x3  }
.LBB1_6:
0x3c: {  	_ =	sfence.sel $0x180000  }
0x3d: {  	s2 =	simm.s32 $0x1;
	[bflag:$0x0] =	sbarrier.arrive $0xFFFF  }
0x3e: {  	s31 =	simm.s32 $0x2;
	[sflag:s2] =	ssyncpa.u1 $0x1  }
0x3f: {  	[sflag:s31] =	ssyncpa.u1 $0x1  }
0x40: {  	p0 =	sne.s32 s0, $0x0;
	_ =	strace $0x9000004A  }
0x41: {  	s0 =	sadd.s32 @!p0 $0x100000, s1;
	[bflag:$0x2] =	sbarrier.arrive $0xFFFF  }
0x42: {  	[sflag:s0] =	ssyncadd.tile.s32 @!p0 $0x1;
	_ =	shalt  }
.Lfunc_end1:
_tile_overlayer_lowered:
.L_overlay_start_2:
0x43: {  	(tag) =	ssettag $0x2  }
0x44: {  	s0 =	rddreg [dreg:$0x0];
	s2 =	stileid.u32  }
0x45: {  	s1 =	rddreg [dreg:$0x1];
	p0 =	sne.s32 s2, $0x0  }
0x46: {  	s3 =	rddreg [dreg:$0x2];
	[bflag:$0x3] =	sbarrier.arrive $0xFFFF;
	s2 =	simm.s32 @!p0 $0x1C01  }
0x47: {  	[timem:s3], [sflag:s2] =	dma.local @!p0 [hbm:s0], s1  }
0x48: {  	s0 =	simm.s32 @!p0 $0x1  }
0x49: {  	_ =	swait.ge @!p0 [sflag:s0], s1  }
0x4a: {  	s1 =	ssub.s32 @!p0 $0x0, s1;
	[sflag:s0] =	ssyncset.done @!p0 $0x0  }
0x4b: {  	[sflag:s0] =	ssyncadd.s32 @!p0 s1  }
0x4c: {  	[bflag:$0x3] =	sbarrier.arrive $0xFFFF  }
0x4d: {  	_ =	shalt  }

</sc_bundles>
